<compile_context>
chip_gen: v7x
topology: tpu7x:2x2x1
jax: 0.10.2.dev20260603
libtpu: 0.0.44.dev20260713+nightly
codegen_flags: <defaults>
</compile_context>

<pallas_src>
import dataclasses
import functools
import math

import jax
import jax.numpy as jnp
from jax import lax
from jax.experimental import pallas as pl
from jax.experimental.pallas import tpu as pltpu
from jax.experimental.pallas import tpu_sc as plsc

_INV_TEMP = 1.0 / math.e
_ACTIVE_RATIO = 0.7


def _gate_block(x_ref, w_ref, o_ref):
    o_ref[...] = jax.lax.dot_general(
        x_ref[...], w_ref[...],
        (((1,), (1,)), ((), ())),
        preferred_element_type=jnp.float32,
    ) * _INV_TEMP


def _merge_lo(a, b):
    return jnp.sort(jnp.minimum(a, lax.rev(b, (0,))))


def _merge_hi(a, b):
    return jnp.sort(jnp.maximum(a, lax.rev(b, (0,))))


def _sc_route(N, E, C, n_drop):
    NW = 32
    per_w = N // NW
    n_chunks = per_w // C
    mesh = plsc.VectorSubcoreMesh(
        core_axis_name="c", subcore_axis_name="s",
        num_cores=2, num_subcores=16,
    )

    cp = pltpu.CompilerParams()
    if "needs_layout_passes" in pltpu.CompilerParams.__dataclass_fields__:
        cp = dataclasses.replace(cp, needs_layout_passes=False)

    @functools.partial(
        pl.kernel,
        out_type=jax.ShapeDtypeStruct((N, E), jnp.float32),
        mesh=mesh,
        compiler_params=cp,
        scratch_types=[
            pltpu.VMEM((2, C, E), jnp.float32),
            pltpu.VMEM((2, C, E), jnp.float32),
            pltpu.SemaphoreType.DMA((2,)),
            pltpu.SemaphoreType.DMA((2,)),
        ],
    )
    def route(s_hbm, o_hbm, s_v, o_v, in_sem, out_sem):
        wid = lax.axis_index("s") * 2 + lax.axis_index("c")
        base = wid * per_w

        def start_in(ci, slot):
            return pltpu.async_copy(
                s_hbm.at[pl.ds(base + ci * C, C)], s_v.at[slot], in_sem.at[slot])

        def start_out(ci, slot):
            return pltpu.async_copy(
                o_v.at[slot], o_hbm.at[pl.ds(base + ci * C, C)], out_sem.at[slot])

        copies_in = [start_in(0, 0)]
        copies_out = [None, None]
        for ci in range(n_chunks):
            slot = ci % 2
            if ci + 1 < n_chunks:
                copies_in.append(start_in(ci + 1, (ci + 1) % 2))
            copies_in[ci].wait()
            if copies_out[slot] is not None:
                copies_out[slot].wait()
            s_c = s_v.at[slot]
            o_c = o_v.at[slot]

            @pl.loop(0, C)
            def _(t):
                s0 = s_c[t, 0:16]
                s1 = s_c[t, 16:32]
                s2 = s_c[t, 32:48]
                s3 = s_c[t, 48:64]
                v0 = jnp.sort(s0)
                v1 = jnp.sort(s1)
                v2 = jnp.sort(s2)
                v3 = jnp.sort(s3)
                lo01 = _merge_lo(v0, v1)
                hi01 = _merge_hi(v0, v1)
                lo23 = _merge_lo(v2, v3)
                hi23 = _merge_hi(v2, v3)
                h1 = _merge_hi(lo01, lo23)
                l2 = _merge_lo(h1, hi01)
                l3 = _merge_lo(l2, hi23)
                thr = l3[n_drop - 16]
                e0 = jnp.where(s0 >= thr, jnp.exp(s0), 0.0)
                e1 = jnp.where(s1 >= thr, jnp.exp(s1), 0.0)
                e2 = jnp.where(s2 >= thr, jnp.exp(s2), 0.0)
                e3 = jnp.where(s3 >= thr, jnp.exp(s3), 0.0)
                tot = jnp.sum(e0 + e1 + e2 + e3, axis=0)
                o_c[t, 0:16] = e0 / tot
                o_c[t, 16:32] = e1 / tot
                o_c[t, 32:48] = e2 / tot
                o_c[t, 48:64] = e3 / tot

            copies_out[slot] = start_out(ci, slot)

        for cp_out in copies_out:
            if cp_out is not None:
                cp_out.wait()

    return route


def kernel(x, W):
    B, S, H = x.shape
    E = W.shape[0]
    N = B * S
    n_drop = E - max(1, int(E * _ACTIVE_RATIO))
    T = 512
    xf = x.reshape(N, H)

    scores = pl.pallas_call(
        _gate_block,
        grid=(N // T,),
        in_specs=[
            pl.BlockSpec((T, H), lambda i: (i, 0)),
            pl.BlockSpec((E, H), lambda i: (0, 0)),
        ],
        out_specs=pl.BlockSpec((T, E), lambda i: (i, 0)),
        out_shape=jax.ShapeDtypeStruct((N, E), jnp.float32),
        compiler_params=pltpu.CompilerParams(
            dimension_semantics=("arbitrary",),
        ),
    )(xf, W)

    return _sc_route(N, E, 256, n_drop)(scores).reshape(B, S, E)

# --- scband reference (transcript-rebuilt; emitter-appended) ---
"""Pipeline reference for scband-boltzmann-router-84619445666056 (READ-ONLY COPY).

The authoritative reference and input builder live on the scoring server;
editing this copy changes nothing except your own understanding.
"""

import jax, jax.numpy as jnp
import numpy as np
import math

HIDDEN_DIM = 768
N_EXPERTS = 64
TEMPERATURE = math.e
ACTIVE_RATIO = 0.7


def setup_inputs(seed: int = 0) -> dict:
    key = jax.random.key(seed)
    k1, k2 = jax.random.split(key)
    x = jax.random.normal(k1, (4, 8192, HIDDEN_DIM), dtype=jnp.float32)
    # xavier_uniform for gate weight of shape (n_experts, hidden_dim)
    limit = math.sqrt(6.0 / (HIDDEN_DIM + N_EXPERTS))
    W = jax.random.uniform(k2, (N_EXPERTS, HIDDEN_DIM), dtype=jnp.float32, minval=-limit, maxval=limit)
    return {"x": x, "W": W}


def reference(x, W):
    n_experts = W.shape[0]
    n_active = max(1, int(n_experts * ACTIVE_RATIO))
    # gate: linear without bias -> scores (b, s, E)
    scores = jnp.einsum('bsh,eh->bse', x, W) / TEMPERATURE
    probs = jax.nn.softmax(scores, axis=-1)
    topk_vals, topk_idx = jax.lax.top_k(probs, n_active)
    # scatter 1.0 at top-k positions along last dim
    mask = jax.nn.one_hot(topk_idx, n_experts, dtype=probs.dtype).sum(axis=-2)
    weights = probs * mask
    weights = weights / (weights.sum(axis=-1, keepdims=True) + 1e-08)
    return weights

if __name__ == "__main__":
    import jax
    _d = setup_inputs()
    print(jax.jit(kernel)(*tuple(_d.values())))

</pallas_src>

<mosaic_0001>
#map = affine_map<(d0, d1) -> (0, 0)>
module attributes {stable_mosaic.version = 14 : i64} {
  func.func @route(%arg0: i32, %arg1: i32, %arg2: memref<32768x64xf32, #tpu.memory_space<hbm>>, %arg3: memref<32768x64xf32, #tpu.memory_space<hbm>>, %arg4: memref<2x256x64xf32, #tpu.memory_space<vmem>>, %arg5: memref<2x256x64xf32, #tpu.memory_space<vmem>>, %arg6: memref<2x!tpu.dma_semaphore, #tpu.memory_space<semaphore_mem>>, %arg7: memref<2x!tpu.dma_semaphore, #tpu.memory_space<semaphore_mem>>) attributes {dimension_semantics = [#tpu.dimension_semantics<core_parallel>, #tpu.dimension_semantics<subcore_parallel>], iteration_bounds = array<i64: 2, 16>, scalar_prefetch = 0 : i64, scratch_operands = 4 : i64, tpu.core_type = #tpu.core_type<sc_vector_subcore>, window_params = [{transform_indices = #map}, {transform_indices = #map}]} {
    %mul3A = arith.constant 2 : i32
    %mul3A_0 = arith.muli %arg1, %mul3A : i32
    %add3A = arith.addi %mul3A_0, %arg0 : i32
    %mul3A_1 = arith.constant 1024 : i32
    %mul3A_2 = arith.muli %add3A, %mul3A_1 : i32
    %add3A_3 = arith.constant 0 : i32
    %add3A_4 = arith.addi %mul3A_2, %add3A_3 : i32
    %dma_start3A = arith.constant 0 : i32
    %dma_start3A_5 = arith.constant 0 : i32
    %dma_start3A_6 = arith.constant 0 : i32
    %dma_start3A_7 = arith.constant 0 : i32
    %dma_start3A_8 = tpu.memref_slice %arg4[%dma_start3A, %dma_start3A_6, %dma_start3A_7] : memref<2x256x64xf32, #tpu.memory_space<vmem>> -> memref<1x256x64xf32, #tpu.memory_space<vmem>>
    %dma_start3A_9 = tpu.memref_squeeze %dma_start3A_8 : memref<1x256x64xf32, #tpu.memory_space<vmem>> -> memref<256x64xf32, #tpu.memory_space<vmem>>
    %dma_start3A_10 = arith.constant 0 : i32
    %dma_start3A_11 = tpu.memref_slice %arg2[%add3A_4, %dma_start3A_10] : memref<32768x64xf32, #tpu.memory_space<hbm>> -> memref<256x64xf32, #tpu.memory_space<hbm>>
    %dma_start3A_12 = tpu.memref_slice %arg6[%dma_start3A_5] : memref<2x!tpu.dma_semaphore, #tpu.memory_space<semaphore_mem>> -> memref<1x!tpu.dma_semaphore, #tpu.memory_space<semaphore_mem>>
    %dma_start3A_13 = tpu.memref_squeeze %dma_start3A_12 : memref<1x!tpu.dma_semaphore, #tpu.memory_space<semaphore_mem>> -> memref<!tpu.dma_semaphore, #tpu.memory_space<semaphore_mem>>
    %dma_start3A_14 = arith.constant 0 : i32
    %dma_start3A_15 = arith.constant 0 : i32
    %dma_start3A_16 = tpu.memref_slice %arg4[%dma_start3A, %dma_start3A_14, %dma_start3A_15] : memref<2x256x64xf32, #tpu.memory_space<vmem>> -> memref<1x256x64xf32, #tpu.memory_space<vmem>>
    %dma_start3A_17 = tpu.memref_squeeze %dma_start3A_16 : memref<1x256x64xf32, #tpu.memory_space<vmem>> -> memref<256x64xf32, #tpu.memory_space<vmem>>
    %dma_start3A_18 = arith.constant 0 : i32
    %dma_start3A_19 = tpu.memref_slice %arg2[%add3A_4, %dma_start3A_18] : memref<32768x64xf32, #tpu.memory_space<hbm>> -> memref<256x64xf32, #tpu.memory_space<hbm>>
    tpu.enqueue_dma source(%dma_start3A_19 : memref<256x64xf32, #tpu.memory_space<hbm>>) target(%dma_start3A_17 : memref<256x64xf32, #tpu.memory_space<vmem>>) target_semaphore(%dma_start3A_13 : memref<!tpu.dma_semaphore, #tpu.memory_space<semaphore_mem>>)
    %add3A_20 = arith.constant 256 : i32
    %add3A_21 = arith.addi %mul3A_2, %add3A_20 : i32
    %dma_start3A_22 = arith.constant 1 : i32
    %dma_start3A_23 = arith.constant 1 : i32
    %dma_start3A_24 = arith.constant 0 : i32
    %dma_start3A_25 = arith.constant 0 : i32
    %dma_start3A_26 = tpu.memref_slice %arg4[%dma_start3A_22, %dma_start3A_24, %dma_start3A_25] : memref<2x256x64xf32, #tpu.memory_space<vmem>> -> memref<1x256x64xf32, #tpu.memory_space<vmem>>
    %dma_start3A_27 = tpu.memref_squeeze %dma_start3A_26 : memref<1x256x64xf32, #tpu.memory_space<vmem>> -> memref<256x64xf32, #tpu.memory_space<vmem>>
    %dma_start3A_28 = arith.constant 0 : i32
    %dma_start3A_29 = tpu.memref_slice %arg2[%add3A_21, %dma_start3A_28] : memref<32768x64xf32, #tpu.memory_space<hbm>> -> memref<256x64xf32, #tpu.memory_space<hbm>>
    %dma_start3A_30 = tpu.memref_slice %arg6[%dma_start3A_23] : memref<2x!tpu.dma_semaphore, #tpu.memory_space<semaphore_mem>> -> memref<1x!tpu.dma_semaphore, #tpu.memory_space<semaphore_mem>>
    %dma_start3A_31 = tpu.memref_squeeze %dma_start3A_30 : memref<1x!tpu.dma_semaphore, #tpu.memory_space<semaphore_mem>> -> memref<!tpu.dma_semaphore, #tpu.memory_space<semaphore_mem>>
    %dma_start3A_32 = arith.constant 0 : i32
    %dma_start3A_33 = arith.constant 0 : i32
    %dma_start3A_34 = tpu.memref_slice %arg4[%dma_start3A_22, %dma_start3A_32, %dma_start3A_33] : memref<2x256x64xf32, #tpu.memory_space<vmem>> -> memref<1x256x64xf32, #tpu.memory_space<vmem>>
    %dma_start3A_35 = tpu.memref_squeeze %dma_start3A_34 : memref<1x256x64xf32, #tpu.memory_space<vmem>> -> memref<256x64xf32, #tpu.memory_space<vmem>>
    %dma_start3A_36 = arith.constant 0 : i32
    %dma_start3A_37 = tpu.memref_slice %arg2[%add3A_21, %dma_start3A_36] : memref<32768x64xf32, #tpu.memory_space<hbm>> -> memref<256x64xf32, #tpu.memory_space<hbm>>
    tpu.enqueue_dma source(%dma_start3A_37 : memref<256x64xf32, #tpu.memory_space<hbm>>) target(%dma_start3A_35 : memref<256x64xf32, #tpu.memory_space<vmem>>) target_semaphore(%dma_start3A_31 : memref<!tpu.dma_semaphore, #tpu.memory_space<semaphore_mem>>)
    %dma_wait3A = arith.constant 0 : i32
    %dma_wait3A_38 = arith.constant 0 : i32
    %dma_wait3A_39 = arith.constant 0 : i32
    %dma_wait3A_40 = arith.constant 0 : i32
    %dma_wait3A_41 = tpu.memref_slice %arg4[%dma_wait3A, %dma_wait3A_39, %dma_wait3A_40] : memref<2x256x64xf32, #tpu.memory_space<vmem>> -> memref<1x256x64xf32, #tpu.memory_space<vmem>>
    %dma_wait3A_42 = tpu.memref_squeeze %dma_wait3A_41 : memref<1x256x64xf32, #tpu.memory_space<vmem>> -> memref<256x64xf32, #tpu.memory_space<vmem>>
    %dma_wait3A_43 = arith.constant 0 : i32
    %dma_wait3A_44 = tpu.memref_slice %arg2[%add3A_4, %dma_wait3A_43] : memref<32768x64xf32, #tpu.memory_space<hbm>> -> memref<256x64xf32, #tpu.memory_space<hbm>>
    %dma_wait3A_45 = tpu.memref_slice %arg6[%dma_wait3A_38] : memref<2x!tpu.dma_semaphore, #tpu.memory_space<semaphore_mem>> -> memref<1x!tpu.dma_semaphore, #tpu.memory_space<semaphore_mem>>
    %dma_wait3A_46 = tpu.memref_squeeze %dma_wait3A_45 : memref<1x!tpu.dma_semaphore, #tpu.memory_space<semaphore_mem>> -> memref<!tpu.dma_semaphore, #tpu.memory_space<semaphore_mem>>
    %dma_wait3A_47 = arith.constant 0 : i32
    %dma_wait3A_48 = arith.constant 0 : i32
    %dma_wait3A_49 = tpu.memref_slice %arg4[%dma_wait3A, %dma_wait3A_47, %dma_wait3A_48] : memref<2x256x64xf32, #tpu.memory_space<vmem>> -> memref<1x256x64xf32, #tpu.memory_space<vmem>>
    %dma_wait3A_50 = tpu.memref_squeeze %dma_wait3A_49 : memref<1x256x64xf32, #tpu.memory_space<vmem>> -> memref<256x64xf32, #tpu.memory_space<vmem>>
    %dma_wait3A_51 = arith.constant 0 : i32
    %dma_wait3A_52 = tpu.memref_slice %arg2[%add3A_4, %dma_wait3A_51] : memref<32768x64xf32, #tpu.memory_space<hbm>> -> memref<256x64xf32, #tpu.memory_space<hbm>>
    tpu.wait_dma2 semaphore(%dma_wait3A_46 : memref<!tpu.dma_semaphore, #tpu.memory_space<semaphore_mem>>) src(%dma_wait3A_52 : memref<256x64xf32, #tpu.memory_space<hbm>>) dst(%dma_wait3A_50 : memref<256x64xf32, #tpu.memory_space<vmem>>)
    %scan3A = arith.constant 0 : i32
    %scan3A_53 = arith.constant 0 : i32
    %scan3A_54 = arith.constant 0 : i32
    %scan3A_55 = arith.constant 256 : i32
    %scan3A_56 = arith.addi %scan3A_54, %scan3A_55 : i32
    %scan3A_57 = arith.constant 1 : i32
    scf.for %scan3A_300 = %scan3A_54 to %scan3A_56 step %scan3A_57  : i32 {
      %mul3A_301 = arith.constant 1 : i32
      %mul3A_302 = arith.muli %scan3A_300, %mul3A_301 : i32
      %add3A_303 = arith.constant 0 : i32
      %add3A_304 = arith.addi %add3A_303, %mul3A_302 : i32
      %get3A = arith.constant 0 : i32
      %get3A_305 = arith.constant 0 : i32
      %get3A_306 = tpu.memref_slice %arg4[%scan3A, %get3A, %get3A_305] : memref<2x256x64xf32, #tpu.memory_space<vmem>> -> memref<1x256x64xf32, #tpu.memory_space<vmem>>
      %get3A_307 = tpu.memref_squeeze %get3A_306 : memref<1x256x64xf32, #tpu.memory_space<vmem>> -> memref<256x64xf32, #tpu.memory_space<vmem>>
      %get3A_308 = arith.index_cast %add3A_304 : i32 to index
      %get3A_309 = arith.constant 0 : index
      %get3A_310 = tpu.vector_load %get3A_307[%get3A_308, %get3A_309] {strides = array<i32>} : memref<256x64xf32, #tpu.memory_space<vmem>>, vector<16xf32>,
      %get3A_311 = arith.constant 0 : i32
      %get3A_312 = arith.constant 0 : i32
      %get3A_313 = tpu.memref_slice %arg4[%scan3A, %get3A_311, %get3A_312] : memref<2x256x64xf32, #tpu.memory_space<vmem>> -> memref<1x256x64xf32, #tpu.memory_space<vmem>>
      %get3A_314 = tpu.memref_squeeze %get3A_313 : memref<1x256x64xf32, #tpu.memory_space<vmem>> -> memref<256x64xf32, #tpu.memory_space<vmem>>
      %get3A_315 = arith.index_cast %add3A_304 : i32 to index
      %get3A_316 = arith.constant 16 : index
      %get3A_317 = tpu.vector_load %get3A_314[%get3A_315, %get3A_316] {strides = array<i32>} : memref<256x64xf32, #tpu.memory_space<vmem>>, vector<16xf32>,
      %get3A_318 = arith.constant 0 : i32
      %get3A_319 = arith.constant 0 : i32
      %get3A_320 = tpu.memref_slice %arg4[%scan3A, %get3A_318, %get3A_319] : memref<2x256x64xf32, #tpu.memory_space<vmem>> -> memref<1x256x64xf32, #tpu.memory_space<vmem>>
      %get3A_321 = tpu.memref_squeeze %get3A_320 : memref<1x256x64xf32, #tpu.memory_space<vmem>> -> memref<256x64xf32, #tpu.memory_space<vmem>>
      %get3A_322 = arith.index_cast %add3A_304 : i32 to index
      %get3A_323 = arith.constant 32 : index
      %get3A_324 = tpu.vector_load %get3A_321[%get3A_322, %get3A_323] {strides = array<i32>} : memref<256x64xf32, #tpu.memory_space<vmem>>, vector<16xf32>,
      %get3A_325 = arith.constant 0 : i32
      %get3A_326 = arith.constant 0 : i32
      %get3A_327 = tpu.memref_slice %arg4[%scan3A, %get3A_325, %get3A_326] : memref<2x256x64xf32, #tpu.memory_space<vmem>> -> memref<1x256x64xf32, #tpu.memory_space<vmem>>
      %get3A_328 = tpu.memref_squeeze %get3A_327 : memref<1x256x64xf32, #tpu.memory_space<vmem>> -> memref<256x64xf32, #tpu.memory_space<vmem>>
      %get3A_329 = arith.index_cast %add3A_304 : i32 to index
      %get3A_330 = arith.constant 48 : index
      %get3A_331 = tpu.vector_load %get3A_328[%get3A_329, %get3A_330] {strides = array<i32>} : memref<256x64xf32, #tpu.memory_space<vmem>>, vector<16xf32>,
      %sort3A = arith.constant dense<true> : vector<16xi1>
      %sort3A_332, %sort3A_333, %sort3A_334 = tpu.sort %get3A_310, %get3A_310 masked %sort3A : (vector<16xf32>, vector<16xf32>, vector<16xi1>) -> (vector<16xi1>, vector<16xf32>, vector<16xf32>)
      %sort3A_335 = arith.constant dense<true> : vector<16xi1>
      %sort3A_336, %sort3A_337, %sort3A_338 = tpu.sort %get3A_317, %get3A_317 masked %sort3A_335 : (vector<16xf32>, vector<16xf32>, vector<16xi1>) -> (vector<16xi1>, vector<16xf32>, vector<16xf32>)
      %sort3A_339 = arith.constant dense<true> : vector<16xi1>
      %sort3A_340, %sort3A_341, %sort3A_342 = tpu.sort %get3A_324, %get3A_324 masked %sort3A_339 : (vector<16xf32>, vector<16xf32>, vector<16xi1>) -> (vector<16xi1>, vector<16xf32>, vector<16xf32>)
      %sort3A_343 = arith.constant dense<true> : vector<16xi1>
      %sort3A_344, %sort3A_345, %sort3A_346 = tpu.sort %get3A_331, %get3A_331 masked %sort3A_343 : (vector<16xf32>, vector<16xf32>, vector<16xi1>) -> (vector<16xi1>, vector<16xf32>, vector<16xf32>)
      %rev3A = arith.constant 15 : i32
      %rev3A_347 = vector.broadcast %rev3A : i32 to vector<16xi32>
      %rev3A_348 = tpu.iota {dimensions = array<i32: 0>} : vector<16xi32>
      %rev3A_349 = arith.subi %rev3A_347, %rev3A_348 : vector<16xi32>
      %rev3A_350 = tpu.dynamic_gather %sort3A_337[%rev3A_349] in [0] : vector<16xf32>, vector<16xi32> -> vector<16xf32>
      %min3A = arith.minimumf %sort3A_333, %rev3A_350 : vector<16xf32>
      %sort3A_351 = arith.constant dense<true> : vector<16xi1>
      %sort3A_352, %sort3A_353, %sort3A_354 = tpu.sort %min3A, %min3A masked %sort3A_351 : (vector<16xf32>, vector<16xf32>, vector<16xi1>) -> (vector<16xi1>, vector<16xf32>, vector<16xf32>)
      %rev3A_355 = arith.constant 15 : i32
      %rev3A_356 = vector.broadcast %rev3A_355 : i32 to vector<16xi32>
      %rev3A_357 = tpu.iota {dimensions = array<i32: 0>} : vector<16xi32>
      %rev3A_358 = arith.subi %rev3A_356, %rev3A_357 : vector<16xi32>
      %rev3A_359 = tpu.dynamic_gather %sort3A_337[%rev3A_358] in [0] : vector<16xf32>, vector<16xi32> -> vector<16xf32>
      %max3A = arith.maximumf %sort3A_333, %rev3A_359 : vector<16xf32>
      %sort3A_360 = arith.constant dense<true> : vector<16xi1>
      %sort3A_361, %sort3A_362, %sort3A_363 = tpu.sort %max3A, %max3A masked %sort3A_360 : (vector<16xf32>, vector<16xf32>, vector<16xi1>) -> (vector<16xi1>, vector<16xf32>, vector<16xf32>)
      %rev3A_364 = arith.constant 15 : i32
      %rev3A_365 = vector.broadcast %rev3A_364 : i32 to vector<16xi32>
      %rev3A_366 = tpu.iota {dimensions = array<i32: 0>} : vector<16xi32>
      %rev3A_367 = arith.subi %rev3A_365, %rev3A_366 : vector<16xi32>
      %rev3A_368 = tpu.dynamic_gather %sort3A_345[%rev3A_367] in [0] : vector<16xf32>, vector<16xi32> -> vector<16xf32>
      %min3A_369 = arith.minimumf %sort3A_341, %rev3A_368 : vector<16xf32>
      %sort3A_370 = arith.constant dense<true> : vector<16xi1>
      %sort3A_371, %sort3A_372, %sort3A_373 = tpu.sort %min3A_369, %min3A_369 masked %sort3A_370 : (vector<16xf32>, vector<16xf32>, vector<16xi1>) -> (vector<16xi1>, vector<16xf32>, vector<16xf32>)
      %rev3A_374 = arith.constant 15 : i32
      %rev3A_375 = vector.broadcast %rev3A_374 : i32 to vector<16xi32>
      %rev3A_376 = tpu.iota {dimensions = array<i32: 0>} : vector<16xi32>
      %rev3A_377 = arith.subi %rev3A_375, %rev3A_376 : vector<16xi32>
      %rev3A_378 = tpu.dynamic_gather %sort3A_345[%rev3A_377] in [0] : vector<16xf32>, vector<16xi32> -> vector<16xf32>
      %max3A_379 = arith.maximumf %sort3A_341, %rev3A_378 : vector<16xf32>
      %sort3A_380 = arith.constant dense<true> : vector<16xi1>
      %sort3A_381, %sort3A_382, %sort3A_383 = tpu.sort %max3A_379, %max3A_379 masked %sort3A_380 : (vector<16xf32>, vector<16xf32>, vector<16xi1>) -> (vector<16xi1>, vector<16xf32>, vector<16xf32>)
      %rev3A_384 = arith.constant 15 : i32
      %rev3A_385 = vector.broadcast %rev3A_384 : i32 to vector<16xi32>
      %rev3A_386 = tpu.iota {dimensions = array<i32: 0>} : vector<16xi32>
      %rev3A_387 = arith.subi %rev3A_385, %rev3A_386 : vector<16xi32>
      %rev3A_388 = tpu.dynamic_gather %sort3A_372[%rev3A_387] in [0] : vector<16xf32>, vector<16xi32> -> vector<16xf32>
      %max3A_389 = arith.maximumf %sort3A_353, %rev3A_388 : vector<16xf32>
      %sort3A_390 = arith.constant dense<true> : vector<16xi1>
      %sort3A_391, %sort3A_392, %sort3A_393 = tpu.sort %max3A_389, %max3A_389 masked %sort3A_390 : (vector<16xf32>, vector<16xf32>, vector<16xi1>) -> (vector<16xi1>, vector<16xf32>, vector<16xf32>)
      %rev3A_394 = arith.constant 15 : i32
      %rev3A_395 = vector.broadcast %rev3A_394 : i32 to vector<16xi32>
      %rev3A_396 = tpu.iota {dimensions = array<i32: 0>} : vector<16xi32>
      %rev3A_397 = arith.subi %rev3A_395, %rev3A_396 : vector<16xi32>
      %rev3A_398 = tpu.dynamic_gather %sort3A_362[%rev3A_397] in [0] : vector<16xf32>, vector<16xi32> -> vector<16xf32>
      %min3A_399 = arith.minimumf %sort3A_392, %rev3A_398 : vector<16xf32>
      %sort3A_400 = arith.constant dense<true> : vector<16xi1>
      %sort3A_401, %sort3A_402, %sort3A_403 = tpu.sort %min3A_399, %min3A_399 masked %sort3A_400 : (vector<16xf32>, vector<16xf32>, vector<16xi1>) -> (vector<16xi1>, vector<16xf32>, vector<16xf32>)
      %rev3A_404 = arith.constant 15 : i32
      %rev3A_405 = vector.broadcast %rev3A_404 : i32 to vector<16xi32>
      %rev3A_406 = tpu.iota {dimensions = array<i32: 0>} : vector<16xi32>
      %rev3A_407 = arith.subi %rev3A_405, %rev3A_406 : vector<16xi32>
      %rev3A_408 = tpu.dynamic_gather %sort3A_382[%rev3A_407] in [0] : vector<16xf32>, vector<16xi32> -> vector<16xf32>
      %min3A_409 = arith.minimumf %sort3A_402, %rev3A_408 : vector<16xf32>
      %sort3A_410 = arith.constant dense<true> : vector<16xi1>
      %sort3A_411, %sort3A_412, %sort3A_413 = tpu.sort %min3A_409, %min3A_409 masked %sort3A_410 : (vector<16xf32>, vector<16xf32>, vector<16xi1>) -> (vector<16xi1>, vector<16xf32>, vector<16xf32>)
      %slice3A = vector.extract_strided_slice %sort3A_412 {offsets = [4], sizes = [1], strides = [1]} : vector<16xf32> to vector<1xf32>
      %squeeze3A = vector.extract %slice3A[0] : f32 from vector<1xf32>
      %ge3A = vector.broadcast %squeeze3A : f32 to vector<16xf32>
      %ge3A_414 = arith.cmpf oge, %get3A_310, %ge3A : vector<16xf32>
      %exp3A = math.exp %get3A_310 : vector<16xf32>
      %jit3A = arith.constant 0.000000e+00 : f32
      %broadcast_in_dim3A = vector.broadcast %jit3A : f32 to vector<16xf32>
      %select_n3A = arith.select %ge3A_414, %exp3A, %broadcast_in_dim3A : vector<16xi1>, vector<16xf32>
      %ge3A_415 = vector.broadcast %squeeze3A : f32 to vector<16xf32>
      %ge3A_416 = arith.cmpf oge, %get3A_317, %ge3A_415 : vector<16xf32>
      %exp3A_417 = math.exp %get3A_317 : vector<16xf32>
      %jit3A_418 = arith.constant 0.000000e+00 : f32
      %broadcast_in_dim3A_419 = vector.broadcast %jit3A_418 : f32 to vector<16xf32>
      %select_n3A_420 = arith.select %ge3A_416, %exp3A_417, %broadcast_in_dim3A_419 : vector<16xi1>, vector<16xf32>
      %ge3A_421 = vector.broadcast %squeeze3A : f32 to vector<16xf32>
      %ge3A_422 = arith.cmpf oge, %get3A_324, %ge3A_421 : vector<16xf32>
      %exp3A_423 = math.exp %get3A_324 : vector<16xf32>
      %jit3A_424 = arith.constant 0.000000e+00 : f32
      %broadcast_in_dim3A_425 = vector.broadcast %jit3A_424 : f32 to vector<16xf32>
      %select_n3A_426 = arith.select %ge3A_422, %exp3A_423, %broadcast_in_dim3A_425 : vector<16xi1>, vector<16xf32>
      %ge3A_427 = vector.broadcast %squeeze3A : f32 to vector<16xf32>
      %ge3A_428 = arith.cmpf oge, %get3A_331, %ge3A_427 : vector<16xf32>
      %exp3A_429 = math.exp %get3A_331 : vector<16xf32>
      %jit3A_430 = arith.constant 0.000000e+00 : f32
      %broadcast_in_dim3A_431 = vector.broadcast %jit3A_430 : f32 to vector<16xf32>
      %select_n3A_432 = arith.select %ge3A_428, %exp3A_429, %broadcast_in_dim3A_431 : vector<16xi1>, vector<16xf32>
      %add3A_433 = arith.addf %select_n3A, %select_n3A_420 : vector<16xf32>
      %add3A_434 = arith.addf %add3A_433, %select_n3A_426 : vector<16xf32>
      %add3A_435 = arith.addf %add3A_434, %select_n3A_432 : vector<16xf32>
      %reduce_sum3A = arith.constant true
      %reduce_sum3A_436 = vector.broadcast %reduce_sum3A : i1 to vector<16xi1>
      %reduce_sum3A_437 = tpu.scan <sum>, %add3A_435 masked %reduce_sum3A_436 : vector<16xf32>, vector<16xi1> -> vector<16xf32>
      %reduce_sum3A_438 = vector.extract %reduce_sum3A_437[15] : f32 from vector<16xf32>
      %div3A = vector.broadcast %reduce_sum3A_438 : f32 to vector<16xf32>
      %div3A_439 = arith.divf %select_n3A, %div3A : vector<16xf32>
      %swap3A = arith.constant 0 : i32
      %swap3A_440 = arith.constant 0 : i32
      %swap3A_441 = tpu.memref_slice %arg5[%scan3A_53, %swap3A, %swap3A_440] : memref<2x256x64xf32, #tpu.memory_space<vmem>> -> memref<1x256x64xf32, #tpu.memory_space<vmem>>
      %swap3A_442 = tpu.memref_squeeze %swap3A_441 : memref<1x256x64xf32, #tpu.memory_space<vmem>> -> memref<256x64xf32, #tpu.memory_space<vmem>>
      %swap3A_443 = arith.index_cast %add3A_304 : i32 to index
      %swap3A_444 = arith.constant 0 : index
      %swap3A_445 = tpu.vector_load %swap3A_442[%swap3A_443, %swap3A_444] {strides = array<i32>} : memref<256x64xf32, #tpu.memory_space<vmem>>, vector<16xf32>,
      tpu.vector_store %swap3A_442[%swap3A_443, %swap3A_444], %div3A_439 {strides = array<i32>} : memref<256x64xf32, #tpu.memory_space<vmem>>, vector<16xf32>,
      %div3A_446 = vector.broadcast %reduce_sum3A_438 : f32 to vector<16xf32>
      %div3A_447 = arith.divf %select_n3A_420, %div3A_446 : vector<16xf32>
      %swap3A_448 = arith.constant 0 : i32
      %swap3A_449 = arith.constant 0 : i32
      %swap3A_450 = tpu.memref_slice %arg5[%scan3A_53, %swap3A_448, %swap3A_449] : memref<2x256x64xf32, #tpu.memory_space<vmem>> -> memref<1x256x64xf32, #tpu.memory_space<vmem>>
      %swap3A_451 = tpu.memref_squeeze %swap3A_450 : memref<1x256x64xf32, #tpu.memory_space<vmem>> -> memref<256x64xf32, #tpu.memory_space<vmem>>
      %swap3A_452 = arith.index_cast %add3A_304 : i32 to index
      %swap3A_453 = arith.constant 16 : index
      %swap3A_454 = tpu.vector_load %swap3A_451[%swap3A_452, %swap3A_453] {strides = array<i32>} : memref<256x64xf32, #tpu.memory_space<vmem>>, vector<16xf32>,
      tpu.vector_store %swap3A_451[%swap3A_452, %swap3A_453], %div3A_447 {strides = array<i32>} : memref<256x64xf32, #tpu.memory_space<vmem>>, vector<16xf32>,
      %div3A_455 = vector.broadcast %reduce_sum3A_438 : f32 to vector<16xf32>
      %div3A_456 = arith.divf %select_n3A_426, %div3A_455 : vector<16xf32>
      %swap3A_457 = arith.constant 0 : i32
      %swap3A_458 = arith.constant 0 : i32
      %swap3A_459 = tpu.memref_slice %arg5[%scan3A_53, %swap3A_457, %swap3A_458] : memref<2x256x64xf32, #tpu.memory_space<vmem>> -> memref<1x256x64xf32, #tpu.memory_space<vmem>>
      %swap3A_460 = tpu.memref_squeeze %swap3A_459 : memref<1x256x64xf32, #tpu.memory_space<vmem>> -> memref<256x64xf32, #tpu.memory_space<vmem>>
      %swap3A_461 = arith.index_cast %add3A_304 : i32 to index
      %swap3A_462 = arith.constant 32 : index
      %swap3A_463 = tpu.vector_load %swap3A_460[%swap3A_461, %swap3A_462] {strides = array<i32>} : memref<256x64xf32, #tpu.memory_space<vmem>>, vector<16xf32>,
      tpu.vector_store %swap3A_460[%swap3A_461, %swap3A_462], %div3A_456 {strides = array<i32>} : memref<256x64xf32, #tpu.memory_space<vmem>>, vector<16xf32>,
      %div3A_464 = vector.broadcast %reduce_sum3A_438 : f32 to vector<16xf32>
      %div3A_465 = arith.divf %select_n3A_432, %div3A_464 : vector<16xf32>
      %swap3A_466 = arith.constant 0 : i32
      %swap3A_467 = arith.constant 0 : i32
      %swap3A_468 = tpu.memref_slice %arg5[%scan3A_53, %swap3A_466, %swap3A_467] : memref<2x256x64xf32, #tpu.memory_space<vmem>> -> memref<1x256x64xf32, #tpu.memory_space<vmem>>
      %swap3A_469 = tpu.memref_squeeze %swap3A_468 : memref<1x256x64xf32, #tpu.memory_space<vmem>> -> memref<256x64xf32, #tpu.memory_space<vmem>>
      %swap3A_470 = arith.index_cast %add3A_304 : i32 to index
      %swap3A_471 = arith.constant 48 : index
      %swap3A_472 = tpu.vector_load %swap3A_469[%swap3A_470, %swap3A_471] {strides = array<i32>} : memref<256x64xf32, #tpu.memory_space<vmem>>, vector<16xf32>,
      tpu.vector_store %swap3A_469[%swap3A_470, %swap3A_471], %div3A_465 {strides = array<i32>} : memref<256x64xf32, #tpu.memory_space<vmem>>, vector<16xf32>,
    }
    %scan3A_58 = arith.constant 256 : i32
    %add3A_59 = arith.constant 0 : i32
    %add3A_60 = arith.addi %mul3A_2, %add3A_59 : i32
    %dma_start3A_61 = arith.constant 0 : i32
    %dma_start3A_62 = arith.constant 0 : i32
    %dma_start3A_63 = arith.constant 0 : i32
    %dma_start3A_64 = arith.constant 0 : i32
    %dma_start3A_65 = tpu.memref_slice %arg5[%dma_start3A_61, %dma_start3A_63, %dma_start3A_64] : memref<2x256x64xf32, #tpu.memory_space<vmem>> -> memref<1x256x64xf32, #tpu.memory_space<vmem>>
    %dma_start3A_66 = tpu.memref_squeeze %dma_start3A_65 : memref<1x256x64xf32, #tpu.memory_space<vmem>> -> memref<256x64xf32, #tpu.memory_space<vmem>>
    %dma_start3A_67 = arith.constant 0 : i32
    %dma_start3A_68 = tpu.memref_slice %arg3[%add3A_60, %dma_start3A_67] : memref<32768x64xf32, #tpu.memory_space<hbm>> -> memref<256x64xf32, #tpu.memory_space<hbm>>
    %dma_start3A_69 = tpu.memref_slice %arg7[%dma_start3A_62] : memref<2x!tpu.dma_semaphore, #tpu.memory_space<semaphore_mem>> -> memref<1x!tpu.dma_semaphore, #tpu.memory_space<semaphore_mem>>
    %dma_start3A_70 = tpu.memref_squeeze %dma_start3A_69 : memref<1x!tpu.dma_semaphore, #tpu.memory_space<semaphore_mem>> -> memref<!tpu.dma_semaphore, #tpu.memory_space<semaphore_mem>>
    %dma_start3A_71 = arith.constant 0 : i32
    %dma_start3A_72 = tpu.memref_slice %arg3[%add3A_60, %dma_start3A_71] : memref<32768x64xf32, #tpu.memory_space<hbm>> -> memref<256x64xf32, #tpu.memory_space<hbm>>
    %dma_start3A_73 = arith.constant 0 : i32
    %dma_start3A_74 = arith.constant 0 : i32
    %dma_start3A_75 = tpu.memref_slice %arg5[%dma_start3A_61, %dma_start3A_73, %dma_start3A_74] : memref<2x256x64xf32, #tpu.memory_space<vmem>> -> memref<1x256x64xf32, #tpu.memory_space<vmem>>
    %dma_start3A_76 = tpu.memref_squeeze %dma_start3A_75 : memref<1x256x64xf32, #tpu.memory_space<vmem>> -> memref<256x64xf32, #tpu.memory_space<vmem>>
    tpu.enqueue_dma source(%dma_start3A_76 : memref<256x64xf32, #tpu.memory_space<vmem>>) target(%dma_start3A_72 : memref<256x64xf32, #tpu.memory_space<hbm>>) target_semaphore(%dma_start3A_70 : memref<!tpu.dma_semaphore, #tpu.memory_space<semaphore_mem>>)
    %add3A_77 = arith.constant 512 : i32
    %add3A_78 = arith.addi %mul3A_2, %add3A_77 : i32
    %dma_start3A_79 = arith.constant 0 : i32
    %dma_start3A_80 = arith.constant 0 : i32
    %dma_start3A_81 = arith.constant 0 : i32
    %dma_start3A_82 = arith.constant 0 : i32
    %dma_start3A_83 = tpu.memref_slice %arg4[%dma_start3A_79, %dma_start3A_81, %dma_start3A_82] : memref<2x256x64xf32, #tpu.memory_space<vmem>> -> memref<1x256x64xf32, #tpu.memory_space<vmem>>
    %dma_start3A_84 = tpu.memref_squeeze %dma_start3A_83 : memref<1x256x64xf32, #tpu.memory_space<vmem>> -> memref<256x64xf32, #tpu.memory_space<vmem>>
    %dma_start3A_85 = arith.constant 0 : i32
    %dma_start3A_86 = tpu.memref_slice %arg2[%add3A_78, %dma_start3A_85] : memref<32768x64xf32, #tpu.memory_space<hbm>> -> memref<256x64xf32, #tpu.memory_space<hbm>>
    %dma_start3A_87 = tpu.memref_slice %arg6[%dma_start3A_80] : memref<2x!tpu.dma_semaphore, #tpu.memory_space<semaphore_mem>> -> memref<1x!tpu.dma_semaphore, #tpu.memory_space<semaphore_mem>>
    %dma_start3A_88 = tpu.memref_squeeze %dma_start3A_87 : memref<1x!tpu.dma_semaphore, #tpu.memory_space<semaphore_mem>> -> memref<!tpu.dma_semaphore, #tpu.memory_space<semaphore_mem>>
    %dma_start3A_89 = arith.constant 0 : i32
    %dma_start3A_90 = arith.constant 0 : i32
    %dma_start3A_91 = tpu.memref_slice %arg4[%dma_start3A_79, %dma_start3A_89, %dma_start3A_90] : memref<2x256x64xf32, #tpu.memory_space<vmem>> -> memref<1x256x64xf32, #tpu.memory_space<vmem>>
    %dma_start3A_92 = tpu.memref_squeeze %dma_start3A_91 : memref<1x256x64xf32, #tpu.memory_space<vmem>> -> memref<256x64xf32, #tpu.memory_space<vmem>>
    %dma_start3A_93 = arith.constant 0 : i32
    %dma_start3A_94 = tpu.memref_slice %arg2[%add3A_78, %dma_start3A_93] : memref<32768x64xf32, #tpu.memory_space<hbm>> -> memref<256x64xf32, #tpu.memory_space<hbm>>
    tpu.enqueue_dma source(%dma_start3A_94 : memref<256x64xf32, #tpu.memory_space<hbm>>) target(%dma_start3A_92 : memref<256x64xf32, #tpu.memory_space<vmem>>) target_semaphore(%dma_start3A_88 : memref<!tpu.dma_semaphore, #tpu.memory_space<semaphore_mem>>)
    %dma_wait3A_95 = arith.constant 1 : i32
    %dma_wait3A_96 = arith.constant 1 : i32
    %dma_wait3A_97 = arith.constant 0 : i32
    %dma_wait3A_98 = arith.constant 0 : i32
    %dma_wait3A_99 = tpu.memref_slice %arg4[%dma_wait3A_95, %dma_wait3A_97, %dma_wait3A_98] : memref<2x256x64xf32, #tpu.memory_space<vmem>> -> memref<1x256x64xf32, #tpu.memory_space<vmem>>
    %dma_wait3A_100 = tpu.memref_squeeze %dma_wait3A_99 : memref<1x256x64xf32, #tpu.memory_space<vmem>> -> memref<256x64xf32, #tpu.memory_space<vmem>>
    %dma_wait3A_101 = arith.constant 0 : i32
    %dma_wait3A_102 = tpu.memref_slice %arg2[%add3A_21, %dma_wait3A_101] : memref<32768x64xf32, #tpu.memory_space<hbm>> -> memref<256x64xf32, #tpu.memory_space<hbm>>
    %dma_wait3A_103 = tpu.memref_slice %arg6[%dma_wait3A_96] : memref<2x!tpu.dma_semaphore, #tpu.memory_space<semaphore_mem>> -> memref<1x!tpu.dma_semaphore, #tpu.memory_space<semaphore_mem>>
    %dma_wait3A_104 = tpu.memref_squeeze %dma_wait3A_103 : memref<1x!tpu.dma_semaphore, #tpu.memory_space<semaphore_mem>> -> memref<!tpu.dma_semaphore, #tpu.memory_space<semaphore_mem>>
    %dma_wait3A_105 = arith.constant 0 : i32
    %dma_wait3A_106 = arith.constant 0 : i32
    %dma_wait3A_107 = tpu.memref_slice %arg4[%dma_wait3A_95, %dma_wait3A_105, %dma_wait3A_106] : memref<2x256x64xf32, #tpu.memory_space<vmem>> -> memref<1x256x64xf32, #tpu.memory_space<vmem>>
    %dma_wait3A_108 = tpu.memref_squeeze %dma_wait3A_107 : memref<1x256x64xf32, #tpu.memory_space<vmem>> -> memref<256x64xf32, #tpu.memory_space<vmem>>
    %dma_wait3A_109 = arith.constant 0 : i32
    %dma_wait3A_110 = tpu.memref_slice %arg2[%add3A_21, %dma_wait3A_109] : memref<32768x64xf32, #tpu.memory_space<hbm>> -> memref<256x64xf32, #tpu.memory_space<hbm>>
    tpu.wait_dma2 semaphore(%dma_wait3A_104 : memref<!tpu.dma_semaphore, #tpu.memory_space<semaphore_mem>>) src(%dma_wait3A_110 : memref<256x64xf32, #tpu.memory_space<hbm>>) dst(%dma_wait3A_108 : memref<256x64xf32, #tpu.memory_space<vmem>>)
    %scan3A_111 = arith.constant 1 : i32
    %scan3A_112 = arith.constant 1 : i32
    %scan3A_113 = arith.constant 0 : i32
    %scan3A_114 = arith.constant 256 : i32
    %scan3A_115 = arith.addi %scan3A_113, %scan3A_114 : i32
    %scan3A_116 = arith.constant 1 : i32
    scf.for %scan3A_300 = %scan3A_113 to %scan3A_115 step %scan3A_116  : i32 {
      %mul3A_301 = arith.constant 1 : i32
      %mul3A_302 = arith.muli %scan3A_300, %mul3A_301 : i32
      %add3A_303 = arith.constant 0 : i32
      %add3A_304 = arith.addi %add3A_303, %mul3A_302 : i32
      %get3A = arith.constant 0 : i32
      %get3A_305 = arith.constant 0 : i32
      %get3A_306 = tpu.memref_slice %arg4[%scan3A_111, %get3A, %get3A_305] : memref<2x256x64xf32, #tpu.memory_space<vmem>> -> memref<1x256x64xf32, #tpu.memory_space<vmem>>
      %get3A_307 = tpu.memref_squeeze %get3A_306 : memref<1x256x64xf32, #tpu.memory_space<vmem>> -> memref<256x64xf32, #tpu.memory_space<vmem>>
      %get3A_308 = arith.index_cast %add3A_304 : i32 to index
      %get3A_309 = arith.constant 0 : index
      %get3A_310 = tpu.vector_load %get3A_307[%get3A_308, %get3A_309] {strides = array<i32>} : memref<256x64xf32, #tpu.memory_space<vmem>>, vector<16xf32>,
      %get3A_311 = arith.constant 0 : i32
      %get3A_312 = arith.constant 0 : i32
      %get3A_313 = tpu.memref_slice %arg4[%scan3A_111, %get3A_311, %get3A_312] : memref<2x256x64xf32, #tpu.memory_space<vmem>> -> memref<1x256x64xf32, #tpu.memory_space<vmem>>
      %get3A_314 = tpu.memref_squeeze %get3A_313 : memref<1x256x64xf32, #tpu.memory_space<vmem>> -> memref<256x64xf32, #tpu.memory_space<vmem>>
      %get3A_315 = arith.index_cast %add3A_304 : i32 to index
      %get3A_316 = arith.constant 16 : index
      %get3A_317 = tpu.vector_load %get3A_314[%get3A_315, %get3A_316] {strides = array<i32>} : memref<256x64xf32, #tpu.memory_space<vmem>>, vector<16xf32>,
      %get3A_318 = arith.constant 0 : i32
      %get3A_319 = arith.constant 0 : i32
      %get3A_320 = tpu.memref_slice %arg4[%scan3A_111, %get3A_318, %get3A_319] : memref<2x256x64xf32, #tpu.memory_space<vmem>> -> memref<1x256x64xf32, #tpu.memory_space<vmem>>
      %get3A_321 = tpu.memref_squeeze %get3A_320 : memref<1x256x64xf32, #tpu.memory_space<vmem>> -> memref<256x64xf32, #tpu.memory_space<vmem>>
      %get3A_322 = arith.index_cast %add3A_304 : i32 to index
      %get3A_323 = arith.constant 32 : index
      %get3A_324 = tpu.vector_load %get3A_321[%get3A_322, %get3A_323] {strides = array<i32>} : memref<256x64xf32, #tpu.memory_space<vmem>>, vector<16xf32>,
      %get3A_325 = arith.constant 0 : i32
      %get3A_326 = arith.constant 0 : i32
      %get3A_327 = tpu.memref_slice %arg4[%scan3A_111, %get3A_325, %get3A_326] : memref<2x256x64xf32, #tpu.memory_space<vmem>> -> memref<1x256x64xf32, #tpu.memory_space<vmem>>
      %get3A_328 = tpu.memref_squeeze %get3A_327 : memref<1x256x64xf32, #tpu.memory_space<vmem>> -> memref<256x64xf32, #tpu.memory_space<vmem>>
      %get3A_329 = arith.index_cast %add3A_304 : i32 to index
      %get3A_330 = arith.constant 48 : index
      %get3A_331 = tpu.vector_load %get3A_328[%get3A_329, %get3A_330] {strides = array<i32>} : memref<256x64xf32, #tpu.memory_space<vmem>>, vector<16xf32>,
      %sort3A = arith.constant dense<true> : vector<16xi1>
      %sort3A_332, %sort3A_333, %sort3A_334 = tpu.sort %get3A_310, %get3A_310 masked %sort3A : (vector<16xf32>, vector<16xf32>, vector<16xi1>) -> (vector<16xi1>, vector<16xf32>, vector<16xf32>)
      %sort3A_335 = arith.constant dense<true> : vector<16xi1>
      %sort3A_336, %sort3A_337, %sort3A_338 = tpu.sort %get3A_317, %get3A_317 masked %sort3A_335 : (vector<16xf32>, vector<16xf32>, vector<16xi1>) -> (vector<16xi1>, vector<16xf32>, vector<16xf32>)
      %sort3A_339 = arith.constant dense<true> : vector<16xi1>
      %sort3A_340, %sort3A_341, %sort3A_342 = tpu.sort %get3A_324, %get3A_324 masked %sort3A_339 : (vector<16xf32>, vector<16xf32>, vector<16xi1>) -> (vector<16xi1>, vector<16xf32>, vector<16xf32>)
      %sort3A_343 = arith.constant dense<true> : vector<16xi1>
      %sort3A_344, %sort3A_345, %sort3A_346 = tpu.sort %get3A_331, %get3A_331 masked %sort3A_343 : (vector<16xf32>, vector<16xf32>, vector<16xi1>) -> (vector<16xi1>, vector<16xf32>, vector<16xf32>)
      %rev3A = arith.constant 15 : i32
      %rev3A_347 = vector.broadcast %rev3A : i32 to vector<16xi32>
      %rev3A_348 = tpu.iota {dimensions = array<i32: 0>} : vector<16xi32>
      %rev3A_349 = arith.subi %rev3A_347, %rev3A_348 : vector<16xi32>
      %rev3A_350 = tpu.dynamic_gather %sort3A_337[%rev3A_349] in [0] : vector<16xf32>, vector<16xi32> -> vector<16xf32>
      %min3A = arith.minimumf %sort3A_333, %rev3A_350 : vector<16xf32>
      %sort3A_351 = arith.constant dense<true> : vector<16xi1>
      %sort3A_352, %sort3A_353, %sort3A_354 = tpu.sort %min3A, %min3A masked %sort3A_351 : (vector<16xf32>, vector<16xf32>, vector<16xi1>) -> (vector<16xi1>, vector<16xf32>, vector<16xf32>)
      %rev3A_355 = arith.constant 15 : i32
      %rev3A_356 = vector.broadcast %rev3A_355 : i32 to vector<16xi32>
      %rev3A_357 = tpu.iota {dimensions = array<i32: 0>} : vector<16xi32>
      %rev3A_358 = arith.subi %rev3A_356, %rev3A_357 : vector<16xi32>
      %rev3A_359 = tpu.dynamic_gather %sort3A_337[%rev3A_358] in [0] : vector<16xf32>, vector<16xi32> -> vector<16xf32>
      %max3A = arith.maximumf %sort3A_333, %rev3A_359 : vector<16xf32>
      %sort3A_360 = arith.constant dense<true> : vector<16xi1>
      %sort3A_361, %sort3A_362, %sort3A_363 = tpu.sort %max3A, %max3A masked %sort3A_360 : (vector<16xf32>, vector<16xf32>, vector<16xi1>) -> (vector<16xi1>, vector<16xf32>, vector<16xf32>)
      %rev3A_364 = arith.constant 15 : i32
      %rev3A_365 = vector.broadcast %rev3A_364 : i32 to vector<16xi32>
      %rev3A_366 = tpu.iota {dimensions = array<i32: 0>} : vector<16xi32>
      %rev3A_367 = arith.subi %rev3A_365, %rev3A_366 : vector<16xi32>
      %rev3A_368 = tpu.dynamic_gather %sort3A_345[%rev3A_367] in [0] : vector<16xf32>, vector<16xi32> -> vector<16xf32>
      %min3A_369 = arith.minimumf %sort3A_341, %rev3A_368 : vector<16xf32>
      %sort3A_370 = arith.constant dense<true> : vector<16xi1>
      %sort3A_371, %sort3A_372, %sort3A_373 = tpu.sort %min3A_369, %min3A_369 masked %sort3A_370 : (vector<16xf32>, vector<16xf32>, vector<16xi1>) -> (vector<16xi1>, vector<16xf32>, vector<16xf32>)
      %rev3A_374 = arith.constant 15 : i32
      %rev3A_375 = vector.broadcast %rev3A_374 : i32 to vector<16xi32>
      %rev3A_376 = tpu.iota {dimensions = array<i32: 0>} : vector<16xi32>
      %rev3A_377 = arith.subi %rev3A_375, %rev3A_376 : vector<16xi32>
      %rev3A_378 = tpu.dynamic_gather %sort3A_345[%rev3A_377] in [0] : vector<16xf32>, vector<16xi32> -> vector<16xf32>
      %max3A_379 = arith.maximumf %sort3A_341, %rev3A_378 : vector<16xf32>
      %sort3A_380 = arith.constant dense<true> : vector<16xi1>
      %sort3A_381, %sort3A_382, %sort3A_383 = tpu.sort %max3A_379, %max3A_379 masked %sort3A_380 : (vector<16xf32>, vector<16xf32>, vector<16xi1>) -> (vector<16xi1>, vector<16xf32>, vector<16xf32>)
      %rev3A_384 = arith.constant 15 : i32
      %rev3A_385 = vector.broadcast %rev3A_384 : i32 to vector<16xi32>
      %rev3A_386 = tpu.iota {dimensions = array<i32: 0>} : vector<16xi32>
      %rev3A_387 = arith.subi %rev3A_385, %rev3A_386 : vector<16xi32>
      %rev3A_388 = tpu.dynamic_gather %sort3A_372[%rev3A_387] in [0] : vector<16xf32>, vector<16xi32> -> vector<16xf32>
      %max3A_389 = arith.maximumf %sort3A_353, %rev3A_388 : vector<16xf32>
      %sort3A_390 = arith.constant dense<true> : vector<16xi1>
      %sort3A_391, %sort3A_392, %sort3A_393 = tpu.sort %max3A_389, %max3A_389 masked %sort3A_390 : (vector<16xf32>, vector<16xf32>, vector<16xi1>) -> (vector<16xi1>, vector<16xf32>, vector<16xf32>)
      %rev3A_394 = arith.constant 15 : i32
      %rev3A_395 = vector.broadcast %rev3A_394 : i32 to vector<16xi32>
      %rev3A_396 = tpu.iota {dimensions = array<i32: 0>} : vector<16xi32>
      %rev3A_397 = arith.subi %rev3A_395, %rev3A_396 : vector<16xi32>
      %rev3A_398 = tpu.dynamic_gather %sort3A_362[%rev3A_397] in [0] : vector<16xf32>, vector<16xi32> -> vector<16xf32>
      %min3A_399 = arith.minimumf %sort3A_392, %rev3A_398 : vector<16xf32>
      %sort3A_400 = arith.constant dense<true> : vector<16xi1>
      %sort3A_401, %sort3A_402, %sort3A_403 = tpu.sort %min3A_399, %min3A_399 masked %sort3A_400 : (vector<16xf32>, vector<16xf32>, vector<16xi1>) -> (vector<16xi1>, vector<16xf32>, vector<16xf32>)
      %rev3A_404 = arith.constant 15 : i32
      %rev3A_405 = vector.broadcast %rev3A_404 : i32 to vector<16xi32>
      %rev3A_406 = tpu.iota {dimensions = array<i32: 0>} : vector<16xi32>
      %rev3A_407 = arith.subi %rev3A_405, %rev3A_406 : vector<16xi32>
      %rev3A_408 = tpu.dynamic_gather %sort3A_382[%rev3A_407] in [0] : vector<16xf32>, vector<16xi32> -> vector<16xf32>
      %min3A_409 = arith.minimumf %sort3A_402, %rev3A_408 : vector<16xf32>
      %sort3A_410 = arith.constant dense<true> : vector<16xi1>
      %sort3A_411, %sort3A_412, %sort3A_413 = tpu.sort %min3A_409, %min3A_409 masked %sort3A_410 : (vector<16xf32>, vector<16xf32>, vector<16xi1>) -> (vector<16xi1>, vector<16xf32>, vector<16xf32>)
      %slice3A = vector.extract_strided_slice %sort3A_412 {offsets = [4], sizes = [1], strides = [1]} : vector<16xf32> to vector<1xf32>
      %squeeze3A = vector.extract %slice3A[0] : f32 from vector<1xf32>
      %ge3A = vector.broadcast %squeeze3A : f32 to vector<16xf32>
      %ge3A_414 = arith.cmpf oge, %get3A_310, %ge3A : vector<16xf32>
      %exp3A = math.exp %get3A_310 : vector<16xf32>
      %jit3A = arith.constant 0.000000e+00 : f32
      %broadcast_in_dim3A = vector.broadcast %jit3A : f32 to vector<16xf32>
      %select_n3A = arith.select %ge3A_414, %exp3A, %broadcast_in_dim3A : vector<16xi1>, vector<16xf32>
      %ge3A_415 = vector.broadcast %squeeze3A : f32 to vector<16xf32>
      %ge3A_416 = arith.cmpf oge, %get3A_317, %ge3A_415 : vector<16xf32>
      %exp3A_417 = math.exp %get3A_317 : vector<16xf32>
      %jit3A_418 = arith.constant 0.000000e+00 : f32
      %broadcast_in_dim3A_419 = vector.broadcast %jit3A_418 : f32 to vector<16xf32>
      %select_n3A_420 = arith.select %ge3A_416, %exp3A_417, %broadcast_in_dim3A_419 : vector<16xi1>, vector<16xf32>
      %ge3A_421 = vector.broadcast %squeeze3A : f32 to vector<16xf32>
      %ge3A_422 = arith.cmpf oge, %get3A_324, %ge3A_421 : vector<16xf32>
      %exp3A_423 = math.exp %get3A_324 : vector<16xf32>
      %jit3A_424 = arith.constant 0.000000e+00 : f32
      %broadcast_in_dim3A_425 = vector.broadcast %jit3A_424 : f32 to vector<16xf32>
      %select_n3A_426 = arith.select %ge3A_422, %exp3A_423, %broadcast_in_dim3A_425 : vector<16xi1>, vector<16xf32>
      %ge3A_427 = vector.broadcast %squeeze3A : f32 to vector<16xf32>
      %ge3A_428 = arith.cmpf oge, %get3A_331, %ge3A_427 : vector<16xf32>
      %exp3A_429 = math.exp %get3A_331 : vector<16xf32>
      %jit3A_430 = arith.constant 0.000000e+00 : f32
      %broadcast_in_dim3A_431 = vector.broadcast %jit3A_430 : f32 to vector<16xf32>
      %select_n3A_432 = arith.select %ge3A_428, %exp3A_429, %broadcast_in_dim3A_431 : vector<16xi1>, vector<16xf32>
      %add3A_433 = arith.addf %select_n3A, %select_n3A_420 : vector<16xf32>
      %add3A_434 = arith.addf %add3A_433, %select_n3A_426 : vector<16xf32>
      %add3A_435 = arith.addf %add3A_434, %select_n3A_432 : vector<16xf32>
      %reduce_sum3A = arith.constant true
      %reduce_sum3A_436 = vector.broadcast %reduce_sum3A : i1 to vector<16xi1>
      %reduce_sum3A_437 = tpu.scan <sum>, %add3A_435 masked %reduce_sum3A_436 : vector<16xf32>, vector<16xi1> -> vector<16xf32>
      %reduce_sum3A_438 = vector.extract %reduce_sum3A_437[15] : f32 from vector<16xf32>
      %div3A = vector.broadcast %reduce_sum3A_438 : f32 to vector<16xf32>
      %div3A_439 = arith.divf %select_n3A, %div3A : vector<16xf32>
      %swap3A = arith.constant 0 : i32
      %swap3A_440 = arith.constant 0 : i32
      %swap3A_441 = tpu.memref_slice %arg5[%scan3A_112, %swap3A, %swap3A_440] : memref<2x256x64xf32, #tpu.memory_space<vmem>> -> memref<1x256x64xf32, #tpu.memory_space<vmem>>
      %swap3A_442 = tpu.memref_squeeze %swap3A_441 : memref<1x256x64xf32, #tpu.memory_space<vmem>> -> memref<256x64xf32, #tpu.memory_space<vmem>>
      %swap3A_443 = arith.index_cast %add3A_304 : i32 to index
      %swap3A_444 = arith.constant 0 : index
      %swap3A_445 = tpu.vector_load %swap3A_442[%swap3A_443, %swap3A_444] {strides = array<i32>} : memref<256x64xf32, #tpu.memory_space<vmem>>, vector<16xf32>,
      tpu.vector_store %swap3A_442[%swap3A_443, %swap3A_444], %div3A_439 {strides = array<i32>} : memref<256x64xf32, #tpu.memory_space<vmem>>, vector<16xf32>,
      %div3A_446 = vector.broadcast %reduce_sum3A_438 : f32 to vector<16xf32>
      %div3A_447 = arith.divf %select_n3A_420, %div3A_446 : vector<16xf32>
      %swap3A_448 = arith.constant 0 : i32
      %swap3A_449 = arith.constant 0 : i32
      %swap3A_450 = tpu.memref_slice %arg5[%scan3A_112, %swap3A_448, %swap3A_449] : memref<2x256x64xf32, #tpu.memory_space<vmem>> -> memref<1x256x64xf32, #tpu.memory_space<vmem>>
      %swap3A_451 = tpu.memref_squeeze %swap3A_450 : memref<1x256x64xf32, #tpu.memory_space<vmem>> -> memref<256x64xf32, #tpu.memory_space<vmem>>
      %swap3A_452 = arith.index_cast %add3A_304 : i32 to index
      %swap3A_453 = arith.constant 16 : index
      %swap3A_454 = tpu.vector_load %swap3A_451[%swap3A_452, %swap3A_453] {strides = array<i32>} : memref<256x64xf32, #tpu.memory_space<vmem>>, vector<16xf32>,
      tpu.vector_store %swap3A_451[%swap3A_452, %swap3A_453], %div3A_447 {strides = array<i32>} : memref<256x64xf32, #tpu.memory_space<vmem>>, vector<16xf32>,
      %div3A_455 = vector.broadcast %reduce_sum3A_438 : f32 to vector<16xf32>
      %div3A_456 = arith.divf %select_n3A_426, %div3A_455 : vector<16xf32>
      %swap3A_457 = arith.constant 0 : i32
      %swap3A_458 = arith.constant 0 : i32
      %swap3A_459 = tpu.memref_slice %arg5[%scan3A_112, %swap3A_457, %swap3A_458] : memref<2x256x64xf32, #tpu.memory_space<vmem>> -> memref<1x256x64xf32, #tpu.memory_space<vmem>>
      %swap3A_460 = tpu.memref_squeeze %swap3A_459 : memref<1x256x64xf32, #tpu.memory_space<vmem>> -> memref<256x64xf32, #tpu.memory_space<vmem>>
      %swap3A_461 = arith.index_cast %add3A_304 : i32 to index
      %swap3A_462 = arith.constant 32 : index
      %swap3A_463 = tpu.vector_load %swap3A_460[%swap3A_461, %swap3A_462] {strides = array<i32>} : memref<256x64xf32, #tpu.memory_space<vmem>>, vector<16xf32>,
      tpu.vector_store %swap3A_460[%swap3A_461, %swap3A_462], %div3A_456 {strides = array<i32>} : memref<256x64xf32, #tpu.memory_space<vmem>>, vector<16xf32>,
      %div3A_464 = vector.broadcast %reduce_sum3A_438 : f32 to vector<16xf32>
      %div3A_465 = arith.divf %select_n3A_432, %div3A_464 : vector<16xf32>
      %swap3A_466 = arith.constant 0 : i32
      %swap3A_467 = arith.constant 0 : i32
      %swap3A_468 = tpu.memref_slice %arg5[%scan3A_112, %swap3A_466, %swap3A_467] : memref<2x256x64xf32, #tpu.memory_space<vmem>> -> memref<1x256x64xf32, #tpu.memory_space<vmem>>
      %swap3A_469 = tpu.memref_squeeze %swap3A_468 : memref<1x256x64xf32, #tpu.memory_space<vmem>> -> memref<256x64xf32, #tpu.memory_space<vmem>>
      %swap3A_470 = arith.index_cast %add3A_304 : i32 to index
      %swap3A_471 = arith.constant 48 : index
      %swap3A_472 = tpu.vector_load %swap3A_469[%swap3A_470, %swap3A_471] {strides = array<i32>} : memref<256x64xf32, #tpu.memory_space<vmem>>, vector<16xf32>,
      tpu.vector_store %swap3A_469[%swap3A_470, %swap3A_471], %div3A_465 {strides = array<i32>} : memref<256x64xf32, #tpu.memory_space<vmem>>, vector<16xf32>,
    }
    %scan3A_117 = arith.constant 256 : i32
    %add3A_118 = arith.constant 256 : i32
    %add3A_119 = arith.addi %mul3A_2, %add3A_118 : i32
    %dma_start3A_120 = arith.constant 1 : i32
    %dma_start3A_121 = arith.constant 1 : i32
    %dma_start3A_122 = arith.constant 0 : i32
    %dma_start3A_123 = arith.constant 0 : i32
    %dma_start3A_124 = tpu.memref_slice %arg5[%dma_start3A_120, %dma_start3A_122, %dma_start3A_123] : memref<2x256x64xf32, #tpu.memory_space<vmem>> -> memref<1x256x64xf32, #tpu.memory_space<vmem>>
    %dma_start3A_125 = tpu.memref_squeeze %dma_start3A_124 : memref<1x256x64xf32, #tpu.memory_space<vmem>> -> memref<256x64xf32, #tpu.memory_space<vmem>>
    %dma_start3A_126 = arith.constant 0 : i32
    %dma_start3A_127 = tpu.memref_slice %arg3[%add3A_119, %dma_start3A_126] : memref<32768x64xf32, #tpu.memory_space<hbm>> -> memref<256x64xf32, #tpu.memory_space<hbm>>
    %dma_start3A_128 = tpu.memref_slice %arg7[%dma_start3A_121] : memref<2x!tpu.dma_semaphore, #tpu.memory_space<semaphore_mem>> -> memref<1x!tpu.dma_semaphore, #tpu.memory_space<semaphore_mem>>
    %dma_start3A_129 = tpu.memref_squeeze %dma_start3A_128 : memref<1x!tpu.dma_semaphore, #tpu.memory_space<semaphore_mem>> -> memref<!tpu.dma_semaphore, #tpu.memory_space<semaphore_mem>>
    %dma_start3A_130 = arith.constant 0 : i32
    %dma_start3A_131 = tpu.memref_slice %arg3[%add3A_119, %dma_start3A_130] : memref<32768x64xf32, #tpu.memory_space<hbm>> -> memref<256x64xf32, #tpu.memory_space<hbm>>
    %dma_start3A_132 = arith.constant 0 : i32
    %dma_start3A_133 = arith.constant 0 : i32
    %dma_start3A_134 = tpu.memref_slice %arg5[%dma_start3A_120, %dma_start3A_132, %dma_start3A_133] : memref<2x256x64xf32, #tpu.memory_space<vmem>> -> memref<1x256x64xf32, #tpu.memory_space<vmem>>
    %dma_start3A_135 = tpu.memref_squeeze %dma_start3A_134 : memref<1x256x64xf32, #tpu.memory_space<vmem>> -> memref<256x64xf32, #tpu.memory_space<vmem>>
    tpu.enqueue_dma source(%dma_start3A_135 : memref<256x64xf32, #tpu.memory_space<vmem>>) target(%dma_start3A_131 : memref<256x64xf32, #tpu.memory_space<hbm>>) target_semaphore(%dma_start3A_129 : memref<!tpu.dma_semaphore, #tpu.memory_space<semaphore_mem>>)
    %add3A_136 = arith.constant 768 : i32
    %add3A_137 = arith.addi %mul3A_2, %add3A_136 : i32
    %dma_start3A_138 = arith.constant 1 : i32
    %dma_start3A_139 = arith.constant 1 : i32
    %dma_start3A_140 = arith.constant 0 : i32
    %dma_start3A_141 = arith.constant 0 : i32
    %dma_start3A_142 = tpu.memref_slice %arg4[%dma_start3A_138, %dma_start3A_140, %dma_start3A_141] : memref<2x256x64xf32, #tpu.memory_space<vmem>> -> memref<1x256x64xf32, #tpu.memory_space<vmem>>
    %dma_start3A_143 = tpu.memref_squeeze %dma_start3A_142 : memref<1x256x64xf32, #tpu.memory_space<vmem>> -> memref<256x64xf32, #tpu.memory_space<vmem>>
    %dma_start3A_144 = arith.constant 0 : i32
    %dma_start3A_145 = tpu.memref_slice %arg2[%add3A_137, %dma_start3A_144] : memref<32768x64xf32, #tpu.memory_space<hbm>> -> memref<256x64xf32, #tpu.memory_space<hbm>>
    %dma_start3A_146 = tpu.memref_slice %arg6[%dma_start3A_139] : memref<2x!tpu.dma_semaphore, #tpu.memory_space<semaphore_mem>> -> memref<1x!tpu.dma_semaphore, #tpu.memory_space<semaphore_mem>>
    %dma_start3A_147 = tpu.memref_squeeze %dma_start3A_146 : memref<1x!tpu.dma_semaphore, #tpu.memory_space<semaphore_mem>> -> memref<!tpu.dma_semaphore, #tpu.memory_space<semaphore_mem>>
    %dma_start3A_148 = arith.constant 0 : i32
    %dma_start3A_149 = arith.constant 0 : i32
    %dma_start3A_150 = tpu.memref_slice %arg4[%dma_start3A_138, %dma_start3A_148, %dma_start3A_149] : memref<2x256x64xf32, #tpu.memory_space<vmem>> -> memref<1x256x64xf32, #tpu.memory_space<vmem>>
    %dma_start3A_151 = tpu.memref_squeeze %dma_start3A_150 : memref<1x256x64xf32, #tpu.memory_space<vmem>> -> memref<256x64xf32, #tpu.memory_space<vmem>>
    %dma_start3A_152 = arith.constant 0 : i32
    %dma_start3A_153 = tpu.memref_slice %arg2[%add3A_137, %dma_start3A_152] : memref<32768x64xf32, #tpu.memory_space<hbm>> -> memref<256x64xf32, #tpu.memory_space<hbm>>
    tpu.enqueue_dma source(%dma_start3A_153 : memref<256x64xf32, #tpu.memory_space<hbm>>) target(%dma_start3A_151 : memref<256x64xf32, #tpu.memory_space<vmem>>) target_semaphore(%dma_start3A_147 : memref<!tpu.dma_semaphore, #tpu.memory_space<semaphore_mem>>)
    %dma_wait3A_154 = arith.constant 0 : i32
    %dma_wait3A_155 = arith.constant 0 : i32
    %dma_wait3A_156 = arith.constant 0 : i32
    %dma_wait3A_157 = arith.constant 0 : i32
    %dma_wait3A_158 = tpu.memref_slice %arg4[%dma_wait3A_154, %dma_wait3A_156, %dma_wait3A_157] : memref<2x256x64xf32, #tpu.memory_space<vmem>> -> memref<1x256x64xf32, #tpu.memory_space<vmem>>
    %dma_wait3A_159 = tpu.memref_squeeze %dma_wait3A_158 : memref<1x256x64xf32, #tpu.memory_space<vmem>> -> memref<256x64xf32, #tpu.memory_space<vmem>>
    %dma_wait3A_160 = arith.constant 0 : i32
    %dma_wait3A_161 = tpu.memref_slice %arg2[%add3A_78, %dma_wait3A_160] : memref<32768x64xf32, #tpu.memory_space<hbm>> -> memref<256x64xf32, #tpu.memory_space<hbm>>
    %dma_wait3A_162 = tpu.memref_slice %arg6[%dma_wait3A_155] : memref<2x!tpu.dma_semaphore, #tpu.memory_space<semaphore_mem>> -> memref<1x!tpu.dma_semaphore, #tpu.memory_space<semaphore_mem>>
    %dma_wait3A_163 = tpu.memref_squeeze %dma_wait3A_162 : memref<1x!tpu.dma_semaphore, #tpu.memory_space<semaphore_mem>> -> memref<!tpu.dma_semaphore, #tpu.memory_space<semaphore_mem>>
    %dma_wait3A_164 = arith.constant 0 : i32
    %dma_wait3A_165 = arith.constant 0 : i32
    %dma_wait3A_166 = tpu.memref_slice %arg4[%dma_wait3A_154, %dma_wait3A_164, %dma_wait3A_165] : memref<2x256x64xf32, #tpu.memory_space<vmem>> -> memref<1x256x64xf32, #tpu.memory_space<vmem>>
    %dma_wait3A_167 = tpu.memref_squeeze %dma_wait3A_166 : memref<1x256x64xf32, #tpu.memory_space<vmem>> -> memref<256x64xf32, #tpu.memory_space<vmem>>
    %dma_wait3A_168 = arith.constant 0 : i32
    %dma_wait3A_169 = tpu.memref_slice %arg2[%add3A_78, %dma_wait3A_168] : memref<32768x64xf32, #tpu.memory_space<hbm>> -> memref<256x64xf32, #tpu.memory_space<hbm>>
    tpu.wait_dma2 semaphore(%dma_wait3A_163 : memref<!tpu.dma_semaphore, #tpu.memory_space<semaphore_mem>>) src(%dma_wait3A_169 : memref<256x64xf32, #tpu.memory_space<hbm>>) dst(%dma_wait3A_167 : memref<256x64xf32, #tpu.memory_space<vmem>>)
    %dma_wait3A_170 = arith.constant 0 : i32
    %dma_wait3A_171 = arith.constant 0 : i32
    %dma_wait3A_172 = arith.constant 0 : i32
    %dma_wait3A_173 = arith.constant 0 : i32
    %dma_wait3A_174 = tpu.memref_slice %arg5[%dma_wait3A_170, %dma_wait3A_172, %dma_wait3A_173] : memref<2x256x64xf32, #tpu.memory_space<vmem>> -> memref<1x256x64xf32, #tpu.memory_space<vmem>>
    %dma_wait3A_175 = tpu.memref_squeeze %dma_wait3A_174 : memref<1x256x64xf32, #tpu.memory_space<vmem>> -> memref<256x64xf32, #tpu.memory_space<vmem>>
    %dma_wait3A_176 = arith.constant 0 : i32
    %dma_wait3A_177 = tpu.memref_slice %arg3[%add3A_60, %dma_wait3A_176] : memref<32768x64xf32, #tpu.memory_space<hbm>> -> memref<256x64xf32, #tpu.memory_space<hbm>>
    %dma_wait3A_178 = tpu.memref_slice %arg7[%dma_wait3A_171] : memref<2x!tpu.dma_semaphore, #tpu.memory_space<semaphore_mem>> -> memref<1x!tpu.dma_semaphore, #tpu.memory_space<semaphore_mem>>
    %dma_wait3A_179 = tpu.memref_squeeze %dma_wait3A_178 : memref<1x!tpu.dma_semaphore, #tpu.memory_space<semaphore_mem>> -> memref<!tpu.dma_semaphore, #tpu.memory_space<semaphore_mem>>
    %dma_wait3A_180 = arith.constant 0 : i32
    %dma_wait3A_181 = tpu.memref_slice %arg3[%add3A_60, %dma_wait3A_180] : memref<32768x64xf32, #tpu.memory_space<hbm>> -> memref<256x64xf32, #tpu.memory_space<hbm>>
    %dma_wait3A_182 = arith.constant 0 : i32
    %dma_wait3A_183 = arith.constant 0 : i32
    %dma_wait3A_184 = tpu.memref_slice %arg5[%dma_wait3A_170, %dma_wait3A_182, %dma_wait3A_183] : memref<2x256x64xf32, #tpu.memory_space<vmem>> -> memref<1x256x64xf32, #tpu.memory_space<vmem>>
    %dma_wait3A_185 = tpu.memref_squeeze %dma_wait3A_184 : memref<1x256x64xf32, #tpu.memory_space<vmem>> -> memref<256x64xf32, #tpu.memory_space<vmem>>
    tpu.wait_dma2 semaphore(%dma_wait3A_179 : memref<!tpu.dma_semaphore, #tpu.memory_space<semaphore_mem>>) src(%dma_wait3A_185 : memref<256x64xf32, #tpu.memory_space<vmem>>) dst(%dma_wait3A_181 : memref<256x64xf32, #tpu.memory_space<hbm>>)
    %scan3A_186 = arith.constant 0 : i32
    %scan3A_187 = arith.constant 0 : i32
    %scan3A_188 = arith.constant 0 : i32
    %scan3A_189 = arith.constant 256 : i32
    %scan3A_190 = arith.addi %scan3A_188, %scan3A_189 : i32
    %scan3A_191 = arith.constant 1 : i32
    scf.for %scan3A_300 = %scan3A_188 to %scan3A_190 step %scan3A_191  : i32 {
      %mul3A_301 = arith.constant 1 : i32
      %mul3A_302 = arith.muli %scan3A_300, %mul3A_301 : i32
      %add3A_303 = arith.constant 0 : i32
      %add3A_304 = arith.addi %add3A_303, %mul3A_302 : i32
      %get3A = arith.constant 0 : i32
      %get3A_305 = arith.constant 0 : i32
      %get3A_306 = tpu.memref_slice %arg4[%scan3A_186, %get3A, %get3A_305] : memref<2x256x64xf32, #tpu.memory_space<vmem>> -> memref<1x256x64xf32, #tpu.memory_space<vmem>>
      %get3A_307 = tpu.memref_squeeze %get3A_306 : memref<1x256x64xf32, #tpu.memory_space<vmem>> -> memref<256x64xf32, #tpu.memory_space<vmem>>
      %get3A_308 = arith.index_cast %add3A_304 : i32 to index
      %get3A_309 = arith.constant 0 : index
      %get3A_310 = tpu.vector_load %get3A_307[%get3A_308, %get3A_309] {strides = array<i32>} : memref<256x64xf32, #tpu.memory_space<vmem>>, vector<16xf32>,
      %get3A_311 = arith.constant 0 : i32
      %get3A_312 = arith.constant 0 : i32
      %get3A_313 = tpu.memref_slice %arg4[%scan3A_186, %get3A_311, %get3A_312] : memref<2x256x64xf32, #tpu.memory_space<vmem>> -> memref<1x256x64xf32, #tpu.memory_space<vmem>>
      %get3A_314 = tpu.memref_squeeze %get3A_313 : memref<1x256x64xf32, #tpu.memory_space<vmem>> -> memref<256x64xf32, #tpu.memory_space<vmem>>
      %get3A_315 = arith.index_cast %add3A_304 : i32 to index
      %get3A_316 = arith.constant 16 : index
      %get3A_317 = tpu.vector_load %get3A_314[%get3A_315, %get3A_316] {strides = array<i32>} : memref<256x64xf32, #tpu.memory_space<vmem>>, vector<16xf32>,
      %get3A_318 = arith.constant 0 : i32
      %get3A_319 = arith.constant 0 : i32
      %get3A_320 = tpu.memref_slice %arg4[%scan3A_186, %get3A_318, %get3A_319] : memref<2x256x64xf32, #tpu.memory_space<vmem>> -> memref<1x256x64xf32, #tpu.memory_space<vmem>>
      %get3A_321 = tpu.memref_squeeze %get3A_320 : memref<1x256x64xf32, #tpu.memory_space<vmem>> -> memref<256x64xf32, #tpu.memory_space<vmem>>
      %get3A_322 = arith.index_cast %add3A_304 : i32 to index
      %get3A_323 = arith.constant 32 : index
      %get3A_324 = tpu.vector_load %get3A_321[%get3A_322, %get3A_323] {strides = array<i32>} : memref<256x64xf32, #tpu.memory_space<vmem>>, vector<16xf32>,
      %get3A_325 = arith.constant 0 : i32
      %get3A_326 = arith.constant 0 : i32
      %get3A_327 = tpu.memref_slice %arg4[%scan3A_186, %get3A_325, %get3A_326] : memref<2x256x64xf32, #tpu.memory_space<vmem>> -> memref<1x256x64xf32, #tpu.memory_space<vmem>>
      %get3A_328 = tpu.memref_squeeze %get3A_327 : memref<1x256x64xf32, #tpu.memory_space<vmem>> -> memref<256x64xf32, #tpu.memory_space<vmem>>
      %get3A_329 = arith.index_cast %add3A_304 : i32 to index
      %get3A_330 = arith.constant 48 : index
      %get3A_331 = tpu.vector_load %get3A_328[%get3A_329, %get3A_330] {strides = array<i32>} : memref<256x64xf32, #tpu.memory_space<vmem>>, vector<16xf32>,
      %sort3A = arith.constant dense<true> : vector<16xi1>
      %sort3A_332, %sort3A_333, %sort3A_334 = tpu.sort %get3A_310, %get3A_310 masked %sort3A : (vector<16xf32>, vector<16xf32>, vector<16xi1>) -> (vector<16xi1>, vector<16xf32>, vector<16xf32>)
      %sort3A_335 = arith.constant dense<true> : vector<16xi1>
      %sort3A_336, %sort3A_337, %sort3A_338 = tpu.sort %get3A_317, %get3A_317 masked %sort3A_335 : (vector<16xf32>, vector<16xf32>, vector<16xi1>) -> (vector<16xi1>, vector<16xf32>, vector<16xf32>)
      %sort3A_339 = arith.constant dense<true> : vector<16xi1>
      %sort3A_340, %sort3A_341, %sort3A_342 = tpu.sort %get3A_324, %get3A_324 masked %sort3A_339 : (vector<16xf32>, vector<16xf32>, vector<16xi1>) -> (vector<16xi1>, vector<16xf32>, vector<16xf32>)
      %sort3A_343 = arith.constant dense<true> : vector<16xi1>
      %sort3A_344, %sort3A_345, %sort3A_346 = tpu.sort %get3A_331, %get3A_331 masked %sort3A_343 : (vector<16xf32>, vector<16xf32>, vector<16xi1>) -> (vector<16xi1>, vector<16xf32>, vector<16xf32>)
      %rev3A = arith.constant 15 : i32
      %rev3A_347 = vector.broadcast %rev3A : i32 to vector<16xi32>
      %rev3A_348 = tpu.iota {dimensions = array<i32: 0>} : vector<16xi32>
      %rev3A_349 = arith.subi %rev3A_347, %rev3A_348 : vector<16xi32>
      %rev3A_350 = tpu.dynamic_gather %sort3A_337[%rev3A_349] in [0] : vector<16xf32>, vector<16xi32> -> vector<16xf32>
      %min3A = arith.minimumf %sort3A_333, %rev3A_350 : vector<16xf32>
      %sort3A_351 = arith.constant dense<true> : vector<16xi1>
      %sort3A_352, %sort3A_353, %sort3A_354 = tpu.sort %min3A, %min3A masked %sort3A_351 : (vector<16xf32>, vector<16xf32>, vector<16xi1>) -> (vector<16xi1>, vector<16xf32>, vector<16xf32>)
      %rev3A_355 = arith.constant 15 : i32
      %rev3A_356 = vector.broadcast %rev3A_355 : i32 to vector<16xi32>
      %rev3A_357 = tpu.iota {dimensions = array<i32: 0>} : vector<16xi32>
      %rev3A_358 = arith.subi %rev3A_356, %rev3A_357 : vector<16xi32>
      %rev3A_359 = tpu.dynamic_gather %sort3A_337[%rev3A_358] in [0] : vector<16xf32>, vector<16xi32> -> vector<16xf32>
      %max3A = arith.maximumf %sort3A_333, %rev3A_359 : vector<16xf32>
      %sort3A_360 = arith.constant dense<true> : vector<16xi1>
      %sort3A_361, %sort3A_362, %sort3A_363 = tpu.sort %max3A, %max3A masked %sort3A_360 : (vector<16xf32>, vector<16xf32>, vector<16xi1>) -> (vector<16xi1>, vector<16xf32>, vector<16xf32>)
      %rev3A_364 = arith.constant 15 : i32
      %rev3A_365 = vector.broadcast %rev3A_364 : i32 to vector<16xi32>
      %rev3A_366 = tpu.iota {dimensions = array<i32: 0>} : vector<16xi32>
      %rev3A_367 = arith.subi %rev3A_365, %rev3A_366 : vector<16xi32>
      %rev3A_368 = tpu.dynamic_gather %sort3A_345[%rev3A_367] in [0] : vector<16xf32>, vector<16xi32> -> vector<16xf32>
      %min3A_369 = arith.minimumf %sort3A_341, %rev3A_368 : vector<16xf32>
      %sort3A_370 = arith.constant dense<true> : vector<16xi1>
      %sort3A_371, %sort3A_372, %sort3A_373 = tpu.sort %min3A_369, %min3A_369 masked %sort3A_370 : (vector<16xf32>, vector<16xf32>, vector<16xi1>) -> (vector<16xi1>, vector<16xf32>, vector<16xf32>)
      %rev3A_374 = arith.constant 15 : i32
      %rev3A_375 = vector.broadcast %rev3A_374 : i32 to vector<16xi32>
      %rev3A_376 = tpu.iota {dimensions = array<i32: 0>} : vector<16xi32>
      %rev3A_377 = arith.subi %rev3A_375, %rev3A_376 : vector<16xi32>
      %rev3A_378 = tpu.dynamic_gather %sort3A_345[%rev3A_377] in [0] : vector<16xf32>, vector<16xi32> -> vector<16xf32>
      %max3A_379 = arith.maximumf %sort3A_341, %rev3A_378 : vector<16xf32>
      %sort3A_380 = arith.constant dense<true> : vector<16xi1>
      %sort3A_381, %sort3A_382, %sort3A_383 = tpu.sort %max3A_379, %max3A_379 masked %sort3A_380 : (vector<16xf32>, vector<16xf32>, vector<16xi1>) -> (vector<16xi1>, vector<16xf32>, vector<16xf32>)
      %rev3A_384 = arith.constant 15 : i32
      %rev3A_385 = vector.broadcast %rev3A_384 : i32 to vector<16xi32>
      %rev3A_386 = tpu.iota {dimensions = array<i32: 0>} : vector<16xi32>
      %rev3A_387 = arith.subi %rev3A_385, %rev3A_386 : vector<16xi32>
      %rev3A_388 = tpu.dynamic_gather %sort3A_372[%rev3A_387] in [0] : vector<16xf32>, vector<16xi32> -> vector<16xf32>
      %max3A_389 = arith.maximumf %sort3A_353, %rev3A_388 : vector<16xf32>
      %sort3A_390 = arith.constant dense<true> : vector<16xi1>
      %sort3A_391, %sort3A_392, %sort3A_393 = tpu.sort %max3A_389, %max3A_389 masked %sort3A_390 : (vector<16xf32>, vector<16xf32>, vector<16xi1>) -> (vector<16xi1>, vector<16xf32>, vector<16xf32>)
      %rev3A_394 = arith.constant 15 : i32
      %rev3A_395 = vector.broadcast %rev3A_394 : i32 to vector<16xi32>
      %rev3A_396 = tpu.iota {dimensions = array<i32: 0>} : vector<16xi32>
      %rev3A_397 = arith.subi %rev3A_395, %rev3A_396 : vector<16xi32>
      %rev3A_398 = tpu.dynamic_gather %sort3A_362[%rev3A_397] in [0] : vector<16xf32>, vector<16xi32> -> vector<16xf32>
      %min3A_399 = arith.minimumf %sort3A_392, %rev3A_398 : vector<16xf32>
      %sort3A_400 = arith.constant dense<true> : vector<16xi1>
      %sort3A_401, %sort3A_402, %sort3A_403 = tpu.sort %min3A_399, %min3A_399 masked %sort3A_400 : (vector<16xf32>, vector<16xf32>, vector<16xi1>) -> (vector<16xi1>, vector<16xf32>, vector<16xf32>)
      %rev3A_404 = arith.constant 15 : i32
      %rev3A_405 = vector.broadcast %rev3A_404 : i32 to vector<16xi32>
      %rev3A_406 = tpu.iota {dimensions = array<i32: 0>} : vector<16xi32>
      %rev3A_407 = arith.subi %rev3A_405, %rev3A_406 : vector<16xi32>
      %rev3A_408 = tpu.dynamic_gather %sort3A_382[%rev3A_407] in [0] : vector<16xf32>, vector<16xi32> -> vector<16xf32>
      %min3A_409 = arith.minimumf %sort3A_402, %rev3A_408 : vector<16xf32>
      %sort3A_410 = arith.constant dense<true> : vector<16xi1>
      %sort3A_411, %sort3A_412, %sort3A_413 = tpu.sort %min3A_409, %min3A_409 masked %sort3A_410 : (vector<16xf32>, vector<16xf32>, vector<16xi1>) -> (vector<16xi1>, vector<16xf32>, vector<16xf32>)
      %slice3A = vector.extract_strided_slice %sort3A_412 {offsets = [4], sizes = [1], strides = [1]} : vector<16xf32> to vector<1xf32>
      %squeeze3A = vector.extract %slice3A[0] : f32 from vector<1xf32>
      %ge3A = vector.broadcast %squeeze3A : f32 to vector<16xf32>
      %ge3A_414 = arith.cmpf oge, %get3A_310, %ge3A : vector<16xf32>
      %exp3A = math.exp %get3A_310 : vector<16xf32>
      %jit3A = arith.constant 0.000000e+00 : f32
      %broadcast_in_dim3A = vector.broadcast %jit3A : f32 to vector<16xf32>
      %select_n3A = arith.select %ge3A_414, %exp3A, %broadcast_in_dim3A : vector<16xi1>, vector<16xf32>
      %ge3A_415 = vector.broadcast %squeeze3A : f32 to vector<16xf32>
      %ge3A_416 = arith.cmpf oge, %get3A_317, %ge3A_415 : vector<16xf32>
      %exp3A_417 = math.exp %get3A_317 : vector<16xf32>
      %jit3A_418 = arith.constant 0.000000e+00 : f32
      %broadcast_in_dim3A_419 = vector.broadcast %jit3A_418 : f32 to vector<16xf32>
      %select_n3A_420 = arith.select %ge3A_416, %exp3A_417, %broadcast_in_dim3A_419 : vector<16xi1>, vector<16xf32>
      %ge3A_421 = vector.broadcast %squeeze3A : f32 to vector<16xf32>
      %ge3A_422 = arith.cmpf oge, %get3A_324, %ge3A_421 : vector<16xf32>
      %exp3A_423 = math.exp %get3A_324 : vector<16xf32>
      %jit3A_424 = arith.constant 0.000000e+00 : f32
      %broadcast_in_dim3A_425 = vector.broadcast %jit3A_424 : f32 to vector<16xf32>
      %select_n3A_426 = arith.select %ge3A_422, %exp3A_423, %broadcast_in_dim3A_425 : vector<16xi1>, vector<16xf32>
      %ge3A_427 = vector.broadcast %squeeze3A : f32 to vector<16xf32>
      %ge3A_428 = arith.cmpf oge, %get3A_331, %ge3A_427 : vector<16xf32>
      %exp3A_429 = math.exp %get3A_331 : vector<16xf32>
      %jit3A_430 = arith.constant 0.000000e+00 : f32
      %broadcast_in_dim3A_431 = vector.broadcast %jit3A_430 : f32 to vector<16xf32>
      %select_n3A_432 = arith.select %ge3A_428, %exp3A_429, %broadcast_in_dim3A_431 : vector<16xi1>, vector<16xf32>
      %add3A_433 = arith.addf %select_n3A, %select_n3A_420 : vector<16xf32>
      %add3A_434 = arith.addf %add3A_433, %select_n3A_426 : vector<16xf32>
      %add3A_435 = arith.addf %add3A_434, %select_n3A_432 : vector<16xf32>
      %reduce_sum3A = arith.constant true
      %reduce_sum3A_436 = vector.broadcast %reduce_sum3A : i1 to vector<16xi1>
      %reduce_sum3A_437 = tpu.scan <sum>, %add3A_435 masked %reduce_sum3A_436 : vector<16xf32>, vector<16xi1> -> vector<16xf32>
      %reduce_sum3A_438 = vector.extract %reduce_sum3A_437[15] : f32 from vector<16xf32>
      %div3A = vector.broadcast %reduce_sum3A_438 : f32 to vector<16xf32>
      %div3A_439 = arith.divf %select_n3A, %div3A : vector<16xf32>
      %swap3A = arith.constant 0 : i32
      %swap3A_440 = arith.constant 0 : i32
      %swap3A_441 = tpu.memref_slice %arg5[%scan3A_187, %swap3A, %swap3A_440] : memref<2x256x64xf32, #tpu.memory_space<vmem>> -> memref<1x256x64xf32, #tpu.memory_space<vmem>>
      %swap3A_442 = tpu.memref_squeeze %swap3A_441 : memref<1x256x64xf32, #tpu.memory_space<vmem>> -> memref<256x64xf32, #tpu.memory_space<vmem>>
      %swap3A_443 = arith.index_cast %add3A_304 : i32 to index
      %swap3A_444 = arith.constant 0 : index
      %swap3A_445 = tpu.vector_load %swap3A_442[%swap3A_443, %swap3A_444] {strides = array<i32>} : memref<256x64xf32, #tpu.memory_space<vmem>>, vector<16xf32>,
      tpu.vector_store %swap3A_442[%swap3A_443, %swap3A_444], %div3A_439 {strides = array<i32>} : memref<256x64xf32, #tpu.memory_space<vmem>>, vector<16xf32>,
      %div3A_446 = vector.broadcast %reduce_sum3A_438 : f32 to vector<16xf32>
      %div3A_447 = arith.divf %select_n3A_420, %div3A_446 : vector<16xf32>
      %swap3A_448 = arith.constant 0 : i32
      %swap3A_449 = arith.constant 0 : i32
      %swap3A_450 = tpu.memref_slice %arg5[%scan3A_187, %swap3A_448, %swap3A_449] : memref<2x256x64xf32, #tpu.memory_space<vmem>> -> memref<1x256x64xf32, #tpu.memory_space<vmem>>
      %swap3A_451 = tpu.memref_squeeze %swap3A_450 : memref<1x256x64xf32, #tpu.memory_space<vmem>> -> memref<256x64xf32, #tpu.memory_space<vmem>>
      %swap3A_452 = arith.index_cast %add3A_304 : i32 to index
      %swap3A_453 = arith.constant 16 : index
      %swap3A_454 = tpu.vector_load %swap3A_451[%swap3A_452, %swap3A_453] {strides = array<i32>} : memref<256x64xf32, #tpu.memory_space<vmem>>, vector<16xf32>,
      tpu.vector_store %swap3A_451[%swap3A_452, %swap3A_453], %div3A_447 {strides = array<i32>} : memref<256x64xf32, #tpu.memory_space<vmem>>, vector<16xf32>,
      %div3A_455 = vector.broadcast %reduce_sum3A_438 : f32 to vector<16xf32>
      %div3A_456 = arith.divf %select_n3A_426, %div3A_455 : vector<16xf32>
      %swap3A_457 = arith.constant 0 : i32
      %swap3A_458 = arith.constant 0 : i32
      %swap3A_459 = tpu.memref_slice %arg5[%scan3A_187, %swap3A_457, %swap3A_458] : memref<2x256x64xf32, #tpu.memory_space<vmem>> -> memref<1x256x64xf32, #tpu.memory_space<vmem>>
      %swap3A_460 = tpu.memref_squeeze %swap3A_459 : memref<1x256x64xf32, #tpu.memory_space<vmem>> -> memref<256x64xf32, #tpu.memory_space<vmem>>
      %swap3A_461 = arith.index_cast %add3A_304 : i32 to index
      %swap3A_462 = arith.constant 32 : index
      %swap3A_463 = tpu.vector_load %swap3A_460[%swap3A_461, %swap3A_462] {strides = array<i32>} : memref<256x64xf32, #tpu.memory_space<vmem>>, vector<16xf32>,
      tpu.vector_store %swap3A_460[%swap3A_461, %swap3A_462], %div3A_456 {strides = array<i32>} : memref<256x64xf32, #tpu.memory_space<vmem>>, vector<16xf32>,
      %div3A_464 = vector.broadcast %reduce_sum3A_438 : f32 to vector<16xf32>
      %div3A_465 = arith.divf %select_n3A_432, %div3A_464 : vector<16xf32>
      %swap3A_466 = arith.constant 0 : i32
      %swap3A_467 = arith.constant 0 : i32
      %swap3A_468 = tpu.memref_slice %arg5[%scan3A_187, %swap3A_466, %swap3A_467] : memref<2x256x64xf32, #tpu.memory_space<vmem>> -> memref<1x256x64xf32, #tpu.memory_space<vmem>>
      %swap3A_469 = tpu.memref_squeeze %swap3A_468 : memref<1x256x64xf32, #tpu.memory_space<vmem>> -> memref<256x64xf32, #tpu.memory_space<vmem>>
      %swap3A_470 = arith.index_cast %add3A_304 : i32 to index
      %swap3A_471 = arith.constant 48 : index
      %swap3A_472 = tpu.vector_load %swap3A_469[%swap3A_470, %swap3A_471] {strides = array<i32>} : memref<256x64xf32, #tpu.memory_space<vmem>>, vector<16xf32>,
      tpu.vector_store %swap3A_469[%swap3A_470, %swap3A_471], %div3A_465 {strides = array<i32>} : memref<256x64xf32, #tpu.memory_space<vmem>>, vector<16xf32>,
    }
    %scan3A_192 = arith.constant 256 : i32
    %add3A_193 = arith.constant 512 : i32
    %add3A_194 = arith.addi %mul3A_2, %add3A_193 : i32
    %dma_start3A_195 = arith.constant 0 : i32
    %dma_start3A_196 = arith.constant 0 : i32
    %dma_start3A_197 = arith.constant 0 : i32
    %dma_start3A_198 = arith.constant 0 : i32
    %dma_start3A_199 = tpu.memref_slice %arg5[%dma_start3A_195, %dma_start3A_197, %dma_start3A_198] : memref<2x256x64xf32, #tpu.memory_space<vmem>> -> memref<1x256x64xf32, #tpu.memory_space<vmem>>
    %dma_start3A_200 = tpu.memref_squeeze %dma_start3A_199 : memref<1x256x64xf32, #tpu.memory_space<vmem>> -> memref<256x64xf32, #tpu.memory_space<vmem>>
    %dma_start3A_201 = arith.constant 0 : i32
    %dma_start3A_202 = tpu.memref_slice %arg3[%add3A_194, %dma_start3A_201] : memref<32768x64xf32, #tpu.memory_space<hbm>> -> memref<256x64xf32, #tpu.memory_space<hbm>>
    %dma_start3A_203 = tpu.memref_slice %arg7[%dma_start3A_196] : memref<2x!tpu.dma_semaphore, #tpu.memory_space<semaphore_mem>> -> memref<1x!tpu.dma_semaphore, #tpu.memory_space<semaphore_mem>>
    %dma_start3A_204 = tpu.memref_squeeze %dma_start3A_203 : memref<1x!tpu.dma_semaphore, #tpu.memory_space<semaphore_mem>> -> memref<!tpu.dma_semaphore, #tpu.memory_space<semaphore_mem>>
    %dma_start3A_205 = arith.constant 0 : i32
    %dma_start3A_206 = tpu.memref_slice %arg3[%add3A_194, %dma_start3A_205] : memref<32768x64xf32, #tpu.memory_space<hbm>> -> memref<256x64xf32, #tpu.memory_space<hbm>>
    %dma_start3A_207 = arith.constant 0 : i32
    %dma_start3A_208 = arith.constant 0 : i32
    %dma_start3A_209 = tpu.memref_slice %arg5[%dma_start3A_195, %dma_start3A_207, %dma_start3A_208] : memref<2x256x64xf32, #tpu.memory_space<vmem>> -> memref<1x256x64xf32, #tpu.memory_space<vmem>>
    %dma_start3A_210 = tpu.memref_squeeze %dma_start3A_209 : memref<1x256x64xf32, #tpu.memory_space<vmem>> -> memref<256x64xf32, #tpu.memory_space<vmem>>
    tpu.enqueue_dma source(%dma_start3A_210 : memref<256x64xf32, #tpu.memory_space<vmem>>) target(%dma_start3A_206 : memref<256x64xf32, #tpu.memory_space<hbm>>) target_semaphore(%dma_start3A_204 : memref<!tpu.dma_semaphore, #tpu.memory_space<semaphore_mem>>)
    %dma_wait3A_211 = arith.constant 1 : i32
    %dma_wait3A_212 = arith.constant 1 : i32
    %dma_wait3A_213 = arith.constant 0 : i32
    %dma_wait3A_214 = arith.constant 0 : i32
    %dma_wait3A_215 = tpu.memref_slice %arg4[%dma_wait3A_211, %dma_wait3A_213, %dma_wait3A_214] : memref<2x256x64xf32, #tpu.memory_space<vmem>> -> memref<1x256x64xf32, #tpu.memory_space<vmem>>
    %dma_wait3A_216 = tpu.memref_squeeze %dma_wait3A_215 : memref<1x256x64xf32, #tpu.memory_space<vmem>> -> memref<256x64xf32, #tpu.memory_space<vmem>>
    %dma_wait3A_217 = arith.constant 0 : i32
    %dma_wait3A_218 = tpu.memref_slice %arg2[%add3A_137, %dma_wait3A_217] : memref<32768x64xf32, #tpu.memory_space<hbm>> -> memref<256x64xf32, #tpu.memory_space<hbm>>
    %dma_wait3A_219 = tpu.memref_slice %arg6[%dma_wait3A_212] : memref<2x!tpu.dma_semaphore, #tpu.memory_space<semaphore_mem>> -> memref<1x!tpu.dma_semaphore, #tpu.memory_space<semaphore_mem>>
    %dma_wait3A_220 = tpu.memref_squeeze %dma_wait3A_219 : memref<1x!tpu.dma_semaphore, #tpu.memory_space<semaphore_mem>> -> memref<!tpu.dma_semaphore, #tpu.memory_space<semaphore_mem>>
    %dma_wait3A_221 = arith.constant 0 : i32
    %dma_wait3A_222 = arith.constant 0 : i32
    %dma_wait3A_223 = tpu.memref_slice %arg4[%dma_wait3A_211, %dma_wait3A_221, %dma_wait3A_222] : memref<2x256x64xf32, #tpu.memory_space<vmem>> -> memref<1x256x64xf32, #tpu.memory_space<vmem>>
    %dma_wait3A_224 = tpu.memref_squeeze %dma_wait3A_223 : memref<1x256x64xf32, #tpu.memory_space<vmem>> -> memref<256x64xf32, #tpu.memory_space<vmem>>
    %dma_wait3A_225 = arith.constant 0 : i32
    %dma_wait3A_226 = tpu.memref_slice %arg2[%add3A_137, %dma_wait3A_225] : memref<32768x64xf32, #tpu.memory_space<hbm>> -> memref<256x64xf32, #tpu.memory_space<hbm>>
    tpu.wait_dma2 semaphore(%dma_wait3A_220 : memref<!tpu.dma_semaphore, #tpu.memory_space<semaphore_mem>>) src(%dma_wait3A_226 : memref<256x64xf32, #tpu.memory_space<hbm>>) dst(%dma_wait3A_224 : memref<256x64xf32, #tpu.memory_space<vmem>>)
    %dma_wait3A_227 = arith.constant 1 : i32
    %dma_wait3A_228 = arith.constant 1 : i32
    %dma_wait3A_229 = arith.constant 0 : i32
    %dma_wait3A_230 = arith.constant 0 : i32
    %dma_wait3A_231 = tpu.memref_slice %arg5[%dma_wait3A_227, %dma_wait3A_229, %dma_wait3A_230] : memref<2x256x64xf32, #tpu.memory_space<vmem>> -> memref<1x256x64xf32, #tpu.memory_space<vmem>>
    %dma_wait3A_232 = tpu.memref_squeeze %dma_wait3A_231 : memref<1x256x64xf32, #tpu.memory_space<vmem>> -> memref<256x64xf32, #tpu.memory_space<vmem>>
    %dma_wait3A_233 = arith.constant 0 : i32
    %dma_wait3A_234 = tpu.memref_slice %arg3[%add3A_119, %dma_wait3A_233] : memref<32768x64xf32, #tpu.memory_space<hbm>> -> memref<256x64xf32, #tpu.memory_space<hbm>>
    %dma_wait3A_235 = tpu.memref_slice %arg7[%dma_wait3A_228] : memref<2x!tpu.dma_semaphore, #tpu.memory_space<semaphore_mem>> -> memref<1x!tpu.dma_semaphore, #tpu.memory_space<semaphore_mem>>
    %dma_wait3A_236 = tpu.memref_squeeze %dma_wait3A_235 : memref<1x!tpu.dma_semaphore, #tpu.memory_space<semaphore_mem>> -> memref<!tpu.dma_semaphore, #tpu.memory_space<semaphore_mem>>
    %dma_wait3A_237 = arith.constant 0 : i32
    %dma_wait3A_238 = tpu.memref_slice %arg3[%add3A_119, %dma_wait3A_237] : memref<32768x64xf32, #tpu.memory_space<hbm>> -> memref<256x64xf32, #tpu.memory_space<hbm>>
    %dma_wait3A_239 = arith.constant 0 : i32
    %dma_wait3A_240 = arith.constant 0 : i32
    %dma_wait3A_241 = tpu.memref_slice %arg5[%dma_wait3A_227, %dma_wait3A_239, %dma_wait3A_240] : memref<2x256x64xf32, #tpu.memory_space<vmem>> -> memref<1x256x64xf32, #tpu.memory_space<vmem>>
    %dma_wait3A_242 = tpu.memref_squeeze %dma_wait3A_241 : memref<1x256x64xf32, #tpu.memory_space<vmem>> -> memref<256x64xf32, #tpu.memory_space<vmem>>
    tpu.wait_dma2 semaphore(%dma_wait3A_236 : memref<!tpu.dma_semaphore, #tpu.memory_space<semaphore_mem>>) src(%dma_wait3A_242 : memref<256x64xf32, #tpu.memory_space<vmem>>) dst(%dma_wait3A_238 : memref<256x64xf32, #tpu.memory_space<hbm>>)
    %scan3A_243 = arith.constant 1 : i32
    %scan3A_244 = arith.constant 1 : i32
    %scan3A_245 = arith.constant 0 : i32
    %scan3A_246 = arith.constant 256 : i32
    %scan3A_247 = arith.addi %scan3A_245, %scan3A_246 : i32
    %scan3A_248 = arith.constant 1 : i32
    scf.for %scan3A_300 = %scan3A_245 to %scan3A_247 step %scan3A_248  : i32 {
      %mul3A_301 = arith.constant 1 : i32
      %mul3A_302 = arith.muli %scan3A_300, %mul3A_301 : i32
      %add3A_303 = arith.constant 0 : i32
      %add3A_304 = arith.addi %add3A_303, %mul3A_302 : i32
      %get3A = arith.constant 0 : i32
      %get3A_305 = arith.constant 0 : i32
      %get3A_306 = tpu.memref_slice %arg4[%scan3A_243, %get3A, %get3A_305] : memref<2x256x64xf32, #tpu.memory_space<vmem>> -> memref<1x256x64xf32, #tpu.memory_space<vmem>>
      %get3A_307 = tpu.memref_squeeze %get3A_306 : memref<1x256x64xf32, #tpu.memory_space<vmem>> -> memref<256x64xf32, #tpu.memory_space<vmem>>
      %get3A_308 = arith.index_cast %add3A_304 : i32 to index
      %get3A_309 = arith.constant 0 : index
      %get3A_310 = tpu.vector_load %get3A_307[%get3A_308, %get3A_309] {strides = array<i32>} : memref<256x64xf32, #tpu.memory_space<vmem>>, vector<16xf32>,
      %get3A_311 = arith.constant 0 : i32
      %get3A_312 = arith.constant 0 : i32
      %get3A_313 = tpu.memref_slice %arg4[%scan3A_243, %get3A_311, %get3A_312] : memref<2x256x64xf32, #tpu.memory_space<vmem>> -> memref<1x256x64xf32, #tpu.memory_space<vmem>>
      %get3A_314 = tpu.memref_squeeze %get3A_313 : memref<1x256x64xf32, #tpu.memory_space<vmem>> -> memref<256x64xf32, #tpu.memory_space<vmem>>
      %get3A_315 = arith.index_cast %add3A_304 : i32 to index
      %get3A_316 = arith.constant 16 : index
      %get3A_317 = tpu.vector_load %get3A_314[%get3A_315, %get3A_316] {strides = array<i32>} : memref<256x64xf32, #tpu.memory_space<vmem>>, vector<16xf32>,
      %get3A_318 = arith.constant 0 : i32
      %get3A_319 = arith.constant 0 : i32
      %get3A_320 = tpu.memref_slice %arg4[%scan3A_243, %get3A_318, %get3A_319] : memref<2x256x64xf32, #tpu.memory_space<vmem>> -> memref<1x256x64xf32, #tpu.memory_space<vmem>>
      %get3A_321 = tpu.memref_squeeze %get3A_320 : memref<1x256x64xf32, #tpu.memory_space<vmem>> -> memref<256x64xf32, #tpu.memory_space<vmem>>
      %get3A_322 = arith.index_cast %add3A_304 : i32 to index
      %get3A_323 = arith.constant 32 : index
      %get3A_324 = tpu.vector_load %get3A_321[%get3A_322, %get3A_323] {strides = array<i32>} : memref<256x64xf32, #tpu.memory_space<vmem>>, vector<16xf32>,
      %get3A_325 = arith.constant 0 : i32
      %get3A_326 = arith.constant 0 : i32
      %get3A_327 = tpu.memref_slice %arg4[%scan3A_243, %get3A_325, %get3A_326] : memref<2x256x64xf32, #tpu.memory_space<vmem>> -> memref<1x256x64xf32, #tpu.memory_space<vmem>>
      %get3A_328 = tpu.memref_squeeze %get3A_327 : memref<1x256x64xf32, #tpu.memory_space<vmem>> -> memref<256x64xf32, #tpu.memory_space<vmem>>
      %get3A_329 = arith.index_cast %add3A_304 : i32 to index
      %get3A_330 = arith.constant 48 : index
      %get3A_331 = tpu.vector_load %get3A_328[%get3A_329, %get3A_330] {strides = array<i32>} : memref<256x64xf32, #tpu.memory_space<vmem>>, vector<16xf32>,
      %sort3A = arith.constant dense<true> : vector<16xi1>
      %sort3A_332, %sort3A_333, %sort3A_334 = tpu.sort %get3A_310, %get3A_310 masked %sort3A : (vector<16xf32>, vector<16xf32>, vector<16xi1>) -> (vector<16xi1>, vector<16xf32>, vector<16xf32>)
      %sort3A_335 = arith.constant dense<true> : vector<16xi1>
      %sort3A_336, %sort3A_337, %sort3A_338 = tpu.sort %get3A_317, %get3A_317 masked %sort3A_335 : (vector<16xf32>, vector<16xf32>, vector<16xi1>) -> (vector<16xi1>, vector<16xf32>, vector<16xf32>)
      %sort3A_339 = arith.constant dense<true> : vector<16xi1>
      %sort3A_340, %sort3A_341, %sort3A_342 = tpu.sort %get3A_324, %get3A_324 masked %sort3A_339 : (vector<16xf32>, vector<16xf32>, vector<16xi1>) -> (vector<16xi1>, vector<16xf32>, vector<16xf32>)
      %sort3A_343 = arith.constant dense<true> : vector<16xi1>
      %sort3A_344, %sort3A_345, %sort3A_346 = tpu.sort %get3A_331, %get3A_331 masked %sort3A_343 : (vector<16xf32>, vector<16xf32>, vector<16xi1>) -> (vector<16xi1>, vector<16xf32>, vector<16xf32>)
      %rev3A = arith.constant 15 : i32
      %rev3A_347 = vector.broadcast %rev3A : i32 to vector<16xi32>
      %rev3A_348 = tpu.iota {dimensions = array<i32: 0>} : vector<16xi32>
      %rev3A_349 = arith.subi %rev3A_347, %rev3A_348 : vector<16xi32>
      %rev3A_350 = tpu.dynamic_gather %sort3A_337[%rev3A_349] in [0] : vector<16xf32>, vector<16xi32> -> vector<16xf32>
      %min3A = arith.minimumf %sort3A_333, %rev3A_350 : vector<16xf32>
      %sort3A_351 = arith.constant dense<true> : vector<16xi1>
      %sort3A_352, %sort3A_353, %sort3A_354 = tpu.sort %min3A, %min3A masked %sort3A_351 : (vector<16xf32>, vector<16xf32>, vector<16xi1>) -> (vector<16xi1>, vector<16xf32>, vector<16xf32>)
      %rev3A_355 = arith.constant 15 : i32
      %rev3A_356 = vector.broadcast %rev3A_355 : i32 to vector<16xi32>
      %rev3A_357 = tpu.iota {dimensions = array<i32: 0>} : vector<16xi32>
      %rev3A_358 = arith.subi %rev3A_356, %rev3A_357 : vector<16xi32>
      %rev3A_359 = tpu.dynamic_gather %sort3A_337[%rev3A_358] in [0] : vector<16xf32>, vector<16xi32> -> vector<16xf32>
      %max3A = arith.maximumf %sort3A_333, %rev3A_359 : vector<16xf32>
      %sort3A_360 = arith.constant dense<true> : vector<16xi1>
      %sort3A_361, %sort3A_362, %sort3A_363 = tpu.sort %max3A, %max3A masked %sort3A_360 : (vector<16xf32>, vector<16xf32>, vector<16xi1>) -> (vector<16xi1>, vector<16xf32>, vector<16xf32>)
      %rev3A_364 = arith.constant 15 : i32
      %rev3A_365 = vector.broadcast %rev3A_364 : i32 to vector<16xi32>
      %rev3A_366 = tpu.iota {dimensions = array<i32: 0>} : vector<16xi32>
      %rev3A_367 = arith.subi %rev3A_365, %rev3A_366 : vector<16xi32>
      %rev3A_368 = tpu.dynamic_gather %sort3A_345[%rev3A_367] in [0] : vector<16xf32>, vector<16xi32> -> vector<16xf32>
      %min3A_369 = arith.minimumf %sort3A_341, %rev3A_368 : vector<16xf32>
      %sort3A_370 = arith.constant dense<true> : vector<16xi1>
      %sort3A_371, %sort3A_372, %sort3A_373 = tpu.sort %min3A_369, %min3A_369 masked %sort3A_370 : (vector<16xf32>, vector<16xf32>, vector<16xi1>) -> (vector<16xi1>, vector<16xf32>, vector<16xf32>)
      %rev3A_374 = arith.constant 15 : i32
      %rev3A_375 = vector.broadcast %rev3A_374 : i32 to vector<16xi32>
      %rev3A_376 = tpu.iota {dimensions = array<i32: 0>} : vector<16xi32>
      %rev3A_377 = arith.subi %rev3A_375, %rev3A_376 : vector<16xi32>
      %rev3A_378 = tpu.dynamic_gather %sort3A_345[%rev3A_377] in [0] : vector<16xf32>, vector<16xi32> -> vector<16xf32>
      %max3A_379 = arith.maximumf %sort3A_341, %rev3A_378 : vector<16xf32>
      %sort3A_380 = arith.constant dense<true> : vector<16xi1>
      %sort3A_381, %sort3A_382, %sort3A_383 = tpu.sort %max3A_379, %max3A_379 masked %sort3A_380 : (vector<16xf32>, vector<16xf32>, vector<16xi1>) -> (vector<16xi1>, vector<16xf32>, vector<16xf32>)
      %rev3A_384 = arith.constant 15 : i32
      %rev3A_385 = vector.broadcast %rev3A_384 : i32 to vector<16xi32>
      %rev3A_386 = tpu.iota {dimensions = array<i32: 0>} : vector<16xi32>
      %rev3A_387 = arith.subi %rev3A_385, %rev3A_386 : vector<16xi32>
      %rev3A_388 = tpu.dynamic_gather %sort3A_372[%rev3A_387] in [0] : vector<16xf32>, vector<16xi32> -> vector<16xf32>
      %max3A_389 = arith.maximumf %sort3A_353, %rev3A_388 : vector<16xf32>
      %sort3A_390 = arith.constant dense<true> : vector<16xi1>
      %sort3A_391, %sort3A_392, %sort3A_393 = tpu.sort %max3A_389, %max3A_389 masked %sort3A_390 : (vector<16xf32>, vector<16xf32>, vector<16xi1>) -> (vector<16xi1>, vector<16xf32>, vector<16xf32>)
      %rev3A_394 = arith.constant 15 : i32
      %rev3A_395 = vector.broadcast %rev3A_394 : i32 to vector<16xi32>
      %rev3A_396 = tpu.iota {dimensions = array<i32: 0>} : vector<16xi32>
      %rev3A_397 = arith.subi %rev3A_395, %rev3A_396 : vector<16xi32>
      %rev3A_398 = tpu.dynamic_gather %sort3A_362[%rev3A_397] in [0] : vector<16xf32>, vector<16xi32> -> vector<16xf32>
      %min3A_399 = arith.minimumf %sort3A_392, %rev3A_398 : vector<16xf32>
      %sort3A_400 = arith.constant dense<true> : vector<16xi1>
      %sort3A_401, %sort3A_402, %sort3A_403 = tpu.sort %min3A_399, %min3A_399 masked %sort3A_400 : (vector<16xf32>, vector<16xf32>, vector<16xi1>) -> (vector<16xi1>, vector<16xf32>, vector<16xf32>)
      %rev3A_404 = arith.constant 15 : i32
      %rev3A_405 = vector.broadcast %rev3A_404 : i32 to vector<16xi32>
      %rev3A_406 = tpu.iota {dimensions = array<i32: 0>} : vector<16xi32>
      %rev3A_407 = arith.subi %rev3A_405, %rev3A_406 : vector<16xi32>
      %rev3A_408 = tpu.dynamic_gather %sort3A_382[%rev3A_407] in [0] : vector<16xf32>, vector<16xi32> -> vector<16xf32>
      %min3A_409 = arith.minimumf %sort3A_402, %rev3A_408 : vector<16xf32>
      %sort3A_410 = arith.constant dense<true> : vector<16xi1>
      %sort3A_411, %sort3A_412, %sort3A_413 = tpu.sort %min3A_409, %min3A_409 masked %sort3A_410 : (vector<16xf32>, vector<16xf32>, vector<16xi1>) -> (vector<16xi1>, vector<16xf32>, vector<16xf32>)
      %slice3A = vector.extract_strided_slice %sort3A_412 {offsets = [4], sizes = [1], strides = [1]} : vector<16xf32> to vector<1xf32>
      %squeeze3A = vector.extract %slice3A[0] : f32 from vector<1xf32>
      %ge3A = vector.broadcast %squeeze3A : f32 to vector<16xf32>
      %ge3A_414 = arith.cmpf oge, %get3A_310, %ge3A : vector<16xf32>
      %exp3A = math.exp %get3A_310 : vector<16xf32>
      %jit3A = arith.constant 0.000000e+00 : f32
      %broadcast_in_dim3A = vector.broadcast %jit3A : f32 to vector<16xf32>
      %select_n3A = arith.select %ge3A_414, %exp3A, %broadcast_in_dim3A : vector<16xi1>, vector<16xf32>
      %ge3A_415 = vector.broadcast %squeeze3A : f32 to vector<16xf32>
      %ge3A_416 = arith.cmpf oge, %get3A_317, %ge3A_415 : vector<16xf32>
      %exp3A_417 = math.exp %get3A_317 : vector<16xf32>
      %jit3A_418 = arith.constant 0.000000e+00 : f32
      %broadcast_in_dim3A_419 = vector.broadcast %jit3A_418 : f32 to vector<16xf32>
      %select_n3A_420 = arith.select %ge3A_416, %exp3A_417, %broadcast_in_dim3A_419 : vector<16xi1>, vector<16xf32>
      %ge3A_421 = vector.broadcast %squeeze3A : f32 to vector<16xf32>
      %ge3A_422 = arith.cmpf oge, %get3A_324, %ge3A_421 : vector<16xf32>
      %exp3A_423 = math.exp %get3A_324 : vector<16xf32>
      %jit3A_424 = arith.constant 0.000000e+00 : f32
      %broadcast_in_dim3A_425 = vector.broadcast %jit3A_424 : f32 to vector<16xf32>
      %select_n3A_426 = arith.select %ge3A_422, %exp3A_423, %broadcast_in_dim3A_425 : vector<16xi1>, vector<16xf32>
      %ge3A_427 = vector.broadcast %squeeze3A : f32 to vector<16xf32>
      %ge3A_428 = arith.cmpf oge, %get3A_331, %ge3A_427 : vector<16xf32>
      %exp3A_429 = math.exp %get3A_331 : vector<16xf32>
      %jit3A_430 = arith.constant 0.000000e+00 : f32
      %broadcast_in_dim3A_431 = vector.broadcast %jit3A_430 : f32 to vector<16xf32>
      %select_n3A_432 = arith.select %ge3A_428, %exp3A_429, %broadcast_in_dim3A_431 : vector<16xi1>, vector<16xf32>
      %add3A_433 = arith.addf %select_n3A, %select_n3A_420 : vector<16xf32>
      %add3A_434 = arith.addf %add3A_433, %select_n3A_426 : vector<16xf32>
      %add3A_435 = arith.addf %add3A_434, %select_n3A_432 : vector<16xf32>
      %reduce_sum3A = arith.constant true
      %reduce_sum3A_436 = vector.broadcast %reduce_sum3A : i1 to vector<16xi1>
      %reduce_sum3A_437 = tpu.scan <sum>, %add3A_435 masked %reduce_sum3A_436 : vector<16xf32>, vector<16xi1> -> vector<16xf32>
      %reduce_sum3A_438 = vector.extract %reduce_sum3A_437[15] : f32 from vector<16xf32>
      %div3A = vector.broadcast %reduce_sum3A_438 : f32 to vector<16xf32>
      %div3A_439 = arith.divf %select_n3A, %div3A : vector<16xf32>
      %swap3A = arith.constant 0 : i32
      %swap3A_440 = arith.constant 0 : i32
      %swap3A_441 = tpu.memref_slice %arg5[%scan3A_244, %swap3A, %swap3A_440] : memref<2x256x64xf32, #tpu.memory_space<vmem>> -> memref<1x256x64xf32, #tpu.memory_space<vmem>>
      %swap3A_442 = tpu.memref_squeeze %swap3A_441 : memref<1x256x64xf32, #tpu.memory_space<vmem>> -> memref<256x64xf32, #tpu.memory_space<vmem>>
      %swap3A_443 = arith.index_cast %add3A_304 : i32 to index
      %swap3A_444 = arith.constant 0 : index
      %swap3A_445 = tpu.vector_load %swap3A_442[%swap3A_443, %swap3A_444] {strides = array<i32>} : memref<256x64xf32, #tpu.memory_space<vmem>>, vector<16xf32>,
      tpu.vector_store %swap3A_442[%swap3A_443, %swap3A_444], %div3A_439 {strides = array<i32>} : memref<256x64xf32, #tpu.memory_space<vmem>>, vector<16xf32>,
      %div3A_446 = vector.broadcast %reduce_sum3A_438 : f32 to vector<16xf32>
      %div3A_447 = arith.divf %select_n3A_420, %div3A_446 : vector<16xf32>
      %swap3A_448 = arith.constant 0 : i32
      %swap3A_449 = arith.constant 0 : i32
      %swap3A_450 = tpu.memref_slice %arg5[%scan3A_244, %swap3A_448, %swap3A_449] : memref<2x256x64xf32, #tpu.memory_space<vmem>> -> memref<1x256x64xf32, #tpu.memory_space<vmem>>
      %swap3A_451 = tpu.memref_squeeze %swap3A_450 : memref<1x256x64xf32, #tpu.memory_space<vmem>> -> memref<256x64xf32, #tpu.memory_space<vmem>>
      %swap3A_452 = arith.index_cast %add3A_304 : i32 to index
      %swap3A_453 = arith.constant 16 : index
      %swap3A_454 = tpu.vector_load %swap3A_451[%swap3A_452, %swap3A_453] {strides = array<i32>} : memref<256x64xf32, #tpu.memory_space<vmem>>, vector<16xf32>,
      tpu.vector_store %swap3A_451[%swap3A_452, %swap3A_453], %div3A_447 {strides = array<i32>} : memref<256x64xf32, #tpu.memory_space<vmem>>, vector<16xf32>,
      %div3A_455 = vector.broadcast %reduce_sum3A_438 : f32 to vector<16xf32>
      %div3A_456 = arith.divf %select_n3A_426, %div3A_455 : vector<16xf32>
      %swap3A_457 = arith.constant 0 : i32
      %swap3A_458 = arith.constant 0 : i32
      %swap3A_459 = tpu.memref_slice %arg5[%scan3A_244, %swap3A_457, %swap3A_458] : memref<2x256x64xf32, #tpu.memory_space<vmem>> -> memref<1x256x64xf32, #tpu.memory_space<vmem>>
      %swap3A_460 = tpu.memref_squeeze %swap3A_459 : memref<1x256x64xf32, #tpu.memory_space<vmem>> -> memref<256x64xf32, #tpu.memory_space<vmem>>
      %swap3A_461 = arith.index_cast %add3A_304 : i32 to index
      %swap3A_462 = arith.constant 32 : index
      %swap3A_463 = tpu.vector_load %swap3A_460[%swap3A_461, %swap3A_462] {strides = array<i32>} : memref<256x64xf32, #tpu.memory_space<vmem>>, vector<16xf32>,
      tpu.vector_store %swap3A_460[%swap3A_461, %swap3A_462], %div3A_456 {strides = array<i32>} : memref<256x64xf32, #tpu.memory_space<vmem>>, vector<16xf32>,
      %div3A_464 = vector.broadcast %reduce_sum3A_438 : f32 to vector<16xf32>
      %div3A_465 = arith.divf %select_n3A_432, %div3A_464 : vector<16xf32>
      %swap3A_466 = arith.constant 0 : i32
      %swap3A_467 = arith.constant 0 : i32
      %swap3A_468 = tpu.memref_slice %arg5[%scan3A_244, %swap3A_466, %swap3A_467] : memref<2x256x64xf32, #tpu.memory_space<vmem>> -> memref<1x256x64xf32, #tpu.memory_space<vmem>>
      %swap3A_469 = tpu.memref_squeeze %swap3A_468 : memref<1x256x64xf32, #tpu.memory_space<vmem>> -> memref<256x64xf32, #tpu.memory_space<vmem>>
      %swap3A_470 = arith.index_cast %add3A_304 : i32 to index
      %swap3A_471 = arith.constant 48 : index
      %swap3A_472 = tpu.vector_load %swap3A_469[%swap3A_470, %swap3A_471] {strides = array<i32>} : memref<256x64xf32, #tpu.memory_space<vmem>>, vector<16xf32>,
      tpu.vector_store %swap3A_469[%swap3A_470, %swap3A_471], %div3A_465 {strides = array<i32>} : memref<256x64xf32, #tpu.memory_space<vmem>>, vector<16xf32>,
    }
    %scan3A_249 = arith.constant 256 : i32
    %add3A_250 = arith.constant 768 : i32
    %add3A_251 = arith.addi %mul3A_2, %add3A_250 : i32
    %dma_start3A_252 = arith.constant 1 : i32
    %dma_start3A_253 = arith.constant 1 : i32
    %dma_start3A_254 = arith.constant 0 : i32
    %dma_start3A_255 = arith.constant 0 : i32
    %dma_start3A_256 = tpu.memref_slice %arg5[%dma_start3A_252, %dma_start3A_254, %dma_start3A_255] : memref<2x256x64xf32, #tpu.memory_space<vmem>> -> memref<1x256x64xf32, #tpu.memory_space<vmem>>
    %dma_start3A_257 = tpu.memref_squeeze %dma_start3A_256 : memref<1x256x64xf32, #tpu.memory_space<vmem>> -> memref<256x64xf32, #tpu.memory_space<vmem>>
    %dma_start3A_258 = arith.constant 0 : i32
    %dma_start3A_259 = tpu.memref_slice %arg3[%add3A_251, %dma_start3A_258] : memref<32768x64xf32, #tpu.memory_space<hbm>> -> memref<256x64xf32, #tpu.memory_space<hbm>>
    %dma_start3A_260 = tpu.memref_slice %arg7[%dma_start3A_253] : memref<2x!tpu.dma_semaphore, #tpu.memory_space<semaphore_mem>> -> memref<1x!tpu.dma_semaphore, #tpu.memory_space<semaphore_mem>>
    %dma_start3A_261 = tpu.memref_squeeze %dma_start3A_260 : memref<1x!tpu.dma_semaphore, #tpu.memory_space<semaphore_mem>> -> memref<!tpu.dma_semaphore, #tpu.memory_space<semaphore_mem>>
    %dma_start3A_262 = arith.constant 0 : i32
    %dma_start3A_263 = tpu.memref_slice %arg3[%add3A_251, %dma_start3A_262] : memref<32768x64xf32, #tpu.memory_space<hbm>> -> memref<256x64xf32, #tpu.memory_space<hbm>>
    %dma_start3A_264 = arith.constant 0 : i32
    %dma_start3A_265 = arith.constant 0 : i32
    %dma_start3A_266 = tpu.memref_slice %arg5[%dma_start3A_252, %dma_start3A_264, %dma_start3A_265] : memref<2x256x64xf32, #tpu.memory_space<vmem>> -> memref<1x256x64xf32, #tpu.memory_space<vmem>>
    %dma_start3A_267 = tpu.memref_squeeze %dma_start3A_266 : memref<1x256x64xf32, #tpu.memory_space<vmem>> -> memref<256x64xf32, #tpu.memory_space<vmem>>
    tpu.enqueue_dma source(%dma_start3A_267 : memref<256x64xf32, #tpu.memory_space<vmem>>) target(%dma_start3A_263 : memref<256x64xf32, #tpu.memory_space<hbm>>) target_semaphore(%dma_start3A_261 : memref<!tpu.dma_semaphore, #tpu.memory_space<semaphore_mem>>)
    %dma_wait3A_268 = arith.constant 0 : i32
    %dma_wait3A_269 = arith.constant 0 : i32
    %dma_wait3A_270 = arith.constant 0 : i32
    %dma_wait3A_271 = arith.constant 0 : i32
    %dma_wait3A_272 = tpu.memref_slice %arg5[%dma_wait3A_268, %dma_wait3A_270, %dma_wait3A_271] : memref<2x256x64xf32, #tpu.memory_space<vmem>> -> memref<1x256x64xf32, #tpu.memory_space<vmem>>
    %dma_wait3A_273 = tpu.memref_squeeze %dma_wait3A_272 : memref<1x256x64xf32, #tpu.memory_space<vmem>> -> memref<256x64xf32, #tpu.memory_space<vmem>>
    %dma_wait3A_274 = arith.constant 0 : i32
    %dma_wait3A_275 = tpu.memref_slice %arg3[%add3A_194, %dma_wait3A_274] : memref<32768x64xf32, #tpu.memory_space<hbm>> -> memref<256x64xf32, #tpu.memory_space<hbm>>
    %dma_wait3A_276 = tpu.memref_slice %arg7[%dma_wait3A_269] : memref<2x!tpu.dma_semaphore, #tpu.memory_space<semaphore_mem>> -> memref<1x!tpu.dma_semaphore, #tpu.memory_space<semaphore_mem>>
    %dma_wait3A_277 = tpu.memref_squeeze %dma_wait3A_276 : memref<1x!tpu.dma_semaphore, #tpu.memory_space<semaphore_mem>> -> memref<!tpu.dma_semaphore, #tpu.memory_space<semaphore_mem>>
    %dma_wait3A_278 = arith.constant 0 : i32
    %dma_wait3A_279 = tpu.memref_slice %arg3[%add3A_194, %dma_wait3A_278] : memref<32768x64xf32, #tpu.memory_space<hbm>> -> memref<256x64xf32, #tpu.memory_space<hbm>>
    %dma_wait3A_280 = arith.constant 0 : i32
    %dma_wait3A_281 = arith.constant 0 : i32
    %dma_wait3A_282 = tpu.memref_slice %arg5[%dma_wait3A_268, %dma_wait3A_280, %dma_wait3A_281] : memref<2x256x64xf32, #tpu.memory_space<vmem>> -> memref<1x256x64xf32, #tpu.memory_space<vmem>>
    %dma_wait3A_283 = tpu.memref_squeeze %dma_wait3A_282 : memref<1x256x64xf32, #tpu.memory_space<vmem>> -> memref<256x64xf32, #tpu.memory_space<vmem>>
    tpu.wait_dma2 semaphore(%dma_wait3A_277 : memref<!tpu.dma_semaphore, #tpu.memory_space<semaphore_mem>>) src(%dma_wait3A_283 : memref<256x64xf32, #tpu.memory_space<vmem>>) dst(%dma_wait3A_279 : memref<256x64xf32, #tpu.memory_space<hbm>>)
    %dma_wait3A_284 = arith.constant 1 : i32
    %dma_wait3A_285 = arith.constant 1 : i32
    %dma_wait3A_286 = arith.constant 0 : i32
    %dma_wait3A_287 = arith.constant 0 : i32
    %dma_wait3A_288 = tpu.memref_slice %arg5[%dma_wait3A_284, %dma_wait3A_286, %dma_wait3A_287] : memref<2x256x64xf32, #tpu.memory_space<vmem>> -> memref<1x256x64xf32, #tpu.memory_space<vmem>>
    %dma_wait3A_289 = tpu.memref_squeeze %dma_wait3A_288 : memref<1x256x64xf32, #tpu.memory_space<vmem>> -> memref<256x64xf32, #tpu.memory_space<vmem>>
    %dma_wait3A_290 = arith.constant 0 : i32
    %dma_wait3A_291 = tpu.memref_slice %arg3[%add3A_251, %dma_wait3A_290] : memref<32768x64xf32, #tpu.memory_space<hbm>> -> memref<256x64xf32, #tpu.memory_space<hbm>>
    %dma_wait3A_292 = tpu.memref_slice %arg7[%dma_wait3A_285] : memref<2x!tpu.dma_semaphore, #tpu.memory_space<semaphore_mem>> -> memref<1x!tpu.dma_semaphore, #tpu.memory_space<semaphore_mem>>
    %dma_wait3A_293 = tpu.memref_squeeze %dma_wait3A_292 : memref<1x!tpu.dma_semaphore, #tpu.memory_space<semaphore_mem>> -> memref<!tpu.dma_semaphore, #tpu.memory_space<semaphore_mem>>
    %dma_wait3A_294 = arith.constant 0 : i32
    %dma_wait3A_295 = tpu.memref_slice %arg3[%add3A_251, %dma_wait3A_294] : memref<32768x64xf32, #tpu.memory_space<hbm>> -> memref<256x64xf32, #tpu.memory_space<hbm>>
    %dma_wait3A_296 = arith.constant 0 : i32
    %dma_wait3A_297 = arith.constant 0 : i32
    %dma_wait3A_298 = tpu.memref_slice %arg5[%dma_wait3A_284, %dma_wait3A_296, %dma_wait3A_297] : memref<2x256x64xf32, #tpu.memory_space<vmem>> -> memref<1x256x64xf32, #tpu.memory_space<vmem>>
    %dma_wait3A_299 = tpu.memref_squeeze %dma_wait3A_298 : memref<1x256x64xf32, #tpu.memory_space<vmem>> -> memref<256x64xf32, #tpu.memory_space<vmem>>
    tpu.wait_dma2 semaphore(%dma_wait3A_293 : memref<!tpu.dma_semaphore, #tpu.memory_space<semaphore_mem>>) src(%dma_wait3A_299 : memref<256x64xf32, #tpu.memory_space<vmem>>) dst(%dma_wait3A_295 : memref<256x64xf32, #tpu.memory_space<hbm>>)
    return
  }
}

module attributes {stable_mosaic.version = 14 : i64} {
  func.func @_gate_block(%arg0: i32, %arg1: memref<512x768xf32, #tpu.memory_space<vmem>>, %arg2: memref<64x768xf32, #tpu.memory_space<vmem>>, %arg3: memref<512x64xf32, #tpu.memory_space<vmem>>) attributes {dimension_semantics = [#tpu.dimension_semantics<arbitrary>], iteration_bounds = array<i64: 64>, scalar_prefetch = 0 : i64, scratch_operands = 0 : i64, tpu.core_type = #tpu.core_type<tc>, window_params = [{transform_indices = @transform_0, window_bounds = array<i64: 512, 768>}, {pipeline_mode = #tpu.pipeline_mode<synchronous>, transform_indices = @transform_1, window_bounds = array<i64: 64, 768>}, {transform_indices = @transform_2, window_bounds = array<i64: 512, 64>}]} {
    %get3A = arith.constant 0 : index
    %get3A_0 = arith.constant 0 : index
    %get3A_1 = vector.load %arg1[%get3A, %get3A_0] : memref<512x768xf32, #tpu.memory_space<vmem>>, vector<512x768xf32>
    %get3A_2 = arith.constant 0 : index
    %get3A_3 = arith.constant 0 : index
    %get3A_4 = vector.load %arg2[%get3A_2, %get3A_3] : memref<64x768xf32, #tpu.memory_space<vmem>>, vector<64x768xf32>
    %dot_general3A = arith.constant dense<0.000000e+00> : vector<512x64xf32>
    %dot_general3A_5 = tpu.matmul %get3A_1, %get3A_4, %dot_general3A {dimension_numbers = #tpu.dot_dimension_numbers<[1], [1], [0], [0], [0, 0, 1, 0], [], []>, transpose_lhs_hint = false} : vector<512x768xf32>, vector<64x768xf32>, vector<512x64xf32> -> vector<512x64xf32>
    %mul3A = arith.constant 0.36787945 : f32
    %mul3A_6 = vector.broadcast %mul3A : f32 to vector<512x64xf32>
    %mul3A_7 = arith.mulf %dot_general3A_5, %mul3A_6 : vector<512x64xf32>
    %swap3A = arith.constant 0 : index
    %swap3A_8 = arith.constant 0 : index
    %swap3A_9 = vector.load %arg3[%swap3A, %swap3A_8] : memref<512x64xf32, #tpu.memory_space<vmem>>, vector<512x64xf32>
    tpu.vector_store %arg3[%swap3A, %swap3A_8], %mul3A_7 {strides = array<i32>} : memref<512x64xf32, #tpu.memory_space<vmem>>, vector<512x64xf32>,
    return
  }
  func.func @transform_0(%arg0: i32) -> (i32, i32) {
    %c0_i32 = arith.constant 0 : i32
    %c0_i32_0 = arith.constant 0 : i32
    return %arg0, %c0_i32 : i32, i32
  }
  func.func @transform_1(%arg0: i32) -> (i32, i32) {
    %c0_i32 = arith.constant 0 : i32
    %c0_i32_0 = arith.constant 0 : i32
    %c0_i32_1 = arith.constant 0 : i32
    return %c0_i32, %c0_i32_0 : i32, i32
  }
  func.func @transform_2(%arg0: i32) -> (i32, i32) {
    %c0_i32 = arith.constant 0 : i32
    %c0_i32_0 = arith.constant 0 : i32
    return %arg0, %c0_i32 : i32, i32
  }
}

</mosaic_0001>

<sc_bundles>
// kernel: kernel.4.cloned.1.call-start
scs
__scs_entry_jumppad:
0x0: {  	(pc) =	sbr.rel $0x88, $3  }
0x1: {  	(tag) =	ssettag $0x0;
	lr =	simm.s32 $0x1  }
0x2: {  	[smem:$0x3F9F] =	sst lr;
	_ =	strace $0xD0000000  }
0x3: {  	_ = 	snop  }
0x4: {  	_ = 	snop  }
0x5: {  	_ = 	snop  }
0x6: {  	_ = 	snop  }
0x7: {  	_ = 	snop  }
__scs_overlays_trampoline_lowered:
0x8: {  	[smem:$0x3FAE] =	sst s0  }
0x9: {  	[smem:$0x3FAF] =	sst s1  }
0xa: {  	[smem:$0x3FB0] =	sst s2  }
0xb: {  	[smem:$0x3FB1] =	sst s3  }
0xc: {  	[smem:$0x3FB2] =	sst s4  }
0xd: {  	[smem:$0x3FB3] =	sst s5  }
0xe: {  	[smem:$0x3FB4] =	sst s6  }
0xf: {  	[smem:$0x3FB5] =	sst s7  }
0x10: {  	[smem:$0x3FB6] =	sst s8  }
0x11: {  	[smem:$0x3FB7] =	sst s9;
	s0 =	simm.s32 @!p0 $0x0  }
0x12: {  	s1 =	sld [smem:$0x3F9D];
	s0 =	simm.s32 @p0 $0x1  }
0x13: {  	[smem:$0x3FB8] =	sst s0;
	s0 =	simm.s32 @!p1 $0x0  }
0x14: {  	s2 =	sld [smem:$0x3F9C];
	s0 =	simm.s32 @p1 $0x1  }
0x15: {  	[smem:$0x3FB9] =	sst s0;
	s0 =	simm.s32 @!p2 $0x0  }
0x16: {  	s3 =	sld [smem:$0x3FDB];
	s0 =	simm.s32 @p2 $0x1  }
0x17: {  	s4 =	simm.s32 $0x1BF5;
	[smem:$0x3FBB] =	sst s0  }
0x18: {  	s0 =	sld [smem:$0x3F9E];
	_ =	swait.ge [sflag:s4], $0x0  }
0x19: {  	s7 =	sld [smem:$0x3F9F]  }
0x1a: {  	s8 =	sadd.s32 $0xFFFFE003, lr  }
0x1b: {  	s9 =	sadd.s32 $0xFFFFFEF7, lr;
	s5 =	simm.s32 $0xFFFFFFFF;
	p2 =	slt.u32 s8, $0xFFFFF086  }
0x1c: {  	p1 =	slt.u32 s9, $0xF7A;
	s5 =	simm.s32 @!p2 $0x0  }
0x1d: {  	s5 =	simm.s32 @p1 $0x1;
	p0 =	seq.s32 s7, s2  }
0x1e: {  	s7 =	smul.u32 @!p0 $0xF7A, s2;
	p2 =	seq.s32 @!p0 s5, $0x0  }
0x1f: {  	s9 =	smul.u32 $0xF7A, s1;
	s8 =	simm.s32 @!p0 $0x1BF5;
	p2 =	por !p2, p0  }
0x20: {  	[sflag:s8] =	ssyncset.s32 @!p0 $0xFFFFF086;
	s6 =	sadd.s32 @!p0 s3, s7;
	s7 =	simm.s32 @!p0 $0x108  }
0x21: {  	s3 =	sadd.s32 s3, s9;
	s6 =	sadd.s32 @!p0 $0x88, s6;
	s7 =	simm.s32 @p2 $0x1082  }
0x22: {  	[simem:s7], [sflag:s8] =	dma.local @!p0 [hbm:s6], $0xF7A  }
0x23: {  	s9 =	sor.u32 $0xD0000000, s2;
	s6 =	simm.s32 $0x108;
	_ =	swait.ge @!p0 [sflag:s8], $0x0  }
0x24: {  	s3 =	sadd.s32 $0x88, s3;
	s6 =	simm.s32 @!p1 $0x1082;
	[sflag:s4] =	ssyncset.s32 $0xFFFFF086  }
0x25: {  	[simem:s6], [sflag:s4] =	dma.local [hbm:s3], $0xF7A  }
0x26: {  	[smem:$0x3F9F] =	sst s1;
	(tag) =	ssettag s2;
	_ =	strace s9  }
0x27: {  	s1 =	sld [smem:$0x3FAF]  }
0x28: {  	s2 =	sld [smem:$0x3FB0]  }
0x29: {  	s4 =	sld [smem:$0x3FB2]  }
0x2a: {  	p0 =	seq.s32 s5, $0x0;
	s5 =	sld [smem:$0x3FB3]  }
0x2b: {  	s6 =	sld [smem:$0x3FB4]  }
0x2c: {  	s7 =	sld [smem:$0x3FB5]  }
0x2d: {  	s3 =	simm.s32 $0x108;
	s8 =	sld [smem:$0x3FB6]  }
0x2e: {  	s3 =	simm.s32 @!p0 $0x1082;
	s9 =	sld [smem:$0x3FB7]  }
0x2f: {  	lr =	sadd.s32 s0, s3;
	s0 =	sld [smem:$0x3FAE]  }
0x30: {  	s3 =	sld [smem:$0x3FB1]  }
0x31: {  	[smem:$0x3FBA] =	sst s10  }
0x32: {  	s10 =	sld [smem:$0x3FB8];
	_ =	sdelay $0x3  }
0x33: {  	p0 =	seq.s32 s10, $0x1;
	s10 =	sld [smem:$0x3FBA];
	_ =	sdelay $0x3  }
0x34: {  	[smem:$0x3FBA] =	sst s10  }
0x35: {  	s10 =	sld [smem:$0x3FB9];
	_ =	sdelay $0x3  }
0x36: {  	p1 =	seq.s32 s10, $0x1;
	s10 =	sld [smem:$0x3FBA];
	_ =	sdelay $0x3  }
0x37: {  	[smem:$0x3FBA] =	sst s10  }
0x38: {  	s10 =	sld [smem:$0x3FBB]  }
0x39: {  	_ = 	snop;
	(pc) =	sbr.ind lr, $3  }
0x3a: {  	_ = 	snop  }
0x3b: {  	_ = 	snop  }
0x3c: {  	p2 =	seq.s32 s10, $0x1;
	s10 =	sld [smem:$0x3FBA]  }
0x3d: {  	_ =	shalt  }
0x3e: {  	_ =	shalt  }
0x3f: {  	_ =	shalt  }
0x40: {  	_ =	shalt  }
0x41: {  	_ =	shalt  }
0x42: {  	_ =	shalt  }
0x43: {  	_ =	shalt  }
0x44: {  	_ =	shalt  }
0x45: {  	_ =	shalt  }
0x46: {  	_ =	shalt  }
0x47: {  	_ =	shalt  }
0x48: {  	_ =	shalt  }
0x49: {  	_ =	shalt  }
0x4a: {  	_ =	shalt  }
0x4b: {  	_ =	shalt  }
0x4c: {  	_ =	shalt  }
0x4d: {  	_ =	shalt  }
0x4e: {  	_ =	shalt  }
0x4f: {  	_ =	shalt  }
0x50: {  	_ =	shalt  }
0x51: {  	_ =	shalt  }
0x52: {  	_ =	shalt  }
0x53: {  	_ =	shalt  }
0x54: {  	_ =	shalt  }
0x55: {  	_ =	shalt  }
0x56: {  	_ =	shalt  }
0x57: {  	_ =	shalt  }
0x58: {  	_ =	shalt  }
0x59: {  	_ =	shalt  }
0x5a: {  	_ =	shalt  }
0x5b: {  	_ =	shalt  }
0x5c: {  	_ =	shalt  }
0x5d: {  	_ =	shalt  }
0x5e: {  	_ =	shalt  }
0x5f: {  	_ =	shalt  }
0x60: {  	_ =	shalt  }
0x61: {  	_ =	shalt  }
0x62: {  	_ =	shalt  }
0x63: {  	_ =	shalt  }
0x64: {  	_ =	shalt  }
0x65: {  	_ =	shalt  }
0x66: {  	_ =	shalt  }
0x67: {  	_ =	shalt  }
0x68: {  	_ =	shalt  }
0x69: {  	_ =	shalt  }
0x6a: {  	_ =	shalt  }
0x6b: {  	_ =	shalt  }
0x6c: {  	_ =	shalt  }
0x6d: {  	_ =	shalt  }
0x6e: {  	_ =	shalt  }
0x6f: {  	_ =	shalt  }
0x70: {  	_ =	shalt  }
0x71: {  	_ =	shalt  }
0x72: {  	_ =	shalt  }
0x73: {  	_ =	shalt  }
0x74: {  	_ =	shalt  }
0x75: {  	_ =	shalt  }
0x76: {  	_ =	shalt  }
0x77: {  	_ =	shalt  }
0x78: {  	_ =	shalt  }
0x79: {  	_ =	shalt  }
0x7a: {  	_ =	shalt  }
0x7b: {  	_ =	shalt  }
0x7c: {  	_ =	shalt  }
0x7d: {  	_ =	shalt  }
0x7e: {  	_ =	shalt  }
0x7f: {  	_ =	shalt  }
0x80: {  	_ =	shalt  }
0x81: {  	_ =	shalt  }
0x82: {  	_ =	shalt  }
0x83: {  	_ =	shalt  }
0x84: {  	_ =	shalt  }
0x85: {  	_ =	shalt  }
0x86: {  	_ =	shalt  }
0x87: {  	_ =	shalt  }
.Lfunc_end0:
.L_simem_size_0:
called_computation_lowered:
.L_overlay_start_0:
0x88: {  	s2 =	sld [smem:$0x3FD9]  }
0x89: {  	s3 =	sld [smem:$0x3FFE];
	_ =	sdelay $0x1  }
0x8a: {  	s1 =	srdreg.scid  }
0x8b: {  	s0 =	sand.u32 $0x1, s1  }
0x8c: {  	s16 =	sshll.u32 s0, $0xA;
	s2 =	sadd.s32 s3, s2  }
0x8d: {  	s2 =	sadd.s32 s2, s16  }
0x8e: {  	[smem:$0x3FC6] =	sst s2  }
0x8f: {  	_ = 	snop  }
0x90: {  	(tm) =	ssettm $0x1  }
0x91: {  	s17 =	sld [smem:$0x3FFB];
	_ =	sdelay $0x3  }
0x92: {  	_ =	strace s17  }
0x93: {  	s2 =	sld [smem:$0x3FFC];
	_ =	sdelay $0x3  }
0x94: {  	_ =	strace s2  }
0x95: {  	s2 =	sld [smem:$0x3FFD];
	_ =	sdelay $0x3  }
0x96: {  	_ =	strace s2  }
0x97: {  	_ =	strace $0x8FFFFFFF  }
0x98: {  	s18 =	sld [smem:$0x3FDB];
	_ =	sdelay $0x1  }
0x99: {  	s19 =	simm.s32 $_scs_section_size  }
0x9a: {  	s4 =	simm.s32 $_size__tile_overlayer_lowered;
	s5 =	simm.s32 $_tile_overlayer_lowered  }
0x9b: {  	s22 =	simm.s32 $0x1BFF;
	s21 =	sshll.u32 s5, $0x1;
	s2 =	sadd.s32 s19, s18  }
0x9c: {  	s6 =	simm.s32 $0x0;
	s20 =	sshll.u32 s4, $0x1;
	s4 =	sadd.s32 s21, s2  }
0x9d: {  	[timem:s6], [sflag:s22] =	dma.local [hbm:s4], s20  }
0x9e: {  	_ =	swait.ge [sflag:s22], s20  }
0x9f: {  	s3 =	ssub.s32 $0x0, s20;
	[sflag:s22] =	ssyncset.done $0x0  }
0xa0: {  	[sflag:s22] =	ssyncadd.s32 s3;
	_ =	sdelay $0x1  }
0xa1: {  	s23 =	simm.s32 $0x1B8B  }
0xa2: {  	_ =	swait.ge [sflag:s23], $0x1  }
0xa3: {  	[sflag:s23] =	ssyncset.done $0x0  }
0xa4: {  	s25 =	simm.s32 $0x1B8E;
	s24 =	sld [smem:$0x3FFE];
	[sflag:s23] =	ssyncadd.s32 $0xFFFFFFFF  }
0xa5: {  	s26 =	simm.s32 $execute0_lowered;
	[smem:$0x3FD2] =	sst s25  }
0xa6: {  	s4 =	sshll.u32 s26, $0x1;
	_ =	strace $0x80000046;
	[dreg:$0x1] =	wrdreg $0xFFFFFFFF  }
0xa7: {  	s28 =	simm.s32 $_size_execute0_lowered;
	s2 =	sadd.s32 s2, s4;
	[dreg:$0x0] =	wrdreg $0x0  }
0xa8: {  	s4 =	sshll.u32 s28, $0x1;
	[dreg:$0x2] =	wrdreg s2  }
0xa9: {  	[dreg:$0x3] =	wrdreg s4  }
0xaa: {  	[dreg:$0x4] =	wrdreg $0xC0  }
0xab: {  	_ =	task [dreg:s6], $0x5FFFF  }
0xac: {  	[dreg:$0x1] =	wrdreg $0xFFFFFFFF  }
0xad: {  	[dreg:$0x0] =	wrdreg $0x60  }
0xae: {  	[dreg:$0x2] =	wrdreg s24  }
0xaf: {  	[dreg:$0x3] =	wrdreg $0x9  }
0xb0: {  	_ =	task.clear_ibuf [dreg:s6], $0x4FFFF;
	_ =	strace $0x90000046  }
0xb1: {  	s29 =	simm.s32 $0x9;
	_ =	strace $0x80000048  }
0xb2: {  	_ =	swait.ge [sflag:s29], $0x1  }
0xb3: {  	[sflag:s29] =	ssyncadd.s32 $0xFFFFFFFF  }
0xb4: {  	_ =	strace $0x90000048  }
0xb5: {  	_ =	sfence  }
0xb6: {  	s30 =	sld [smem:$0x0];
	_ =	sdelay $0x2  }
0xb7: {  	s31 =	sshll.u32 s1, $0xD;
	s1 =	sshrl.u32 s1, $0x2  }
0xb8: {  	s3 =	sand.u32 $0x4000, s31;
	s1 =	sadd.s32 s1, s30  }
0xb9: {  	s0 =	sor.u32 s3, s0;
	s1 =	sshll.u32 s1, $0x11  }
0xba: {  	s0 =	sor.u32 s1, s0  }
0xbb: {  	s0 =	sadd.s32 $0x8F2B, s0  }
0xbc: {  	[sflag:s0] =	ssyncadd.remote.s32 $0x1  }
0xbd: {  	_ =	sfence.sel $0xFFFF  }
0xbe: {  	[dreg:$0x0] =	wrdreg $0xFFFFFFFF;
	(pc) =	sbr.abs _section_cstart, $3  }
0xbf: {  	[dreg:$0x1] =	wrdreg $0xFFFFFFFF  }
0xc0: {  	_ =	task.clear_ibuf [dreg:s6], $0x2FFFF;
	_ =	strace $0x9FFFFFFF  }
0xc1: {  	(tm) =	ssettm $0x7FFFFFFF  }
tec
execute0_lowered:
.L_overlay_start_1:
0x0: {  	(tag) =	ssettag $0x1  }
0x1: {  	s3 =	rddreg [dreg:$0x0]  }
0x2: {  	s0 =	rddreg [dreg:$0x1];
	s1 =	simm.s32 $0x0  }
0x3: {  	s4 =	srdreg.scid;
	s2 =	stileid.u32;
	s14 =	simm.s32 $0x10000  }
0x4: {  	s15 =	simm.s32 $0x2;
	s16 =	simm.s32 $0x18000;
	s17 =	simm.s32 $0x3  }
0x5: {  	s18 =	simm.s32 $0x4;
	s19 =	simm.s32 $0x0;
	[smem:$0x7FF] =	sst s1  }
0x6: {  	s8 =	sadd.s32 $0x800, s3;
	s4 =	sand.u32 $0x1, s4;
	s6 =	sshll.u32 s2, $0xF  }
0x7: {  	s10 =	sadd.s32 $0x80800, s3;
	s5 =	ssub.s32 $0x2, s4;
	s4 =	sshll.u32 s4, $0xE  }
0x8: {  	_ =	strace $0x80000047;
	s31 =	sshrl.u32 s5, $0x1;
	s9 =	sor.u32 s4, s6  }
0x9: {  	s11 =	ssub.s32 s5, s31;
	s3 =	sadd.s32 s8, s9;
	s7 =	sor.u32 $0x1000, s9  }
0xa: {  	v0 =	vlaneseq.u32;
	s5 =	sadd.s32 s10, s9;
	s12 =	sor.u32 $0x2000, s9;
	s13 =	sor.u32 $0x3000, s9  }
0xb: {  	v0 =	vmul.u32 $0xFFFFFFFF, v0;
	s4 =	sadd.s32 s8, s7;
	s6 =	sadd.s32 s8, s12;
	s7 =	sadd.s32 s10, s7  }
0xc: {  	s8 =	sadd.s32 s8, s13;
	s9 =	sadd.s32 s10, s12;
	s10 =	sadd.s32 s10, s13  }
0xd: {  	v0 =	vadd.s32 $0xF, v0;
	s11 =	smax.u32 s11, $0x1;
	s12 =	simm.s32 $0x8000;
	s13 =	simm.s32 $0x1  }
.LBB2_1:
0xe: {  	[tilespmem:s1], [sflag:$0x1] =	stream.linear.gather [hbm4b:s3+s1], $0x8000, $0x38;
	v63 =	vld [tilespmem:$0x0]  }
0xf: {  	_ = 	snop  }
0x10: {  	[tilespmem:s12], [sflag:$0x2] =	stream.linear.gather [hbm4b:s4+s1], $0x8000, $0x38;
	v63 =	vld [tilespmem:$0x0]  }
0x11: {  	_ =	swait.ge [sflag:s13], $0x8000  }
0x12: {  	[sflag:s13] =	ssyncset.done $0x0  }
0x13: {  	s21 =	simm.s32 $0x0;
	[sflag:s13] =	ssyncadd.s32 $0xFFFF8000  }
0x14: {  	v1 =	vld [tilespmem:s21+$0x10]  }
0x15: {  	v9 =	vld [tilespmem:s21+$0x30];
	_ =	sdelay $0x1  }
0x16: {  	v3 =	vld [tilespmem:s21+$0x20];
	_ =	sdelay $0x1  }
0x17: {  	v2 =	vld [tilespmem:s21+$0x0];
	(xrf1) =	vsort.ascd.msk.f32 $0xffff, v1, v1  }
0x18: {  	(xrf1) =	vsort.ascd.msk.f32 $0xffff, v9, v9;
	_ =	sdelay $0x1  }
0x19: {  	(xrf1) =	vsort.ascd.msk.f32 $0xffff, v3, v3;
	_ =	sdelay $0x1  }
0x1a: {  	(xrf1) =	vsort.ascd.msk.f32 $0xffff, v2, v2;
	_ =	sdelay $0x6  }
0x1b: {  	s20 =	simm.s32 $0x80  }
0x1c: {  	v18 =	vld [tilespmem:s20+$0x10]  }
0x1d: {  	v4, _, _ =	vpop (xrf1)  }
0x1e: {  	v20 =	vld [tilespmem:s20+$0x30];
	v5, _, _ =	vpop (xrf1)  }
0x1f: {  	v5 =	vperm.xlane v5, v0  }
0x20: {  	v6, _, _ =	vpop (xrf1)  }
0x21: {  	(xrf1) =	vsort.ascd.msk.f32 $0xffff, v18, v18;
	v4 =	vperm.xlane v4, v0;
	v7 =	vmin.f32 v6, v5  }
0x22: {  	v23 =	vld [tilespmem:s20+$0x20];
	v8, _, _ =	vpop (xrf1);
	(xrf1) =	vsort.ascd.msk.f32 $0xffff, v7, v7  }
0x23: {  	v7 =	vmin.f32 v8, v4;
	(xrf1) =	vsort.ascd.msk.f32 $0xffff, v20, v20  }
0x24: {  	v19 =	vld [tilespmem:s20+$0x0];
	(xrf1) =	vsort.ascd.msk.f32 $0xffff, v7, v7;
	_ =	sdelay $0x2  }
0x25: {  	(xrf1) =	vsort.ascd.msk.f32 $0xffff, v23, v23;
	_ =	sdelay $0x1  }
0x26: {  	(xrf1) =	vsort.ascd.msk.f32 $0xffff, v19, v19;
	_ =	sdelay $0x5  }
0x27: {  	v7, _, _ =	vpop (xrf1)  }
0x28: {  	s22 =	simm.s32 $0x100;
	v10, _, _ =	vpop (xrf1)  }
0x29: {  	v12 =	vld [tilespmem:s22+$0x10];
	v4 =	vmax.f32 v8, v4;
	v11, _, _ =	vpop (xrf1);
	v8 =	vperm.xlane v10, v0  }
0x2a: {  	(xrf1) =	vsort.ascd.msk.f32 $0xffff, v4, v4;
	v10, _, _ =	vpop (xrf1)  }
0x2b: {  	v13 =	vld [tilespmem:s22+$0x30];
	v4 =	vmax.f32 v10, v8  }
0x2c: {  	v11 =	vperm.xlane v11, v0;
	(xrf1) =	vsort.ascd.msk.f32 $0xffff, v4, v4  }
0x2d: {  	v8, _, _ =	vpop (xrf1)  }
0x2e: {  	v17 =	vld [tilespmem:s22+$0x20];
	v4 =	vperm.xlane v7, v0;
	(xrf1) =	vsort.ascd.msk.f32 $0xffff, v12, v12;
	v7 =	vmin.f32 v8, v11  }
0x2f: {  	v10, _, _ =	vpop (xrf1);
	(xrf1) =	vsort.ascd.msk.f32 $0xffff, v7, v7  }
0x30: {  	v7 =	vmin.f32 v10, v4;
	(xrf1) =	vsort.ascd.msk.f32 $0xffff, v13, v13  }
0x31: {  	v22 =	vld [tilespmem:s22+$0x0];
	(xrf1) =	vsort.ascd.msk.f32 $0xffff, v7, v7;
	_ =	sdelay $0x1  }
0x32: {  	(xrf1) =	vsort.ascd.msk.f32 $0xffff, v17, v17;
	_ =	sdelay $0x2  }
0x33: {  	(xrf1) =	vsort.ascd.msk.f32 $0xffff, v22, v22  }
0x34: {  	v5 =	vmax.f32 v6, v5  }
0x35: {  	v7, _, _ =	vpop (xrf1)  }
0x36: {  	v6 =	vperm.xlane v7, v0  }
0x37: {  	(xrf1) =	vsort.ascd.msk.f32 $0xffff, v5, v5;
	v5, _, _ =	vpop (xrf1)  }
0x38: {  	v6 =	vmin.f32 v5, v6  }
0x39: {  	s23 =	simm.s32 $0x180;
	v14, _, _ =	vpop (xrf1)  }
0x3a: {  	v5 =	vld [tilespmem:s23+$0x10];
	v7, _, _ =	vpop (xrf1)  }
0x3b: {  	v10 =	vmax.f32 v10, v4;
	(xrf1) =	vsort.ascd.msk.f32 $0xffff, v6, v6;
	v6, _, _ =	vpop (xrf1);
	v7 =	vperm.xlane v7, v0  }
0x3c: {  	(xrf1) =	vsort.ascd.msk.f32 $0xffff, v10, v10;
	v15, _, _ =	vpop (xrf1)  }
0x3d: {  	v4 =	vld [tilespmem:s23+$0x30];
	v16 =	vperm.xlane v6, v0;
	v6 =	vmax.f32 v15, v7  }
0x3e: {  	v15, _, _ =	vpop (xrf1);
	(xrf1) =	vsort.ascd.msk.f32 $0xffff, v6, v6  }
0x3f: {  	v10 =	vmin.f32 v15, v16;
	(xrf1) =	vsort.ascd.msk.f32 $0xffff, v5, v5  }
0x40: {  	v7 =	vld [tilespmem:s23+$0x20];
	v6 =	vperm.xlane v14, v0;
	(xrf1) =	vsort.ascd.msk.f32 $0xffff, v10, v10  }
0x41: {  	v14, _, _ =	vpop (xrf1)  }
0x42: {  	v10 =	vld [tilespmem:s23+$0x0];
	v21 =	vmin.f32 v14, v6;
	(xrf1) =	vsort.ascd.msk.f32 $0xffff, v4, v4  }
0x43: {  	(xrf1) =	vsort.ascd.msk.f32 $0xffff, v21, v21;
	_ =	sdelay $0x1  }
0x44: {  	(xrf1) =	vsort.ascd.msk.f32 $0xffff, v7, v7;
	_ =	sdelay $0x1  }
0x45: {  	v21, _, _ =	vpop (xrf1);
	(xrf1) =	vsort.ascd.msk.f32 $0xffff, v10, v10  }
0x46: {  	v21 =	vperm.xlane v21, v0  }
0x47: {  	v8 =	vmax.f32 v8, v11;
	v24, _, _ =	vpop (xrf1)  }
0x48: {  	v21 =	vmin.f32 v24, v21;
	v24, _, _ =	vpop (xrf1)  }
0x49: {  	(xrf1) =	vsort.ascd.msk.f32 $0xffff, v21, v21;
	v11 =	vperm.xlane v24, v0  }
0x4a: {  	(xrf1) =	vsort.ascd.msk.f32 $0xffff, v8, v8;
	v8, _, _ =	vpop (xrf1)  }
0x4b: {  	v24 =	vmul.f32 $1.442695020e+00, v2;
	v21, _, _ =	vpop (xrf1);
	v11 =	vmin.f32 v8, v11  }
0x4c: {  	s24 =	simm.s32 $0x200;
	v25, _, _ =	vpop (xrf1)  }
0x4d: {  	v8 =	vld [tilespmem:s24+$0x10];
	(xrf1) =	vsort.ascd.msk.f32 $0xffff, v11, v11;
	v25 =	vperm.xlane v25, v0  }
0x4e: {  	v14 =	vmax.f32 v14, v6;
	v11, _, _ =	vpop (xrf1)  }
0x4f: {  	(erf) = vpow2.f32 v24;
	(xrf1) =	vsort.ascd.msk.f32 $0xffff, v14, v14;
	v14 =	vmul.f32 $1.442695020e+00, v1;
	v24, _, _ =	vpop (xrf1)  }
0x50: {  	v6 =	vld [tilespmem:s24+$0x30];
	v26 =	vperm.xlane v11, v0;
	v11 =	vmax.f32 v24, v25  }
0x51: {  	(erf) = vpow2.f32 v14;
	v24 =	vmul.f32 $1.442695020e+00, v3;
	v25, _, _ =	vpop (xrf1);
	(xrf1) =	vsort.ascd.msk.f32 $0xffff, v11, v11  }
0x52: {  	v21 =	vperm.xlane v21, v0;
	(xrf1) =	vsort.ascd.msk.f32 $0xffff, v8, v8;
	v14 =	vmin.f32 v25, v26  }
0x53: {  	v28 =	vmul.f32 $1.442695020e+00, v9;
	v11 =	vld [tilespmem:s24+$0x20];
	v27, _, _ =	vpop (xrf1);
	(erf) = vpow2.f32 v24;
	(xrf1) =	vsort.ascd.msk.f32 $0xffff, v14, v14  }
0x54: {  	v24 =	vmin.f32 v27, v21  }
0x55: {  	(erf) = vpow2.f32 v28;
	(xrf1) =	vsort.ascd.msk.f32 $0xffff, v6, v6  }
0x56: {  	(xrf1) =	vsort.ascd.msk.f32 $0xffff, v24, v24  }
0x57: {  	v14 =	vld [tilespmem:s24+$0x0];
	v24, _, _ =	vpop (xrf1)  }
0x58: {  	v28 =	vpop (erf);
	(xrf1) =	vsort.ascd.msk.f32 $0xffff, v11, v11;
	v24 =	vbroadcast v24, $0x4  }
0x59: {  	v29, _, _ =	vpop (xrf1)  }
0x5a: {  	vm1 =	vge.f32 v1, v24;
	v1 =	vpop (erf)  }
0x5b: {  	v15 =	vmax.f32 v15, v16;
	v29 =	vperm.xlane v29, v0;
	vm0 =	vge.f32 v2, v24;
	v30, _, _ =	vpop (xrf1)  }
0x5c: {  	(xrf1) =	vsort.ascd.msk.f32 $0xffff, v14, v14;
	vm10 =	vge.f32 v3, v24;
	v2 =	vnsel vm0, $0x0, v28;
	v1 =	vnsel vm1, $0x0, v1;
	v3 =	vpop (erf)  }
0x5d: {  	v28 =	vmin.f32 v30, v29;
	v29 =	vadd.f32 v1, v2;
	v16, _, _ =	vpop (xrf1)  }
0x5e: {  	vm11 =	vge.f32 v9, v24;
	(xrf1) =	vsort.ascd.msk.f32 $0xffff, v28, v28;
	v3 =	vnsel vm10, $0x0, v3;
	v16 =	vperm.xlane v16, v0;
	v24 =	vpop (erf)  }
0x5f: {  	v9 =	vadd.f32 v29, v3;
	(xrf1) =	vsort.ascd.msk.f32 $0xffff, v15, v15;
	v15, _, _ =	vpop (xrf1)  }
0x60: {  	v29 =	vmul.f32 $1.442695020e+00, v19;
	v28 =	vnsel vm11, $0x0, v24;
	v24, _, _ =	vpop (xrf1);
	v16 =	vmin.f32 v15, v16  }
0x61: {  	s25 =	simm.s32 $0x280;
	v9 =	vadd.f32 v9, v28;
	v30, _, _ =	vpop (xrf1)  }
0x62: {  	(erf) = vpow2.f32 v29;
	v15 =	vld [tilespmem:s25+$0x10];
	(xrf1) =	vsort.ascd.msk.f32 $0xffff, v16, v16;
	v29 =	vperm.xlane v30, v0  }
0x63: {  	v21 =	vmax.f32 v27, v21;
	(xrf2) =	vadd.scan.msk.f32 $0xffff, v9;
	v16, _, _ =	vpop (xrf1)  }
0x64: {  	(xrf1) =	vsort.ascd.msk.f32 $0xffff, v21, v21;
	v21 =	vmul.f32 $1.442695020e+00, v18;
	v30, _, _ =	vpop (xrf1)  }
0x65: {  	v27 =	vperm.xlane v16, v0;
	v16 =	vmax.f32 v30, v29  }
0x66: {  	v9 =	vld [tilespmem:s25+$0x30];
	(erf) = vpow2.f32 v21;
	v29, _, _ =	vpop (xrf1);
	(xrf1) =	vsort.ascd.msk.f32 $0xffff, v16, v16  }
0x67: {  	v30 =	vmul.f32 $1.442695020e+00, v23;
	(xrf1) =	vsort.ascd.msk.f32 $0xffff, v15, v15;
	v16 =	vmin.f32 v29, v27  }
0x68: {  	(xrf1) =	vsort.ascd.msk.f32 $0xffff, v16, v16;
	v16 =	vmul.f32 $1.442695020e+00, v20  }
0x69: {  	v24 =	vperm.xlane v24, v0;
	(erf) = vpow2.f32 v30  }
0x6a: {  	v31, _, _ =	vpop (xrf1);
	(erf) = vpow2.f32 v16;
	v16 =	vld [tilespmem:s25+$0x20]  }
0x6b: {  	v21 =	vmin.f32 v31, v24;
	(xrf1) =	vsort.ascd.msk.f32 $0xffff, v9, v9  }
0x6c: {  	(xrf1) =	vsort.ascd.msk.f32 $0xffff, v21, v21;
	v32, _, _ =	vpop (xrf1);
	v21 =	vld [tilespmem:s25+$0x0]  }
0x6d: {  	v30 =	vpop (erf);
	v32 =	vbroadcast v32, $0x4  }
0x6e: {  	v33, _, _ =	vpop (xrf2)  }
0x6f: {  	vm12 =	vge.f32 v19, v32;
	vm13 =	vge.f32 v18, v32;
	v18 =	vpop (erf);
	(xrf1) =	vsort.ascd.msk.f32 $0xffff, v16, v16  }
0x70: {  	v33 =	vbroadcast v33, $0xF;
	v19 =	vnsel vm12, $0x0, v30;
	v18 =	vnsel vm13, $0x0, v18  }
0x71: {  	v34, _, _ =	vpop (xrf1);
	vm14 =	vge.f32 v23, v32;
	v23 =	vadd.f32 v18, v19;
	(xrf1) =	vsort.ascd.msk.f32 $0xffff, v21, v21  }
0x72: {  	v30 =	vperm.xlane v34, v0;
	(erf) = vrcp.f32 v33;
	v35, _, _ =	vpop (xrf1)  }
0x73: {  	v59 =	vpop (erf)  }
0x74: {  	vm15 =	vge.f32 v20, v32;
	v60, _, _ =	vpop (xrf1);
	v30 =	vmin.f32 v35, v30;
	v20 =	vnsel vm14, $0x0, v59  }
0x75: {  	v32 =	vperm.xlane v60, v0;
	(xrf1) =	vsort.ascd.msk.f32 $0xffff, v30, v30;
	v34 =	vadd.f32 v23, v20;
	v23 =	vpop (erf)  }
0x76: {  	v25 =	vmax.f32 v25, v26;
	v26, _, _ =	vpop (xrf1);
	v23 =	vnsel vm15, $0x0, v23  }
0x77: {  	v61 =	vmul.f32 $1.442695020e+00, v22;
	(xrf1) =	vsort.ascd.msk.f32 $0xffff, v25, v25;
	v30, _, _ =	vpop (xrf1);
	v25 =	vmin.f32 v26, v32;
	v26 =	vadd.f32 v34, v23  }
0x78: {  	s26 =	simm.s32 $0x300;
	v62, _, _ =	vpop (xrf1);
	(xrf1) =	vsort.ascd.msk.f32 $0xffff, v25, v25  }
0x79: {  	v31 =	vmax.f32 v31, v24;
	(erf) = vpow2.f32 v61;
	v25 =	vld [tilespmem:s26+$0x10];
	v32, _, _ =	vpop (xrf1);
	(xrf2) =	vadd.scan.msk.f32 $0xffff, v26;
	v33 =	vperm.xlane v62, v0  }
0x7a: {  	s28 =	simm.s32 $0xE00;
	v24 =	vld [tilespmem:s26+$0x30];
	(xrf1) =	vsort.ascd.msk.f32 $0xffff, v31, v31;
	v31 =	vmul.f32 $1.442695020e+00, v12;
	v34, _, _ =	vpop (xrf1)  }
.LBB2_2:
0x7b: {  	v26 =	vperm.xlane v32, v0;
	v32 =	vmax.f32 v34, v33;
	v33 =	vmul.f32 $1.442695020e+00, v17;
	v34 =	vpop (erf)  }
0x7c: {  	p0 =	sne.s32 s28, $0x1FE00;
	v35 =	vmovc v14;
	v14 =	vmovc v21;
	v36 =	vmov v12;
	v12 =	vmov v5;
	v5 =	vmov v8  }
0x7d: {  	v37, _, _ =	vpop (xrf1);
	(xrf1) =	vsort.ascd.msk.f32 $0xffff, v32, v32;
	(erf) = vpow2.f32 v31;
	v21 =	vmul.f32 v34, v28;
	v28 =	vmov v23  }
0x7e: {  	v38 =	vperm.xlane v30, v0;
	v8 =	vmovc v15;
	v31 =	vld [tilespmem:s26+$0x20];
	(xrf1) =	vsort.ascd.msk.f32 $0xffff, v25, v25;
	v23 =	vmin.f32 v37, v26  }
0x7f: {  	v32 =	vmul.f32 $1.442695020e+00, v13;
	v39, _, _ =	vpop (xrf1);
	(xrf1) =	vsort.ascd.msk.f32 $0xffff, v23, v23;
	(erf) = vpow2.f32 v33;
	[tilespmem:s21+$0x10030] =	vst v21  }
0x80: {  	v30 =	vmul.f32 v34, v2;
	v2 =	vmovc v19;
	v21 =	vld [tilespmem:s26+$0x0];
	(xrf1) =	vsort.ascd.msk.f32 $0xffff, v24, v24;
	v23 =	vmin.f32 v39, v38  }
0x81: {  	v15 =	vmovc v25;
	(xrf1) =	vsort.ascd.msk.f32 $0xffff, v23, v23;
	(erf) = vpow2.f32 v32;
	v32 =	vmul.f32 v34, v1;
	v1 =	vmov v18  }
0x82: {  	v25 =	vmov v13;
	v23 =	vmul.f32 v34, v3;
	v3 =	vmov v20;
	v18 =	vpop (erf);
	[tilespmem:s21+$0x10000] =	vst v30  }
0x83: {  	v13 =	vmov v4;
	v4 =	vmov v6;
	(xrf1) =	vsort.ascd.msk.f32 $0xffff, v31, v31;
	v20, _, _ =	vpop (xrf1);
	[tilespmem:s21+$0x10010] =	vst v32  }
0x84: {  	v6 =	vmov v9;
	v9 =	vmov v24;
	v30 =	vbroadcast v20, $0x4;
	v19, _, _ =	vpop (xrf2);
	[tilespmem:s21+$0x10020] =	vst v23;
	s21 =	smov.u32 s20;
	s20 =	smov.u32 s22;
	s22 =	smov.u32 s23  }
0x85: {  	s23 =	smov.u32 s24;
	s24 =	smov.u32 s25;
	s25 =	smov.u32 s26;
	(xrf1) =	vsort.ascd.msk.f32 $0xffff, v21, v21;
	v20, _, _ =	vpop (xrf1);
	v23 =	vbroadcast v19, $0xF  }
0x86: {  	v20 =	vperm.xlane v20, v0;
	vm0 =	vge.f32 v22, v30;
	vm1 =	vge.f32 v36, v30;
	v22 =	vpop (erf)  }
0x87: {  	v24, _, _ =	vpop (xrf1);
	v19 =	vnsel vm0, $0x0, v18;
	v18 =	vnsel vm1, $0x0, v22;
	(erf) = vrcp.f32 v23  }
0x88: {  	vm0 =	vge.f32 v17, v30;
	v20 =	vmin.f32 v24, v20;
	v17 =	vadd.f32 v18, v19;
	v22 =	vpop (erf)  }
0x89: {  	v23 =	vmax.f32 v29, v27;
	v27 =	vmov v26;
	v24, _, _ =	vpop (xrf1);
	(xrf1) =	vsort.ascd.msk.f32 $0xffff, v20, v20;
	v20 =	vnsel vm0, $0x0, v22  }
0x8a: {  	vm0 =	vge.f32 v25, v30;
	v22 =	vperm.xlane v24, v0;
	v32 =	vadd.f32 v17, v20;
	v24 =	vpop (erf)  }
.Ltmp0:
0x8b: {  	v26 =	vmul.f32 $1.442695020e+00, v10;
	v29 =	vmov v37;
	(xrf1) =	vsort.ascd.msk.f32 $0xffff, v23, v23;
	v25, _, _ =	vpop (xrf1);
	v23 =	vnsel vm0, $0x0, v24;
	(pc) =	sbr.rel @p0 .LBB2_2-.Ltmp0, $4  }
0x8c: {  	s26 =	sshra.s32 s28, $0x2;
	v30, _, _ =	vpop (xrf1);
	v22 =	vmin.f32 v25, v22;
	v24 =	vadd.f32 v32, v23;
	v17 =	vmov v7  }
0x8d: {  	v7 =	vmov v11;
	v11 =	vmov v16;
	v25 =	vld [tilespmem:s26+$0x10];
	v33, _, _ =	vpop (xrf1);
	(xrf1) =	vsort.ascd.msk.f32 $0xffff, v22, v22;
	(erf) = vpow2.f32 v26  }
0x8e: {  	v16 =	vmov v31;
	v26 =	vmax.f32 v39, v38;
	v32, _, _ =	vpop (xrf1);
	v33 =	vperm.xlane v33, v0;
	(xrf2) =	vadd.scan.msk.f32 $0xffff, v24  }
0x8f: {  	s28 =	sadd.s32 $0x200, s28;
	v31 =	vmul.f32 $1.442695020e+00, v12;
	v24 =	vld [tilespmem:s26+$0x30];
	v34, _, _ =	vpop (xrf1);
	(xrf1) =	vsort.ascd.msk.f32 $0xffff, v26, v26;
	v22 =	vmov v10;
	v10 =	vmov v35  }
0x90: {  	v26 =	vpop (erf);
	v33 =	vmax.f32 v34, v33  }
0x91: {  	v32 =	vperm.xlane v32, v0;
	v58 =	vmul.f32 v26, v28;
	v35, _, _ =	vpop (xrf1);
	(xrf1) =	vsort.ascd.msk.f32 $0xffff, v33, v33  }
0x92: {  	v28 =	vld [tilespmem:s26+$0x20]  }
0x93: {  	v59 =	vperm.xlane v30, v0;
	(xrf1) =	vsort.ascd.msk.f32 $0xffff, v25, v25;
	v30 =	vmin.f32 v35, v32;
	[tilespmem:s21+$0x10030] =	vst v58  }
0x94: {  	v60, _, _ =	vpop (xrf1);
	(xrf1) =	vsort.ascd.msk.f32 $0xffff, v30, v30;
	v30 =	vld [tilespmem:s26+$0x0]  }
0x95: {  	(xrf1) =	vsort.ascd.msk.f32 $0xffff, v24, v24;
	v36 =	vmin.f32 v60, v59  }
0x96: {  	(xrf1) =	vsort.ascd.msk.f32 $0xffff, v36, v36  }
0x97: {  	(xrf1) =	vsort.ascd.msk.f32 $0xffff, v28, v28;
	_ =	sdelay $0x1  }
0x98: {  	(xrf1) =	vsort.ascd.msk.f32 $0xffff, v30, v30  }
0x99: {  	v61, _, _ =	vpop (xrf1)  }
0x9a: {  	v37, _, _ =	vpop (xrf1)  }
0x9b: {  	v38, _, _ =	vpop (xrf1)  }
0x9c: {  	v37 =	vperm.xlane v37, v0;
	v62, _, _ =	vpop (xrf1)  }
0x9d: {  	v27 =	vmax.f32 v29, v27;
	v29 =	vperm.xlane v62, v0  }
0x9e: {  	v41 =	vmul.f32 $1.442695020e+00, v17;
	v37 =	vmin.f32 v38, v37;
	v40, _, _ =	vpop (xrf1)  }
0x9f: {  	(erf) = vpow2.f32 v31;
	v31 =	vmul.f32 $1.442695020e+00, v13;
	(xrf1) =	vsort.ascd.msk.f32 $0xffff, v37, v37;
	v29 =	vmin.f32 v40, v29  }
0xa0: {  	(xrf1) =	vsort.ascd.msk.f32 $0xffff, v27, v27;
	v27, _, _ =	vpop (xrf1)  }
0xa1: {  	(erf) = vpow2.f32 v41;
	v33 =	vmax.f32 v60, v59;
	v42, _, _ =	vpop (xrf1)  }
0xa2: {  	(xrf1) =	vsort.ascd.msk.f32 $0xffff, v29, v29;
	v43 =	vperm.xlane v42, v0;
	v29, _, _ =	vpop (xrf1)  }
0xa3: {  	(erf) = vpow2.f32 v31;
	(xrf1) =	vsort.ascd.msk.f32 $0xffff, v33, v33;
	v31, _, _ =	vpop (xrf1);
	v29 =	vperm.xlane v29, v0  }
0xa4: {  	v31 =	vmax.f32 v31, v43;
	v33, _, _ =	vpop (xrf1)  }
0xa5: {  	v27 =	vperm.xlane v27, v0;
	(xrf1) =	vsort.ascd.msk.f32 $0xffff, v31, v31;
	v31 =	vmin.f32 v33, v29  }
0xa6: {  	v44, _, _ =	vpop (xrf1);
	(xrf1) =	vsort.ascd.msk.f32 $0xffff, v31, v31;
	v31 =	vbroadcast v61, $0x4  }
0xa7: {  	v46 =	vpop (erf);
	v45 =	vmin.f32 v44, v27  }
0xa8: {  	(xrf1) =	vsort.ascd.msk.f32 $0xffff, v45, v45;
	vm0 =	vge.f32 v22, v31;
	vm1 =	vge.f32 v12, v31;
	v12 =	vpop (erf)  }
0xa9: {  	v22 =	vnsel vm0, $0x0, v46;
	v12 =	vnsel vm1, $0x0, v12  }
0xaa: {  	vm15 =	vge.f32 v17, v31;
	v17 =	vpop (erf);
	v47 =	vadd.f32 v12, v22  }
0xab: {  	v17 =	vnsel vm15, $0x0, v17  }
0xac: {  	vm4 =	vge.f32 v13, v31;
	v48 =	vpop (erf);
	v31 =	vadd.f32 v47, v17  }
0xad: {  	v49, _, _ =	vpop (xrf1);
	v13 =	vnsel vm4, $0x0, v48  }
0xae: {  	v50, _, _ =	vpop (xrf1);
	v31 =	vadd.f32 v31, v13  }
0xaf: {  	v37 =	vperm.xlane v50, v0  }
0xb0: {  	v39, _, _ =	vpop (xrf1);
	(xrf2) =	vadd.scan.msk.f32 $0xffff, v31  }
0xb1: {  	v52, _, _ =	vpop (xrf1);
	v31 =	vmin.f32 v39, v37  }
0xb2: {  	v51, _, _ =	vpop (xrf2);
	(xrf1) =	vsort.ascd.msk.f32 $0xffff, v31, v31;
	v31 =	vperm.xlane v52, v0  }
0xb3: {  	v32 =	vmax.f32 v35, v32;
	v53 =	vbroadcast v51, $0xF;
	v55, _, _ =	vpop (xrf1)  }
0xb4: {  	v54 =	vmul.f32 $1.442695020e+00, v10;
	v56 =	vmul.f32 $1.442695020e+00, v5;
	(xrf1) =	vsort.ascd.msk.f32 $0xffff, v32, v32;
	v31 =	vmin.f32 v55, v31;
	v57, _, _ =	vpop (xrf1)  }
0xb5: {  	(erf) = vrcp.f32 v53;
	(xrf1) =	vsort.ascd.msk.f32 $0xffff, v31, v31;
	v31 =	vperm.xlane v57, v0  }
0xb6: {  	v27 =	vmax.f32 v44, v27;
	(erf) = vpow2.f32 v54;
	v58, _, _ =	vpop (xrf1)  }
0xb7: {  	(erf) = vpow2.f32 v56;
	(xrf1) =	vsort.ascd.msk.f32 $0xffff, v27, v27;
	v31 =	vmax.f32 v58, v31  }
0xb8: {  	v27 =	vmul.f32 $1.442695020e+00, v7  }
0xb9: {  	(xrf1) =	vsort.ascd.msk.f32 $0xffff, v31, v31  }
0xba: {  	(erf) = vpow2.f32 v27;
	v27 =	vmul.f32 $1.442695020e+00, v4;
	v31, _, _ =	vpop (xrf2)  }
0xbb: {  	v31 =	vbroadcast v31, $0xF  }
0xbc: {  	(erf) = vpow2.f32 v27  }
0xbd: {  	(erf) = vrcp.f32 v31;
	v31 =	vmul.f32 $1.442695020e+00, v8  }
0xbe: {  	v60 =	vmul.f32 $1.442695020e+00, v14;
	v27 =	vpop (erf)  }
0xbf: {  	v61 =	vpop (erf)  }
0xc0: {  	v59 =	vbroadcast v49, $0x4;
	v62 =	vpop (erf);
	(erf) = vpow2.f32 v60  }
0xc1: {  	v40 =	vmul.f32 $1.442695020e+00, v11;
	(erf) = vpow2.f32 v31;
	v31, _, _ =	vpop (xrf1)  }
0xc2: {  	v42 =	vmul.f32 $1.442695020e+00, v6;
	vm5 =	vge.f32 v10, v59;
	v10, _, _ =	vpop (xrf1)  }
0xc3: {  	vm6 =	vge.f32 v5, v59;
	(erf) = vpow2.f32 v40;
	v41 =	vpop (erf);
	v43 =	vperm.xlane v10, v0  }
0xc4: {  	v29 =	vmax.f32 v33, v29;
	vm7 =	vge.f32 v7, v59;
	v5 =	vnsel vm6, $0x0, v62;
	v7, _, _ =	vpop (xrf1)  }
0xc5: {  	(erf) = vpow2.f32 v42;
	v10 =	vnsel vm5, $0x0, v61;
	v44, _, _ =	vpop (xrf1);
	v7 =	vmin.f32 v7, v43  }
0xc6: {  	v45 =	vpop (erf);
	v35 =	vadd.f32 v5, v10;
	(xrf1) =	vsort.ascd.msk.f32 $0xffff, v7, v7;
	v7 =	vperm.xlane v44, v0  }
0xc7: {  	vm8 =	vge.f32 v4, v59;
	v34 =	vnsel vm7, $0x0, v41;
	v4, _, _ =	vpop (xrf1);
	(xrf1) =	vsort.ascd.msk.f32 $0xffff, v29, v29  }
0xc8: {  	v31 =	vbroadcast v31, $0x4;
	v46 =	vpop (erf);
	v29 =	vadd.f32 v35, v34;
	v4 =	vmin.f32 v4, v7  }
0xc9: {  	v47 =	vpop (erf);
	v7 =	vnsel vm8, $0x0, v45;
	(xrf1) =	vsort.ascd.msk.f32 $0xffff, v4, v4  }
0xca: {  	vm9 =	vge.f32 v14, v31;
	vm10 =	vge.f32 v8, v31;
	v8 =	vpop (erf);
	v4 =	vadd.f32 v29, v7  }
0xcb: {  	v14 =	vnsel vm9, $0x0, v47;
	v8 =	vnsel vm10, $0x0, v8  }
0xcc: {  	vm11 =	vge.f32 v11, v31;
	v11 =	vpop (erf);
	(xrf2) =	vadd.scan.msk.f32 $0xffff, v4;
	v4 =	vadd.f32 v8, v14  }
0xcd: {  	v11 =	vnsel vm11, $0x0, v11  }
0xce: {  	vm12 =	vge.f32 v6, v31;
	v6 =	vpop (erf);
	v4 =	vadd.f32 v4, v11  }
0xcf: {  	v6 =	vnsel vm12, $0x0, v6  }
0xd0: {  	v4 =	vadd.f32 v4, v6;
	_ =	sdelay $0x2  }
0xd1: {  	(xrf2) =	vadd.scan.msk.f32 $0xffff, v4  }
0xd2: {  	v4, _, _ =	vpop (xrf1)  }
0xd3: {  	v29, _, _ =	vpop (xrf1)  }
0xd4: {  	v31, _, _ =	vpop (xrf2);
	v29 =	vperm.xlane v29, v0  }
0xd5: {  	v48, _, _ =	vpop (xrf1)  }
0xd6: {  	v31 =	vbroadcast v31, $0xF;
	v29 =	vmin.f32 v48, v29  }
0xd7: {  	v49 =	vmul.f32 $1.442695020e+00, v21;
	(xrf1) =	vsort.ascd.msk.f32 $0xffff, v29, v29;
	v29 =	vmul.f32 $1.442695020e+00, v16  }
0xd8: {  	(erf) = vrcp.f32 v31;
	v31 =	vmul.f32 $1.442695020e+00, v15  }
0xd9: {  	(erf) = vpow2.f32 v49  }
0xda: {  	(erf) = vpow2.f32 v31  }
0xdb: {  	v31 =	vmul.f32 $1.442695020e+00, v9;
	(erf) = vpow2.f32 v29;
	v29, _, _ =	vpop (xrf2)  }
0xdc: {  	v29 =	vbroadcast v29, $0xF  }
0xdd: {  	(erf) = vpow2.f32 v31;
	v31 =	vmul.f32 $1.442695020e+00, v30  }
0xde: {  	(erf) = vrcp.f32 v29;
	v29 =	vmul.f32 $1.442695020e+00, v25;
	_ =	sdelay $0x1  }
0xdf: {  	(erf) = vpow2.f32 v31;
	v31 =	vmul.f32 $1.442695020e+00, v28  }
0xe0: {  	(erf) = vpow2.f32 v29  }
0xe1: {  	v4 =	vbroadcast v4, $0x4;
	v29 =	vpop (erf)  }
0xe2: {  	v51 =	vmul.f32 $1.442695020e+00, v24;
	v50 =	vpop (erf);
	(erf) = vpow2.f32 v31  }
0xe3: {  	vm13 =	vge.f32 v21, v4;
	vm14 =	vge.f32 v15, v4;
	v31 =	vpop (erf)  }
0xe4: {  	v15 =	vnsel vm13, $0x0, v50;
	v52 =	vpop (erf);
	(erf) = vpow2.f32 v51;
	v21 =	vnsel vm14, $0x0, v31  }
0xe5: {  	vm15 =	vge.f32 v16, v4;
	v31, _, _ =	vpop (xrf1);
	v16 =	vadd.f32 v21, v15  }
0xe6: {  	v53 =	vpop (erf)  }
0xe7: {  	v31 =	vbroadcast v31, $0x4;
	v36 =	vnsel vm15, $0x0, v52;
	v54 =	vpop (erf)  }
0xe8: {  	vm4 =	vge.f32 v9, v4;
	v4 =	vpop (erf);
	v9 =	vadd.f32 v16, v36  }
0xe9: {  	vm5 =	vge.f32 v30, v31;
	vm2 =	vge.f32 v25, v31;
	v25 =	vnsel vm4, $0x0, v53;
	v16 =	vpop (erf)  }
0xea: {  	v4 =	vnsel vm5, $0x0, v4;
	v9 =	vadd.f32 v9, v25;
	v16 =	vnsel vm2, $0x0, v16  }
0xeb: {  	vm6 =	vge.f32 v28, v31;
	v28 =	vadd.f32 v16, v4;
	v30 =	vpop (erf)  }
0xec: {  	(xrf2) =	vadd.scan.msk.f32 $0xffff, v9;
	v30 =	vnsel vm6, $0x0, v30  }
0xed: {  	vm7 =	vge.f32 v24, v31;
	v9 =	vadd.f32 v28, v30;
	v24 =	vpop (erf)  }
0xee: {  	v24 =	vnsel vm7, $0x0, v24  }
0xef: {  	v9 =	vadd.f32 v9, v24;
	_ =	sdelay $0x1  }
0xf0: {  	v2 =	vmul.f32 v26, v2;
	(xrf2) =	vadd.scan.msk.f32 $0xffff, v9  }
0xf1: {  	v1 =	vmul.f32 v26, v1  }
0xf2: {  	[tilespmem:s21+$0x10000] =	vst v2;
	v2 =	vmul.f32 v26, v3  }
0xf3: {  	[tilespmem:s21+$0x10010] =	vst v1;
	v1 =	vmul.f32 v27, v23  }
0xf4: {  	[tilespmem:s21+$0x10020] =	vst v2;
	v2 =	vmul.f32 v27, v19  }
0xf5: {  	[tilespmem:s20+$0x10030] =	vst v1;
	v1 =	vmul.f32 v27, v18;
	v3, _, _ =	vpop (xrf2)  }
0xf6: {  	[tilespmem:s20+$0x10000] =	vst v2;
	v2 =	vmul.f32 v27, v20;
	v3 =	vbroadcast v3, $0xF  }
0xf7: {  	[tilespmem:s20+$0x10010] =	vst v1;
	v1 =	vmul.f32 v46, v13  }
0xf8: {  	[tilespmem:s20+$0x10020] =	vst v2;
	v2 =	vmul.f32 v46, v22  }
0xf9: {  	[tilespmem:s22+$0x10030] =	vst v1;
	v1 =	vmul.f32 v46, v12;
	(erf) = vrcp.f32 v3  }
0xfa: {  	[tilespmem:s22+$0x10000] =	vst v2;
	v2 =	vmul.f32 v46, v17;
	v3, _, _ =	vpop (xrf2)  }
0xfb: {  	[tilespmem:s22+$0x10010] =	vst v1;
	v1 =	vmul.f32 v29, v7;
	v3 =	vbroadcast v3, $0xF  }
0xfc: {  	[tilespmem:s22+$0x10020] =	vst v2;
	v2 =	vmul.f32 v29, v10  }
0xfd: {  	[tilespmem:s23+$0x10030] =	vst v1;
	v1 =	vmul.f32 v29, v5;
	(erf) = vrcp.f32 v3  }
0xfe: {  	[tilespmem:s23+$0x10000] =	vst v2;
	v2 =	vmul.f32 v29, v34  }
0xff: {  	[tilespmem:s23+$0x10010] =	vst v1;
	v1 =	vmul.f32 v54, v6  }
0x100: {  	[tilespmem:s23+$0x10020] =	vst v2;
	v2 =	vmul.f32 v54, v14  }
0x101: {  	[tilespmem:s24+$0x10030] =	vst v1;
	v1 =	vmul.f32 v54, v8  }
0x102: {  	[tilespmem:s24+$0x10000] =	vst v2;
	v2 =	vmul.f32 v54, v11;
	v3 =	vpop (erf)  }
0x103: {  	[tilespmem:s24+$0x10010] =	vst v1;
	v1 =	vmul.f32 v3, v25  }
0x104: {  	[tilespmem:s24+$0x10020] =	vst v2;
	v2 =	vmul.f32 v3, v15  }
0x105: {  	[tilespmem:s25+$0x10030] =	vst v1;
	v1 =	vmul.f32 v3, v21  }
0x106: {  	[tilespmem:s25+$0x10000] =	vst v2;
	v2 =	vmul.f32 v3, v36;
	v3 =	vpop (erf)  }
0x107: {  	[tilespmem:s25+$0x10010] =	vst v1;
	v1 =	vmul.f32 v3, v24  }
0x108: {  	[tilespmem:s25+$0x10020] =	vst v2;
	v2 =	vmul.f32 v3, v4  }
0x109: {  	[tilespmem:s26+$0x10030] =	vst v1;
	v1 =	vmul.f32 v3, v16  }
0x10a: {  	[tilespmem:s26+$0x10000] =	vst v2;
	v2 =	vmul.f32 v3, v30  }
0x10b: {  	[tilespmem:s26+$0x10010] =	vst v1  }
0x10c: {  	s31 =	simm.s32 $0x0;
	[tilespmem:s26+$0x10020] =	vst v2  }
0x10d: {  	[hbm4b:s5+s31] =	stream.linear.scatter [tilespmem:s14], [sflag:$0x3], $0x8000, $0x38;
	v63 =	vld [tilespmem:$0x0]  }
0x10e: {  	_ = 	snop  }
0x10f: {  	[tilespmem:s31], [sflag:$0x1] =	stream.linear.gather [hbm4b:s6+s31], $0x8000, $0x38;
	v63 =	vld [tilespmem:$0x0]  }
0x110: {  	_ =	swait.ge [sflag:s15], $0x8000  }
0x111: {  	[sflag:s15] =	ssyncset.done $0x0  }
0x112: {  	s21 =	simm.s32 $0x0;
	[sflag:s15] =	ssyncadd.s32 $0xFFFF8000  }
0x113: {  	v1 =	vld [tilespmem:s21+$0x8010]  }
0x114: {  	v9 =	vld [tilespmem:s21+$0x8030];
	_ =	sdelay $0x1  }
0x115: {  	v3 =	vld [tilespmem:s21+$0x8020];
	_ =	sdelay $0x1  }
0x116: {  	v2 =	vld [tilespmem:s21+$0x8000];
	(xrf1) =	vsort.ascd.msk.f32 $0xffff, v1, v1  }
0x117: {  	(xrf1) =	vsort.ascd.msk.f32 $0xffff, v9, v9;
	_ =	sdelay $0x1  }
0x118: {  	(xrf1) =	vsort.ascd.msk.f32 $0xffff, v3, v3;
	_ =	sdelay $0x1  }
0x119: {  	(xrf1) =	vsort.ascd.msk.f32 $0xffff, v2, v2;
	_ =	sdelay $0x6  }
0x11a: {  	s20 =	simm.s32 $0x80  }
0x11b: {  	v18 =	vld [tilespmem:s20+$0x8010]  }
0x11c: {  	v4, _, _ =	vpop (xrf1)  }
0x11d: {  	v23 =	vld [tilespmem:s20+$0x8030];
	v5, _, _ =	vpop (xrf1)  }
0x11e: {  	v5 =	vperm.xlane v5, v0  }
0x11f: {  	v6, _, _ =	vpop (xrf1)  }
0x120: {  	(xrf1) =	vsort.ascd.msk.f32 $0xffff, v18, v18;
	v4 =	vperm.xlane v4, v0;
	v7 =	vmin.f32 v6, v5  }
0x121: {  	v20 =	vld [tilespmem:s20+$0x8020];
	v8, _, _ =	vpop (xrf1);
	(xrf1) =	vsort.ascd.msk.f32 $0xffff, v7, v7  }
0x122: {  	v7 =	vmin.f32 v8, v4;
	(xrf1) =	vsort.ascd.msk.f32 $0xffff, v23, v23  }
0x123: {  	v19 =	vld [tilespmem:s20+$0x8000];
	(xrf1) =	vsort.ascd.msk.f32 $0xffff, v7, v7;
	_ =	sdelay $0x2  }
0x124: {  	(xrf1) =	vsort.ascd.msk.f32 $0xffff, v20, v20;
	_ =	sdelay $0x1  }
0x125: {  	(xrf1) =	vsort.ascd.msk.f32 $0xffff, v19, v19;
	_ =	sdelay $0x5  }
0x126: {  	v7, _, _ =	vpop (xrf1)  }
0x127: {  	s22 =	simm.s32 $0x100;
	v10, _, _ =	vpop (xrf1)  }
0x128: {  	v12 =	vld [tilespmem:s22+$0x8010];
	v4 =	vmax.f32 v8, v4;
	v11, _, _ =	vpop (xrf1);
	v8 =	vperm.xlane v10, v0  }
0x129: {  	(xrf1) =	vsort.ascd.msk.f32 $0xffff, v4, v4;
	v10, _, _ =	vpop (xrf1)  }
0x12a: {  	v13 =	vld [tilespmem:s22+$0x8030];
	v4 =	vmax.f32 v10, v8  }
0x12b: {  	v11 =	vperm.xlane v11, v0;
	(xrf1) =	vsort.ascd.msk.f32 $0xffff, v4, v4  }
0x12c: {  	v8, _, _ =	vpop (xrf1)  }
0x12d: {  	v17 =	vld [tilespmem:s22+$0x8020];
	v4 =	vperm.xlane v7, v0;
	(xrf1) =	vsort.ascd.msk.f32 $0xffff, v12, v12;
	v7 =	vmin.f32 v8, v11  }
0x12e: {  	v10, _, _ =	vpop (xrf1);
	(xrf1) =	vsort.ascd.msk.f32 $0xffff, v7, v7  }
0x12f: {  	v7 =	vmin.f32 v10, v4;
	(xrf1) =	vsort.ascd.msk.f32 $0xffff, v13, v13  }
0x130: {  	v22 =	vld [tilespmem:s22+$0x8000];
	(xrf1) =	vsort.ascd.msk.f32 $0xffff, v7, v7;
	_ =	sdelay $0x1  }
0x131: {  	(xrf1) =	vsort.ascd.msk.f32 $0xffff, v17, v17;
	_ =	sdelay $0x2  }
0x132: {  	(xrf1) =	vsort.ascd.msk.f32 $0xffff, v22, v22  }
0x133: {  	v5 =	vmax.f32 v6, v5  }
0x134: {  	v7, _, _ =	vpop (xrf1)  }
0x135: {  	v6 =	vperm.xlane v7, v0  }
0x136: {  	(xrf1) =	vsort.ascd.msk.f32 $0xffff, v5, v5;
	v5, _, _ =	vpop (xrf1)  }
0x137: {  	v6 =	vmin.f32 v5, v6  }
0x138: {  	s23 =	simm.s32 $0x180;
	v14, _, _ =	vpop (xrf1)  }
0x139: {  	v5 =	vld [tilespmem:s23+$0x8010];
	v7, _, _ =	vpop (xrf1)  }
0x13a: {  	v10 =	vmax.f32 v10, v4;
	(xrf1) =	vsort.ascd.msk.f32 $0xffff, v6, v6;
	v6, _, _ =	vpop (xrf1);
	v7 =	vperm.xlane v7, v0  }
0x13b: {  	(xrf1) =	vsort.ascd.msk.f32 $0xffff, v10, v10;
	v15, _, _ =	vpop (xrf1)  }
0x13c: {  	v4 =	vld [tilespmem:s23+$0x8030];
	v16 =	vperm.xlane v6, v0;
	v6 =	vmax.f32 v15, v7  }
0x13d: {  	v15, _, _ =	vpop (xrf1);
	(xrf1) =	vsort.ascd.msk.f32 $0xffff, v6, v6  }
0x13e: {  	v10 =	vmin.f32 v15, v16;
	(xrf1) =	vsort.ascd.msk.f32 $0xffff, v5, v5  }
0x13f: {  	v7 =	vld [tilespmem:s23+$0x8020];
	v6 =	vperm.xlane v14, v0;
	(xrf1) =	vsort.ascd.msk.f32 $0xffff, v10, v10  }
0x140: {  	v14, _, _ =	vpop (xrf1)  }
0x141: {  	v10 =	vld [tilespmem:s23+$0x8000];
	v21 =	vmin.f32 v14, v6;
	(xrf1) =	vsort.ascd.msk.f32 $0xffff, v4, v4  }
0x142: {  	(xrf1) =	vsort.ascd.msk.f32 $0xffff, v21, v21;
	_ =	sdelay $0x1  }
0x143: {  	(xrf1) =	vsort.ascd.msk.f32 $0xffff, v7, v7;
	_ =	sdelay $0x1  }
0x144: {  	v21, _, _ =	vpop (xrf1);
	(xrf1) =	vsort.ascd.msk.f32 $0xffff, v10, v10  }
0x145: {  	v21 =	vperm.xlane v21, v0  }
0x146: {  	v8 =	vmax.f32 v8, v11;
	v24, _, _ =	vpop (xrf1)  }
0x147: {  	v21 =	vmin.f32 v24, v21;
	v24, _, _ =	vpop (xrf1)  }
0x148: {  	(xrf1) =	vsort.ascd.msk.f32 $0xffff, v21, v21;
	v11 =	vperm.xlane v24, v0  }
0x149: {  	(xrf1) =	vsort.ascd.msk.f32 $0xffff, v8, v8;
	v8, _, _ =	vpop (xrf1)  }
0x14a: {  	v24 =	vmul.f32 $1.442695020e+00, v2;
	v21, _, _ =	vpop (xrf1);
	v11 =	vmin.f32 v8, v11  }
0x14b: {  	s24 =	simm.s32 $0x200;
	v25, _, _ =	vpop (xrf1)  }
0x14c: {  	v8 =	vld [tilespmem:s24+$0x8010];
	(xrf1) =	vsort.ascd.msk.f32 $0xffff, v11, v11;
	v25 =	vperm.xlane v25, v0  }
0x14d: {  	v14 =	vmax.f32 v14, v6;
	v11, _, _ =	vpop (xrf1)  }
0x14e: {  	(erf) = vpow2.f32 v24;
	(xrf1) =	vsort.ascd.msk.f32 $0xffff, v14, v14;
	v14 =	vmul.f32 $1.442695020e+00, v1;
	v24, _, _ =	vpop (xrf1)  }
0x14f: {  	v6 =	vld [tilespmem:s24+$0x8030];
	v26 =	vperm.xlane v11, v0;
	v11 =	vmax.f32 v24, v25  }
0x150: {  	(erf) = vpow2.f32 v14;
	v24 =	vmul.f32 $1.442695020e+00, v3;
	v25, _, _ =	vpop (xrf1);
	(xrf1) =	vsort.ascd.msk.f32 $0xffff, v11, v11  }
0x151: {  	v21 =	vperm.xlane v21, v0;
	(xrf1) =	vsort.ascd.msk.f32 $0xffff, v8, v8;
	v14 =	vmin.f32 v25, v26  }
0x152: {  	v28 =	vmul.f32 $1.442695020e+00, v9;
	v11 =	vld [tilespmem:s24+$0x8020];
	v27, _, _ =	vpop (xrf1);
	(erf) = vpow2.f32 v24;
	(xrf1) =	vsort.ascd.msk.f32 $0xffff, v14, v14  }
0x153: {  	v24 =	vmin.f32 v27, v21  }
0x154: {  	(erf) = vpow2.f32 v28;
	(xrf1) =	vsort.ascd.msk.f32 $0xffff, v6, v6  }
0x155: {  	(xrf1) =	vsort.ascd.msk.f32 $0xffff, v24, v24  }
0x156: {  	v14 =	vld [tilespmem:s24+$0x8000];
	v24, _, _ =	vpop (xrf1)  }
0x157: {  	v28 =	vpop (erf);
	(xrf1) =	vsort.ascd.msk.f32 $0xffff, v11, v11;
	v24 =	vbroadcast v24, $0x4  }
0x158: {  	v29, _, _ =	vpop (xrf1)  }
0x159: {  	vm9 =	vge.f32 v1, v24;
	v1 =	vpop (erf)  }
0x15a: {  	v15 =	vmax.f32 v15, v16;
	v29 =	vperm.xlane v29, v0;
	vm8 =	vge.f32 v2, v24;
	v30, _, _ =	vpop (xrf1)  }
0x15b: {  	(xrf1) =	vsort.ascd.msk.f32 $0xffff, v14, v14;
	vm10 =	vge.f32 v3, v24;
	v2 =	vnsel vm8, $0x0, v28;
	v1 =	vnsel vm9, $0x0, v1;
	v3 =	vpop (erf)  }
0x15c: {  	v28 =	vmin.f32 v30, v29;
	v29 =	vadd.f32 v1, v2;
	v16, _, _ =	vpop (xrf1)  }
0x15d: {  	vm11 =	vge.f32 v9, v24;
	(xrf1) =	vsort.ascd.msk.f32 $0xffff, v28, v28;
	v3 =	vnsel vm10, $0x0, v3;
	v16 =	vperm.xlane v16, v0;
	v24 =	vpop (erf)  }
0x15e: {  	v9 =	vadd.f32 v29, v3;
	(xrf1) =	vsort.ascd.msk.f32 $0xffff, v15, v15;
	v15, _, _ =	vpop (xrf1)  }
0x15f: {  	v29 =	vmul.f32 $1.442695020e+00, v19;
	v28 =	vnsel vm11, $0x0, v24;
	v24, _, _ =	vpop (xrf1);
	v16 =	vmin.f32 v15, v16  }
0x160: {  	s25 =	simm.s32 $0x280;
	v30, _, _ =	vpop (xrf1)  }
0x161: {  	v9 =	vadd.f32 v9, v28;
	(erf) = vpow2.f32 v29;
	v15 =	vld [tilespmem:s25+$0x8010];
	v29 =	vperm.xlane v30, v0  }
0x162: {  	(xrf1) =	vsort.ascd.msk.f32 $0xffff, v16, v16;
	v16, _, _ =	vpop (xrf1)  }
0x163: {  	v21 =	vmax.f32 v27, v21;
	(xrf2) =	vadd.scan.msk.f32 $0xffff, v9;
	v30, _, _ =	vpop (xrf1)  }
0x164: {  	(xrf1) =	vsort.ascd.msk.f32 $0xffff, v21, v21;
	v27 =	vperm.xlane v16, v0;
	v16 =	vmax.f32 v30, v29  }
0x165: {  	v9 =	vld [tilespmem:s25+$0x8030];
	v21 =	vmul.f32 $1.442695020e+00, v18;
	v29, _, _ =	vpop (xrf1);
	(xrf1) =	vsort.ascd.msk.f32 $0xffff, v16, v16  }
0x166: {  	v30 =	vmul.f32 $1.442695020e+00, v20;
	(xrf1) =	vsort.ascd.msk.f32 $0xffff, v15, v15;
	v16 =	vmin.f32 v29, v27  }
0x167: {  	(erf) = vpow2.f32 v21;
	(xrf1) =	vsort.ascd.msk.f32 $0xffff, v16, v16;
	v16 =	vmul.f32 $1.442695020e+00, v23  }
0x168: {  	v24 =	vperm.xlane v24, v0;
	(erf) = vpow2.f32 v30  }
0x169: {  	v31, _, _ =	vpop (xrf1);
	(erf) = vpow2.f32 v16;
	v16 =	vld [tilespmem:s25+$0x8020]  }
0x16a: {  	v21 =	vmin.f32 v31, v24;
	(xrf1) =	vsort.ascd.msk.f32 $0xffff, v9, v9  }
0x16b: {  	(xrf1) =	vsort.ascd.msk.f32 $0xffff, v21, v21;
	v21 =	vld [tilespmem:s25+$0x8000]  }
0x16c: {  	v55, _, _ =	vpop (xrf1)  }
0x16d: {  	v56, _, _ =	vpop (xrf2)  }
0x16e: {  	v32 =	vbroadcast v55, $0x4;
	v57, _, _ =	vpop (xrf1);
	(xrf1) =	vsort.ascd.msk.f32 $0xffff, v16, v16  }
0x16f: {  	v30 =	vpop (erf);
	v34 =	vperm.xlane v57, v0;
	v33 =	vbroadcast v56, $0xF  }
0x170: {  	vm12 =	vge.f32 v19, v32;
	vm13 =	vge.f32 v18, v32;
	v18 =	vpop (erf);
	(xrf1) =	vsort.ascd.msk.f32 $0xffff, v21, v21  }
0x171: {  	v19 =	vnsel vm12, $0x0, v30;
	v18 =	vnsel vm13, $0x0, v18;
	(erf) = vrcp.f32 v33;
	v58, _, _ =	vpop (xrf1)  }
0x172: {  	vm14 =	vge.f32 v20, v32;
	v30 =	vadd.f32 v18, v19;
	v20 =	vpop (erf)  }
0x173: {  	vm15 =	vge.f32 v23, v32;
	v34 =	vmin.f32 v58, v34;
	v59, _, _ =	vpop (xrf1);
	v20 =	vnsel vm14, $0x0, v20  }
0x174: {  	v35 =	vperm.xlane v59, v0;
	(xrf1) =	vsort.ascd.msk.f32 $0xffff, v34, v34;
	v60 =	vadd.f32 v30, v20;
	v23 =	vpop (erf)  }
0x175: {  	v25 =	vmax.f32 v25, v26;
	v26, _, _ =	vpop (xrf1);
	v23 =	vnsel vm15, $0x0, v23  }
0x176: {  	v61 =	vmul.f32 $1.442695020e+00, v22;
	(xrf1) =	vsort.ascd.msk.f32 $0xffff, v25, v25;
	v30, _, _ =	vpop (xrf1);
	v25 =	vmin.f32 v26, v35;
	v26 =	vadd.f32 v60, v23  }
0x177: {  	s26 =	simm.s32 $0x300;
	v62, _, _ =	vpop (xrf1);
	(xrf1) =	vsort.ascd.msk.f32 $0xffff, v25, v25  }
0x178: {  	v31 =	vmax.f32 v31, v24;
	(erf) = vpow2.f32 v61;
	v25 =	vld [tilespmem:s26+$0x8010];
	v32, _, _ =	vpop (xrf1);
	(xrf2) =	vadd.scan.msk.f32 $0xffff, v26;
	v33 =	vperm.xlane v62, v0  }
0x179: {  	s28 =	simm.s32 $0xE00;
	v24 =	vld [tilespmem:s26+$0x8030];
	(xrf1) =	vsort.ascd.msk.f32 $0xffff, v31, v31;
	v31 =	vmul.f32 $1.442695020e+00, v12;
	v34, _, _ =	vpop (xrf1)  }
.LBB2_4:
0x17a: {  	v26 =	vperm.xlane v32, v0;
	v32 =	vmax.f32 v34, v33;
	v33 =	vmul.f32 $1.442695020e+00, v17;
	v34 =	vpop (erf)  }
0x17b: {  	p0 =	sne.s32 s28, $0x1FE00;
	v35 =	vmovc v14;
	v14 =	vmovc v21;
	v36 =	vmov v12;
	v12 =	vmov v5;
	v5 =	vmov v8  }
0x17c: {  	v37, _, _ =	vpop (xrf1);
	(xrf1) =	vsort.ascd.msk.f32 $0xffff, v32, v32;
	(erf) = vpow2.f32 v31;
	v21 =	vmul.f32 v34, v28;
	v28 =	vmov v23  }
0x17d: {  	v38 =	vperm.xlane v30, v0;
	v8 =	vmovc v15;
	v31 =	vld [tilespmem:s26+$0x8020];
	(xrf1) =	vsort.ascd.msk.f32 $0xffff, v25, v25;
	v23 =	vmin.f32 v37, v26  }
0x17e: {  	v32 =	vmul.f32 $1.442695020e+00, v13;
	v39, _, _ =	vpop (xrf1);
	(xrf1) =	vsort.ascd.msk.f32 $0xffff, v23, v23;
	(erf) = vpow2.f32 v33;
	[tilespmem:s21+$0x18030] =	vst v21  }
0x17f: {  	v30 =	vmul.f32 v34, v2;
	v2 =	vmovc v19;
	v21 =	vld [tilespmem:s26+$0x8000];
	(xrf1) =	vsort.ascd.msk.f32 $0xffff, v24, v24;
	v23 =	vmin.f32 v39, v38  }
0x180: {  	v15 =	vmovc v25;
	(xrf1) =	vsort.ascd.msk.f32 $0xffff, v23, v23;
	(erf) = vpow2.f32 v32;
	v32 =	vmul.f32 v34, v1;
	v1 =	vmov v18  }
0x181: {  	v25 =	vmov v13;
	v23 =	vmul.f32 v34, v3;
	v3 =	vmov v20;
	v18 =	vpop (erf);
	[tilespmem:s21+$0x18000] =	vst v30  }
0x182: {  	v13 =	vmov v4;
	v4 =	vmov v6;
	(xrf1) =	vsort.ascd.msk.f32 $0xffff, v31, v31;
	v20, _, _ =	vpop (xrf1);
	[tilespmem:s21+$0x18010] =	vst v32  }
0x183: {  	v6 =	vmov v9;
	v9 =	vmov v24;
	v30 =	vbroadcast v20, $0x4;
	v19, _, _ =	vpop (xrf2);
	[tilespmem:s21+$0x18020] =	vst v23;
	s21 =	smov.u32 s20;
	s20 =	smov.u32 s22;
	s22 =	smov.u32 s23  }
0x184: {  	s23 =	smov.u32 s24;
	s24 =	smov.u32 s25;
	s25 =	smov.u32 s26;
	(xrf1) =	vsort.ascd.msk.f32 $0xffff, v21, v21;
	v20, _, _ =	vpop (xrf1);
	v23 =	vbroadcast v19, $0xF  }
0x185: {  	v20 =	vperm.xlane v20, v0;
	vm0 =	vge.f32 v22, v30;
	vm1 =	vge.f32 v36, v30;
	v22 =	vpop (erf)  }
0x186: {  	v24, _, _ =	vpop (xrf1);
	v19 =	vnsel vm0, $0x0, v18;
	v18 =	vnsel vm1, $0x0, v22;
	(erf) = vrcp.f32 v23  }
0x187: {  	vm0 =	vge.f32 v17, v30;
	v20 =	vmin.f32 v24, v20;
	v17 =	vadd.f32 v18, v19;
	v22 =	vpop (erf)  }
0x188: {  	v23 =	vmax.f32 v29, v27;
	v27 =	vmov v26;
	v24, _, _ =	vpop (xrf1);
	(xrf1) =	vsort.ascd.msk.f32 $0xffff, v20, v20;
	v20 =	vnsel vm0, $0x0, v22  }
0x189: {  	vm0 =	vge.f32 v25, v30;
	v22 =	vperm.xlane v24, v0;
	v32 =	vadd.f32 v17, v20;
	v24 =	vpop (erf)  }
.Ltmp1:
0x18a: {  	v26 =	vmul.f32 $1.442695020e+00, v10;
	v29 =	vmov v37;
	(xrf1) =	vsort.ascd.msk.f32 $0xffff, v23, v23;
	v25, _, _ =	vpop (xrf1);
	v23 =	vnsel vm0, $0x0, v24;
	(pc) =	sbr.rel @p0 .LBB2_4-.Ltmp1, $4  }
0x18b: {  	s26 =	sshra.s32 s28, $0x2;
	v30, _, _ =	vpop (xrf1);
	v22 =	vmin.f32 v25, v22;
	v24 =	vadd.f32 v32, v23;
	v17 =	vmov v7  }
0x18c: {  	v7 =	vmov v11;
	v11 =	vmov v16;
	v25 =	vld [tilespmem:s26+$0x8010];
	v33, _, _ =	vpop (xrf1);
	(xrf1) =	vsort.ascd.msk.f32 $0xffff, v22, v22;
	(erf) = vpow2.f32 v26  }
0x18d: {  	v16 =	vmov v31;
	v26 =	vmax.f32 v39, v38;
	v32, _, _ =	vpop (xrf1);
	v33 =	vperm.xlane v33, v0;
	(xrf2) =	vadd.scan.msk.f32 $0xffff, v24  }
0x18e: {  	s28 =	sadd.s32 $0x200, s28;
	v31 =	vmul.f32 $1.442695020e+00, v12;
	v24 =	vld [tilespmem:s26+$0x8030];
	v34, _, _ =	vpop (xrf1);
	(xrf1) =	vsort.ascd.msk.f32 $0xffff, v26, v26;
	v22 =	vmov v10;
	v10 =	vmov v35  }
0x18f: {  	v26 =	vpop (erf);
	v33 =	vmax.f32 v34, v33  }
0x190: {  	v32 =	vperm.xlane v32, v0;
	v58 =	vmul.f32 v26, v28;
	v35, _, _ =	vpop (xrf1);
	(xrf1) =	vsort.ascd.msk.f32 $0xffff, v33, v33  }
0x191: {  	v28 =	vld [tilespmem:s26+$0x8020]  }
0x192: {  	v59 =	vperm.xlane v30, v0;
	(xrf1) =	vsort.ascd.msk.f32 $0xffff, v25, v25;
	v30 =	vmin.f32 v35, v32;
	[tilespmem:s21+$0x18030] =	vst v58  }
0x193: {  	v60, _, _ =	vpop (xrf1);
	(xrf1) =	vsort.ascd.msk.f32 $0xffff, v30, v30;
	v30 =	vld [tilespmem:s26+$0x8000]  }
0x194: {  	(xrf1) =	vsort.ascd.msk.f32 $0xffff, v24, v24;
	v36 =	vmin.f32 v60, v59  }
0x195: {  	(xrf1) =	vsort.ascd.msk.f32 $0xffff, v36, v36  }
0x196: {  	(xrf1) =	vsort.ascd.msk.f32 $0xffff, v28, v28;
	_ =	sdelay $0x1  }
0x197: {  	(xrf1) =	vsort.ascd.msk.f32 $0xffff, v30, v30  }
0x198: {  	v61, _, _ =	vpop (xrf1)  }
0x199: {  	v37, _, _ =	vpop (xrf1)  }
0x19a: {  	v38, _, _ =	vpop (xrf1)  }
0x19b: {  	v37 =	vperm.xlane v37, v0;
	v62, _, _ =	vpop (xrf1)  }
0x19c: {  	v27 =	vmax.f32 v29, v27;
	v29 =	vperm.xlane v62, v0  }
0x19d: {  	v41 =	vmul.f32 $1.442695020e+00, v17;
	v37 =	vmin.f32 v38, v37;
	v40, _, _ =	vpop (xrf1)  }
0x19e: {  	(erf) = vpow2.f32 v31;
	v31 =	vmul.f32 $1.442695020e+00, v13;
	(xrf1) =	vsort.ascd.msk.f32 $0xffff, v37, v37;
	v29 =	vmin.f32 v40, v29  }
0x19f: {  	(xrf1) =	vsort.ascd.msk.f32 $0xffff, v27, v27;
	v27, _, _ =	vpop (xrf1)  }
0x1a0: {  	(erf) = vpow2.f32 v41;
	v33 =	vmax.f32 v60, v59;
	v42, _, _ =	vpop (xrf1)  }
0x1a1: {  	(xrf1) =	vsort.ascd.msk.f32 $0xffff, v29, v29;
	v43 =	vperm.xlane v42, v0;
	v29, _, _ =	vpop (xrf1)  }
0x1a2: {  	(erf) = vpow2.f32 v31;
	(xrf1) =	vsort.ascd.msk.f32 $0xffff, v33, v33;
	v31, _, _ =	vpop (xrf1);
	v29 =	vperm.xlane v29, v0  }
0x1a3: {  	v31 =	vmax.f32 v31, v43;
	v33, _, _ =	vpop (xrf1)  }
0x1a4: {  	v27 =	vperm.xlane v27, v0;
	(xrf1) =	vsort.ascd.msk.f32 $0xffff, v31, v31;
	v31 =	vmin.f32 v33, v29  }
0x1a5: {  	v44, _, _ =	vpop (xrf1);
	(xrf1) =	vsort.ascd.msk.f32 $0xffff, v31, v31;
	v31 =	vbroadcast v61, $0x4  }
0x1a6: {  	v46 =	vpop (erf);
	v45 =	vmin.f32 v44, v27  }
0x1a7: {  	(xrf1) =	vsort.ascd.msk.f32 $0xffff, v45, v45;
	vm0 =	vge.f32 v22, v31;
	vm1 =	vge.f32 v12, v31;
	v12 =	vpop (erf)  }
0x1a8: {  	v22 =	vnsel vm0, $0x0, v46;
	v12 =	vnsel vm1, $0x0, v12  }
0x1a9: {  	vm15 =	vge.f32 v17, v31;
	v17 =	vpop (erf);
	v47 =	vadd.f32 v12, v22  }
0x1aa: {  	v17 =	vnsel vm15, $0x0, v17  }
0x1ab: {  	vm4 =	vge.f32 v13, v31;
	v48 =	vpop (erf);
	v31 =	vadd.f32 v47, v17  }
0x1ac: {  	v49, _, _ =	vpop (xrf1);
	v13 =	vnsel vm4, $0x0, v48  }
0x1ad: {  	v50, _, _ =	vpop (xrf1);
	v31 =	vadd.f32 v31, v13  }
0x1ae: {  	v37 =	vperm.xlane v50, v0  }
0x1af: {  	v39, _, _ =	vpop (xrf1);
	(xrf2) =	vadd.scan.msk.f32 $0xffff, v31  }
0x1b0: {  	v52, _, _ =	vpop (xrf1);
	v31 =	vmin.f32 v39, v37  }
0x1b1: {  	v51, _, _ =	vpop (xrf2);
	(xrf1) =	vsort.ascd.msk.f32 $0xffff, v31, v31;
	v31 =	vperm.xlane v52, v0  }
0x1b2: {  	v32 =	vmax.f32 v35, v32;
	v53 =	vbroadcast v51, $0xF;
	v55, _, _ =	vpop (xrf1)  }
0x1b3: {  	v54 =	vmul.f32 $1.442695020e+00, v10;
	v56 =	vmul.f32 $1.442695020e+00, v5;
	(xrf1) =	vsort.ascd.msk.f32 $0xffff, v32, v32;
	v31 =	vmin.f32 v55, v31;
	v57, _, _ =	vpop (xrf1)  }
0x1b4: {  	(erf) = vrcp.f32 v53;
	(xrf1) =	vsort.ascd.msk.f32 $0xffff, v31, v31;
	v31 =	vperm.xlane v57, v0  }
0x1b5: {  	v27 =	vmax.f32 v44, v27;
	(erf) = vpow2.f32 v54;
	v58, _, _ =	vpop (xrf1)  }
0x1b6: {  	(erf) = vpow2.f32 v56;
	(xrf1) =	vsort.ascd.msk.f32 $0xffff, v27, v27;
	v31 =	vmax.f32 v58, v31  }
0x1b7: {  	v27 =	vmul.f32 $1.442695020e+00, v7  }
0x1b8: {  	(xrf1) =	vsort.ascd.msk.f32 $0xffff, v31, v31  }
0x1b9: {  	(erf) = vpow2.f32 v27;
	v27 =	vmul.f32 $1.442695020e+00, v4;
	v31, _, _ =	vpop (xrf2)  }
0x1ba: {  	v31 =	vbroadcast v31, $0xF  }
0x1bb: {  	(erf) = vpow2.f32 v27  }
0x1bc: {  	(erf) = vrcp.f32 v31;
	v31 =	vmul.f32 $1.442695020e+00, v8  }
0x1bd: {  	v60 =	vmul.f32 $1.442695020e+00, v14;
	v27 =	vpop (erf)  }
0x1be: {  	v61 =	vpop (erf)  }
0x1bf: {  	v59 =	vbroadcast v49, $0x4;
	v62 =	vpop (erf);
	(erf) = vpow2.f32 v60  }
0x1c0: {  	v40 =	vmul.f32 $1.442695020e+00, v11;
	(erf) = vpow2.f32 v31;
	v31, _, _ =	vpop (xrf1)  }
0x1c1: {  	v42 =	vmul.f32 $1.442695020e+00, v6;
	vm5 =	vge.f32 v10, v59;
	v10, _, _ =	vpop (xrf1)  }
0x1c2: {  	vm6 =	vge.f32 v5, v59;
	(erf) = vpow2.f32 v40;
	v41 =	vpop (erf);
	v43 =	vperm.xlane v10, v0  }
0x1c3: {  	v29 =	vmax.f32 v33, v29;
	vm7 =	vge.f32 v7, v59;
	v5 =	vnsel vm6, $0x0, v62;
	v7, _, _ =	vpop (xrf1)  }
0x1c4: {  	(erf) = vpow2.f32 v42;
	v10 =	vnsel vm5, $0x0, v61;
	v44, _, _ =	vpop (xrf1);
	v7 =	vmin.f32 v7, v43  }
0x1c5: {  	v45 =	vpop (erf);
	v35 =	vadd.f32 v5, v10;
	(xrf1) =	vsort.ascd.msk.f32 $0xffff, v7, v7;
	v7 =	vperm.xlane v44, v0  }
0x1c6: {  	vm8 =	vge.f32 v4, v59;
	v34 =	vnsel vm7, $0x0, v41;
	v4, _, _ =	vpop (xrf1);
	(xrf1) =	vsort.ascd.msk.f32 $0xffff, v29, v29  }
0x1c7: {  	v31 =	vbroadcast v31, $0x4;
	v46 =	vpop (erf);
	v29 =	vadd.f32 v35, v34;
	v4 =	vmin.f32 v4, v7  }
0x1c8: {  	v47 =	vpop (erf);
	v7 =	vnsel vm8, $0x0, v45;
	(xrf1) =	vsort.ascd.msk.f32 $0xffff, v4, v4  }
0x1c9: {  	vm9 =	vge.f32 v14, v31;
	vm10 =	vge.f32 v8, v31;
	v8 =	vpop (erf);
	v4 =	vadd.f32 v29, v7  }
0x1ca: {  	v14 =	vnsel vm9, $0x0, v47;
	v8 =	vnsel vm10, $0x0, v8  }
0x1cb: {  	vm11 =	vge.f32 v11, v31;
	v11 =	vpop (erf);
	(xrf2) =	vadd.scan.msk.f32 $0xffff, v4;
	v4 =	vadd.f32 v8, v14  }
0x1cc: {  	v11 =	vnsel vm11, $0x0, v11  }
0x1cd: {  	vm12 =	vge.f32 v6, v31;
	v6 =	vpop (erf);
	v4 =	vadd.f32 v4, v11  }
0x1ce: {  	v6 =	vnsel vm12, $0x0, v6  }
0x1cf: {  	v4 =	vadd.f32 v4, v6;
	_ =	sdelay $0x2  }
0x1d0: {  	(xrf2) =	vadd.scan.msk.f32 $0xffff, v4  }
0x1d1: {  	v4, _, _ =	vpop (xrf1)  }
0x1d2: {  	v29, _, _ =	vpop (xrf1)  }
0x1d3: {  	v31, _, _ =	vpop (xrf2);
	v29 =	vperm.xlane v29, v0  }
0x1d4: {  	v48, _, _ =	vpop (xrf1)  }
0x1d5: {  	v31 =	vbroadcast v31, $0xF;
	v29 =	vmin.f32 v48, v29  }
0x1d6: {  	v49 =	vmul.f32 $1.442695020e+00, v21;
	(xrf1) =	vsort.ascd.msk.f32 $0xffff, v29, v29;
	v29 =	vmul.f32 $1.442695020e+00, v16  }
0x1d7: {  	(erf) = vrcp.f32 v31;
	v31 =	vmul.f32 $1.442695020e+00, v15  }
0x1d8: {  	(erf) = vpow2.f32 v49  }
0x1d9: {  	(erf) = vpow2.f32 v31  }
0x1da: {  	v31 =	vmul.f32 $1.442695020e+00, v9;
	(erf) = vpow2.f32 v29;
	v29, _, _ =	vpop (xrf2)  }
0x1db: {  	v29 =	vbroadcast v29, $0xF  }
0x1dc: {  	(erf) = vpow2.f32 v31;
	v31 =	vmul.f32 $1.442695020e+00, v30  }
0x1dd: {  	(erf) = vrcp.f32 v29;
	v29 =	vmul.f32 $1.442695020e+00, v25;
	_ =	sdelay $0x1  }
0x1de: {  	(erf) = vpow2.f32 v31;
	v31 =	vmul.f32 $1.442695020e+00, v28  }
0x1df: {  	(erf) = vpow2.f32 v29  }
0x1e0: {  	v4 =	vbroadcast v4, $0x4;
	v29 =	vpop (erf)  }
0x1e1: {  	v51 =	vmul.f32 $1.442695020e+00, v24;
	v50 =	vpop (erf);
	(erf) = vpow2.f32 v31  }
0x1e2: {  	vm13 =	vge.f32 v21, v4;
	vm14 =	vge.f32 v15, v4;
	v31 =	vpop (erf)  }
0x1e3: {  	v15 =	vnsel vm13, $0x0, v50;
	v52 =	vpop (erf);
	(erf) = vpow2.f32 v51;
	v21 =	vnsel vm14, $0x0, v31  }
0x1e4: {  	vm15 =	vge.f32 v16, v4;
	v31, _, _ =	vpop (xrf1);
	v16 =	vadd.f32 v21, v15  }
0x1e5: {  	v53 =	vpop (erf)  }
0x1e6: {  	v31 =	vbroadcast v31, $0x4;
	v36 =	vnsel vm15, $0x0, v52;
	v54 =	vpop (erf)  }
0x1e7: {  	vm4 =	vge.f32 v9, v4;
	v4 =	vpop (erf);
	v9 =	vadd.f32 v16, v36  }
0x1e8: {  	vm5 =	vge.f32 v30, v31;
	vm2 =	vge.f32 v25, v31;
	v25 =	vnsel vm4, $0x0, v53;
	v16 =	vpop (erf)  }
0x1e9: {  	v4 =	vnsel vm5, $0x0, v4;
	v9 =	vadd.f32 v9, v25;
	v16 =	vnsel vm2, $0x0, v16  }
0x1ea: {  	vm6 =	vge.f32 v28, v31;
	v28 =	vadd.f32 v16, v4;
	v30 =	vpop (erf)  }
0x1eb: {  	(xrf2) =	vadd.scan.msk.f32 $0xffff, v9;
	v30 =	vnsel vm6, $0x0, v30  }
0x1ec: {  	vm7 =	vge.f32 v24, v31;
	v9 =	vadd.f32 v28, v30;
	v24 =	vpop (erf)  }
0x1ed: {  	v24 =	vnsel vm7, $0x0, v24  }
0x1ee: {  	v9 =	vadd.f32 v9, v24;
	_ =	sdelay $0x1  }
0x1ef: {  	v2 =	vmul.f32 v26, v2;
	(xrf2) =	vadd.scan.msk.f32 $0xffff, v9  }
0x1f0: {  	v1 =	vmul.f32 v26, v1  }
0x1f1: {  	[tilespmem:s21+$0x18000] =	vst v2;
	v2 =	vmul.f32 v26, v3  }
0x1f2: {  	[tilespmem:s21+$0x18010] =	vst v1;
	v1 =	vmul.f32 v27, v23  }
0x1f3: {  	[tilespmem:s21+$0x18020] =	vst v2;
	v2 =	vmul.f32 v27, v19  }
0x1f4: {  	[tilespmem:s20+$0x18030] =	vst v1;
	v1 =	vmul.f32 v27, v18;
	v3, _, _ =	vpop (xrf2)  }
0x1f5: {  	[tilespmem:s20+$0x18000] =	vst v2;
	v2 =	vmul.f32 v27, v20;
	v3 =	vbroadcast v3, $0xF  }
0x1f6: {  	[tilespmem:s20+$0x18010] =	vst v1;
	v1 =	vmul.f32 v46, v13  }
0x1f7: {  	[tilespmem:s20+$0x18020] =	vst v2;
	v2 =	vmul.f32 v46, v22  }
0x1f8: {  	[tilespmem:s22+$0x18030] =	vst v1;
	v1 =	vmul.f32 v46, v12;
	(erf) = vrcp.f32 v3  }
0x1f9: {  	[tilespmem:s22+$0x18000] =	vst v2;
	v2 =	vmul.f32 v46, v17;
	v3, _, _ =	vpop (xrf2)  }
0x1fa: {  	[tilespmem:s22+$0x18010] =	vst v1;
	v1 =	vmul.f32 v29, v7;
	v3 =	vbroadcast v3, $0xF  }
0x1fb: {  	[tilespmem:s22+$0x18020] =	vst v2;
	v2 =	vmul.f32 v29, v10  }
0x1fc: {  	[tilespmem:s23+$0x18030] =	vst v1;
	v1 =	vmul.f32 v29, v5;
	(erf) = vrcp.f32 v3  }
0x1fd: {  	[tilespmem:s23+$0x18000] =	vst v2;
	v2 =	vmul.f32 v29, v34  }
0x1fe: {  	[tilespmem:s23+$0x18010] =	vst v1;
	v1 =	vmul.f32 v54, v6  }
0x1ff: {  	[tilespmem:s23+$0x18020] =	vst v2;
	v2 =	vmul.f32 v54, v14  }
0x200: {  	[tilespmem:s24+$0x18030] =	vst v1;
	v1 =	vmul.f32 v54, v8  }
0x201: {  	[tilespmem:s24+$0x18000] =	vst v2;
	v2 =	vmul.f32 v54, v11;
	v3 =	vpop (erf)  }
0x202: {  	[tilespmem:s24+$0x18010] =	vst v1;
	v1 =	vmul.f32 v3, v25  }
0x203: {  	[tilespmem:s24+$0x18020] =	vst v2;
	v2 =	vmul.f32 v3, v15  }
0x204: {  	[tilespmem:s25+$0x18030] =	vst v1;
	v1 =	vmul.f32 v3, v21  }
0x205: {  	[tilespmem:s25+$0x18000] =	vst v2;
	v2 =	vmul.f32 v3, v36;
	v3 =	vpop (erf)  }
0x206: {  	[tilespmem:s25+$0x18010] =	vst v1;
	v1 =	vmul.f32 v3, v24  }
0x207: {  	[tilespmem:s25+$0x18020] =	vst v2;
	v2 =	vmul.f32 v3, v4  }
0x208: {  	[tilespmem:s26+$0x18030] =	vst v1;
	v1 =	vmul.f32 v3, v16  }
0x209: {  	[tilespmem:s26+$0x18000] =	vst v2;
	v2 =	vmul.f32 v3, v30  }
0x20a: {  	[tilespmem:s26+$0x18010] =	vst v1  }
0x20b: {  	s31 =	simm.s32 $0x0;
	[tilespmem:s26+$0x18020] =	vst v2  }
0x20c: {  	[hbm4b:s7+s31] =	stream.linear.scatter [tilespmem:s16], [sflag:$0x4], $0x8000, $0x38;
	v63 =	vld [tilespmem:$0x0]  }
0x20d: {  	_ = 	snop  }
0x20e: {  	[tilespmem:s12], [sflag:$0x2] =	stream.linear.gather [hbm4b:s8+s31], $0x8000, $0x38;
	v63 =	vld [tilespmem:$0x0]  }
0x20f: {  	_ =	swait.ge [sflag:s13], $0x8000  }
0x210: {  	[sflag:s13] =	ssyncset.done $0x0  }
0x211: {  	[sflag:s13] =	ssyncadd.s32 $0xFFFF8000  }
0x212: {  	_ =	swait.ge [sflag:s17], $0x8000  }
0x213: {  	[sflag:s17] =	ssyncset.done $0x0  }
0x214: {  	s21 =	simm.s32 $0x0;
	[sflag:s17] =	ssyncadd.s32 $0xFFFF8000  }
0x215: {  	v1 =	vld [tilespmem:s21+$0x10]  }
0x216: {  	v9 =	vld [tilespmem:s21+$0x30];
	_ =	sdelay $0x1  }
0x217: {  	v3 =	vld [tilespmem:s21+$0x20];
	_ =	sdelay $0x1  }
0x218: {  	v2 =	vld [tilespmem:s21+$0x0];
	(xrf1) =	vsort.ascd.msk.f32 $0xffff, v1, v1  }
0x219: {  	(xrf1) =	vsort.ascd.msk.f32 $0xffff, v9, v9;
	_ =	sdelay $0x1  }
0x21a: {  	(xrf1) =	vsort.ascd.msk.f32 $0xffff, v3, v3;
	_ =	sdelay $0x1  }
0x21b: {  	(xrf1) =	vsort.ascd.msk.f32 $0xffff, v2, v2;
	_ =	sdelay $0x6  }
0x21c: {  	s20 =	simm.s32 $0x80  }
0x21d: {  	v18 =	vld [tilespmem:s20+$0x10]  }
0x21e: {  	v4, _, _ =	vpop (xrf1)  }
0x21f: {  	v23 =	vld [tilespmem:s20+$0x30];
	v5, _, _ =	vpop (xrf1)  }
0x220: {  	v5 =	vperm.xlane v5, v0  }
0x221: {  	v6, _, _ =	vpop (xrf1)  }
0x222: {  	(xrf1) =	vsort.ascd.msk.f32 $0xffff, v18, v18;
	v4 =	vperm.xlane v4, v0;
	v7 =	vmin.f32 v6, v5  }
0x223: {  	v20 =	vld [tilespmem:s20+$0x20];
	v8, _, _ =	vpop (xrf1);
	(xrf1) =	vsort.ascd.msk.f32 $0xffff, v7, v7  }
0x224: {  	v7 =	vmin.f32 v8, v4;
	(xrf1) =	vsort.ascd.msk.f32 $0xffff, v23, v23  }
0x225: {  	v19 =	vld [tilespmem:s20+$0x0];
	(xrf1) =	vsort.ascd.msk.f32 $0xffff, v7, v7;
	_ =	sdelay $0x2  }
0x226: {  	(xrf1) =	vsort.ascd.msk.f32 $0xffff, v20, v20;
	_ =	sdelay $0x1  }
0x227: {  	(xrf1) =	vsort.ascd.msk.f32 $0xffff, v19, v19;
	_ =	sdelay $0x5  }
0x228: {  	v7, _, _ =	vpop (xrf1)  }
0x229: {  	s22 =	simm.s32 $0x100;
	v10, _, _ =	vpop (xrf1)  }
0x22a: {  	v12 =	vld [tilespmem:s22+$0x10];
	v4 =	vmax.f32 v8, v4;
	v11, _, _ =	vpop (xrf1);
	v8 =	vperm.xlane v10, v0  }
0x22b: {  	(xrf1) =	vsort.ascd.msk.f32 $0xffff, v4, v4;
	v10, _, _ =	vpop (xrf1)  }
0x22c: {  	v13 =	vld [tilespmem:s22+$0x30];
	v4 =	vmax.f32 v10, v8  }
0x22d: {  	v11 =	vperm.xlane v11, v0;
	(xrf1) =	vsort.ascd.msk.f32 $0xffff, v4, v4  }
0x22e: {  	v8, _, _ =	vpop (xrf1)  }
0x22f: {  	v17 =	vld [tilespmem:s22+$0x20];
	v4 =	vperm.xlane v7, v0;
	(xrf1) =	vsort.ascd.msk.f32 $0xffff, v12, v12;
	v7 =	vmin.f32 v8, v11  }
0x230: {  	v10, _, _ =	vpop (xrf1);
	(xrf1) =	vsort.ascd.msk.f32 $0xffff, v7, v7  }
0x231: {  	v7 =	vmin.f32 v10, v4;
	(xrf1) =	vsort.ascd.msk.f32 $0xffff, v13, v13  }
0x232: {  	v22 =	vld [tilespmem:s22+$0x0];
	(xrf1) =	vsort.ascd.msk.f32 $0xffff, v7, v7;
	_ =	sdelay $0x1  }
0x233: {  	(xrf1) =	vsort.ascd.msk.f32 $0xffff, v17, v17;
	_ =	sdelay $0x2  }
0x234: {  	(xrf1) =	vsort.ascd.msk.f32 $0xffff, v22, v22  }
0x235: {  	v5 =	vmax.f32 v6, v5  }
0x236: {  	v7, _, _ =	vpop (xrf1)  }
0x237: {  	v6 =	vperm.xlane v7, v0  }
0x238: {  	(xrf1) =	vsort.ascd.msk.f32 $0xffff, v5, v5;
	v5, _, _ =	vpop (xrf1)  }
0x239: {  	v6 =	vmin.f32 v5, v6  }
0x23a: {  	s23 =	simm.s32 $0x180;
	v14, _, _ =	vpop (xrf1)  }
0x23b: {  	v5 =	vld [tilespmem:s23+$0x10];
	v7, _, _ =	vpop (xrf1)  }
0x23c: {  	v10 =	vmax.f32 v10, v4;
	(xrf1) =	vsort.ascd.msk.f32 $0xffff, v6, v6;
	v6, _, _ =	vpop (xrf1);
	v7 =	vperm.xlane v7, v0  }
0x23d: {  	(xrf1) =	vsort.ascd.msk.f32 $0xffff, v10, v10;
	v15, _, _ =	vpop (xrf1)  }
0x23e: {  	v4 =	vld [tilespmem:s23+$0x30];
	v16 =	vperm.xlane v6, v0;
	v6 =	vmax.f32 v15, v7  }
0x23f: {  	v15, _, _ =	vpop (xrf1);
	(xrf1) =	vsort.ascd.msk.f32 $0xffff, v6, v6  }
0x240: {  	v10 =	vmin.f32 v15, v16;
	(xrf1) =	vsort.ascd.msk.f32 $0xffff, v5, v5  }
0x241: {  	v7 =	vld [tilespmem:s23+$0x20];
	v6 =	vperm.xlane v14, v0;
	(xrf1) =	vsort.ascd.msk.f32 $0xffff, v10, v10  }
0x242: {  	v14, _, _ =	vpop (xrf1)  }
0x243: {  	v10 =	vld [tilespmem:s23+$0x0];
	v21 =	vmin.f32 v14, v6;
	(xrf1) =	vsort.ascd.msk.f32 $0xffff, v4, v4  }
0x244: {  	(xrf1) =	vsort.ascd.msk.f32 $0xffff, v21, v21;
	_ =	sdelay $0x1  }
0x245: {  	(xrf1) =	vsort.ascd.msk.f32 $0xffff, v7, v7;
	_ =	sdelay $0x1  }
0x246: {  	v21, _, _ =	vpop (xrf1);
	(xrf1) =	vsort.ascd.msk.f32 $0xffff, v10, v10  }
0x247: {  	v21 =	vperm.xlane v21, v0  }
0x248: {  	v8 =	vmax.f32 v8, v11;
	v24, _, _ =	vpop (xrf1)  }
0x249: {  	v21 =	vmin.f32 v24, v21;
	v24, _, _ =	vpop (xrf1)  }
0x24a: {  	(xrf1) =	vsort.ascd.msk.f32 $0xffff, v21, v21;
	v11 =	vperm.xlane v24, v0  }
0x24b: {  	(xrf1) =	vsort.ascd.msk.f32 $0xffff, v8, v8;
	v8, _, _ =	vpop (xrf1)  }
0x24c: {  	v24 =	vmul.f32 $1.442695020e+00, v2;
	v21, _, _ =	vpop (xrf1);
	v11 =	vmin.f32 v8, v11  }
0x24d: {  	s24 =	simm.s32 $0x200;
	v25, _, _ =	vpop (xrf1)  }
0x24e: {  	v8 =	vld [tilespmem:s24+$0x10];
	(xrf1) =	vsort.ascd.msk.f32 $0xffff, v11, v11;
	v25 =	vperm.xlane v25, v0  }
0x24f: {  	v14 =	vmax.f32 v14, v6;
	v11, _, _ =	vpop (xrf1)  }
0x250: {  	(erf) = vpow2.f32 v24;
	(xrf1) =	vsort.ascd.msk.f32 $0xffff, v14, v14;
	v14 =	vmul.f32 $1.442695020e+00, v1;
	v24, _, _ =	vpop (xrf1)  }
0x251: {  	v6 =	vld [tilespmem:s24+$0x30];
	v26 =	vperm.xlane v11, v0;
	v11 =	vmax.f32 v24, v25  }
0x252: {  	(erf) = vpow2.f32 v14;
	v24 =	vmul.f32 $1.442695020e+00, v3;
	v25, _, _ =	vpop (xrf1);
	(xrf1) =	vsort.ascd.msk.f32 $0xffff, v11, v11  }
0x253: {  	v21 =	vperm.xlane v21, v0;
	(xrf1) =	vsort.ascd.msk.f32 $0xffff, v8, v8;
	v14 =	vmin.f32 v25, v26  }
0x254: {  	v28 =	vmul.f32 $1.442695020e+00, v9;
	v11 =	vld [tilespmem:s24+$0x20];
	v27, _, _ =	vpop (xrf1);
	(erf) = vpow2.f32 v24;
	(xrf1) =	vsort.ascd.msk.f32 $0xffff, v14, v14  }
0x255: {  	v24 =	vmin.f32 v27, v21  }
0x256: {  	(erf) = vpow2.f32 v28;
	(xrf1) =	vsort.ascd.msk.f32 $0xffff, v6, v6  }
0x257: {  	(xrf1) =	vsort.ascd.msk.f32 $0xffff, v24, v24  }
0x258: {  	v14 =	vld [tilespmem:s24+$0x0];
	v24, _, _ =	vpop (xrf1)  }
0x259: {  	v28 =	vpop (erf);
	(xrf1) =	vsort.ascd.msk.f32 $0xffff, v11, v11;
	v24 =	vbroadcast v24, $0x4  }
0x25a: {  	v29, _, _ =	vpop (xrf1)  }
0x25b: {  	vm9 =	vge.f32 v1, v24;
	v1 =	vpop (erf)  }
0x25c: {  	v15 =	vmax.f32 v15, v16;
	v29 =	vperm.xlane v29, v0;
	vm8 =	vge.f32 v2, v24;
	v30, _, _ =	vpop (xrf1)  }
0x25d: {  	(xrf1) =	vsort.ascd.msk.f32 $0xffff, v14, v14;
	vm10 =	vge.f32 v3, v24;
	v2 =	vnsel vm8, $0x0, v28;
	v1 =	vnsel vm9, $0x0, v1;
	v3 =	vpop (erf)  }
0x25e: {  	v28 =	vmin.f32 v30, v29;
	v29 =	vadd.f32 v1, v2;
	v16, _, _ =	vpop (xrf1)  }
0x25f: {  	vm11 =	vge.f32 v9, v24;
	(xrf1) =	vsort.ascd.msk.f32 $0xffff, v28, v28;
	v3 =	vnsel vm10, $0x0, v3;
	v16 =	vperm.xlane v16, v0;
	v24 =	vpop (erf)  }
0x260: {  	v9 =	vadd.f32 v29, v3;
	(xrf1) =	vsort.ascd.msk.f32 $0xffff, v15, v15;
	v15, _, _ =	vpop (xrf1)  }
0x261: {  	v29 =	vmul.f32 $1.442695020e+00, v19;
	v28 =	vnsel vm11, $0x0, v24;
	v24, _, _ =	vpop (xrf1);
	v16 =	vmin.f32 v15, v16  }
0x262: {  	s25 =	simm.s32 $0x280;
	v30, _, _ =	vpop (xrf1)  }
0x263: {  	v9 =	vadd.f32 v9, v28;
	(erf) = vpow2.f32 v29;
	v15 =	vld [tilespmem:s25+$0x10];
	v29 =	vperm.xlane v30, v0  }
0x264: {  	(xrf1) =	vsort.ascd.msk.f32 $0xffff, v16, v16;
	v16, _, _ =	vpop (xrf1)  }
0x265: {  	v21 =	vmax.f32 v27, v21;
	(xrf2) =	vadd.scan.msk.f32 $0xffff, v9;
	v30, _, _ =	vpop (xrf1)  }
0x266: {  	(xrf1) =	vsort.ascd.msk.f32 $0xffff, v21, v21;
	v27 =	vperm.xlane v16, v0;
	v16 =	vmax.f32 v30, v29  }
0x267: {  	v9 =	vld [tilespmem:s25+$0x30];
	v21 =	vmul.f32 $1.442695020e+00, v18;
	v29, _, _ =	vpop (xrf1);
	(xrf1) =	vsort.ascd.msk.f32 $0xffff, v16, v16  }
0x268: {  	v30 =	vmul.f32 $1.442695020e+00, v20;
	(xrf1) =	vsort.ascd.msk.f32 $0xffff, v15, v15;
	v16 =	vmin.f32 v29, v27  }
0x269: {  	(erf) = vpow2.f32 v21;
	(xrf1) =	vsort.ascd.msk.f32 $0xffff, v16, v16;
	v16 =	vmul.f32 $1.442695020e+00, v23  }
0x26a: {  	v24 =	vperm.xlane v24, v0;
	(erf) = vpow2.f32 v30  }
0x26b: {  	v31, _, _ =	vpop (xrf1);
	(erf) = vpow2.f32 v16;
	v16 =	vld [tilespmem:s25+$0x20]  }
0x26c: {  	v21 =	vmin.f32 v31, v24;
	(xrf1) =	vsort.ascd.msk.f32 $0xffff, v9, v9  }
0x26d: {  	(xrf1) =	vsort.ascd.msk.f32 $0xffff, v21, v21;
	v21 =	vld [tilespmem:s25+$0x0]  }
0x26e: {  	v55, _, _ =	vpop (xrf1)  }
0x26f: {  	v56, _, _ =	vpop (xrf2)  }
0x270: {  	v32 =	vbroadcast v55, $0x4;
	v57, _, _ =	vpop (xrf1);
	(xrf1) =	vsort.ascd.msk.f32 $0xffff, v16, v16  }
0x271: {  	v30 =	vpop (erf);
	v34 =	vperm.xlane v57, v0;
	v33 =	vbroadcast v56, $0xF  }
0x272: {  	vm12 =	vge.f32 v19, v32;
	vm13 =	vge.f32 v18, v32;
	v18 =	vpop (erf);
	(xrf1) =	vsort.ascd.msk.f32 $0xffff, v21, v21  }
0x273: {  	v19 =	vnsel vm12, $0x0, v30;
	v18 =	vnsel vm13, $0x0, v18;
	(erf) = vrcp.f32 v33;
	v58, _, _ =	vpop (xrf1)  }
0x274: {  	vm14 =	vge.f32 v20, v32;
	v30 =	vadd.f32 v18, v19;
	v20 =	vpop (erf)  }
0x275: {  	vm15 =	vge.f32 v23, v32;
	v34 =	vmin.f32 v58, v34;
	v59, _, _ =	vpop (xrf1);
	v20 =	vnsel vm14, $0x0, v20  }
0x276: {  	v35 =	vperm.xlane v59, v0;
	(xrf1) =	vsort.ascd.msk.f32 $0xffff, v34, v34;
	v60 =	vadd.f32 v30, v20;
	v23 =	vpop (erf)  }
0x277: {  	v25 =	vmax.f32 v25, v26;
	v26, _, _ =	vpop (xrf1);
	v23 =	vnsel vm15, $0x0, v23  }
0x278: {  	v61 =	vmul.f32 $1.442695020e+00, v22;
	(xrf1) =	vsort.ascd.msk.f32 $0xffff, v25, v25;
	v30, _, _ =	vpop (xrf1);
	v25 =	vmin.f32 v26, v35;
	v26 =	vadd.f32 v60, v23  }
0x279: {  	s26 =	simm.s32 $0x300;
	v62, _, _ =	vpop (xrf1);
	(xrf1) =	vsort.ascd.msk.f32 $0xffff, v25, v25  }
0x27a: {  	v31 =	vmax.f32 v31, v24;
	(erf) = vpow2.f32 v61;
	v25 =	vld [tilespmem:s26+$0x10];
	v32, _, _ =	vpop (xrf1);
	(xrf2) =	vadd.scan.msk.f32 $0xffff, v26;
	v33 =	vperm.xlane v62, v0  }
0x27b: {  	s28 =	simm.s32 $0xE00;
	v24 =	vld [tilespmem:s26+$0x30];
	(xrf1) =	vsort.ascd.msk.f32 $0xffff, v31, v31;
	v31 =	vmul.f32 $1.442695020e+00, v12;
	v34, _, _ =	vpop (xrf1)  }
.LBB2_6:
0x27c: {  	v26 =	vperm.xlane v32, v0;
	v32 =	vmax.f32 v34, v33;
	v33 =	vmul.f32 $1.442695020e+00, v17;
	v34 =	vpop (erf)  }
0x27d: {  	p0 =	sne.s32 s28, $0x1FE00;
	v35 =	vmovc v14;
	v14 =	vmovc v21;
	v36 =	vmov v12;
	v12 =	vmov v5;
	v5 =	vmov v8  }
0x27e: {  	v37, _, _ =	vpop (xrf1);
	(xrf1) =	vsort.ascd.msk.f32 $0xffff, v32, v32;
	(erf) = vpow2.f32 v31;
	v21 =	vmul.f32 v34, v28;
	v28 =	vmov v23  }
0x27f: {  	v38 =	vperm.xlane v30, v0;
	v8 =	vmovc v15;
	v31 =	vld [tilespmem:s26+$0x20];
	(xrf1) =	vsort.ascd.msk.f32 $0xffff, v25, v25;
	v23 =	vmin.f32 v37, v26  }
0x280: {  	v32 =	vmul.f32 $1.442695020e+00, v13;
	v39, _, _ =	vpop (xrf1);
	(xrf1) =	vsort.ascd.msk.f32 $0xffff, v23, v23;
	(erf) = vpow2.f32 v33;
	[tilespmem:s21+$0x10030] =	vst v21  }
0x281: {  	v30 =	vmul.f32 v34, v2;
	v2 =	vmovc v19;
	v21 =	vld [tilespmem:s26+$0x0];
	(xrf1) =	vsort.ascd.msk.f32 $0xffff, v24, v24;
	v23 =	vmin.f32 v39, v38  }
0x282: {  	v15 =	vmovc v25;
	(xrf1) =	vsort.ascd.msk.f32 $0xffff, v23, v23;
	(erf) = vpow2.f32 v32;
	v32 =	vmul.f32 v34, v1;
	v1 =	vmov v18  }
0x283: {  	v25 =	vmov v13;
	v23 =	vmul.f32 v34, v3;
	v3 =	vmov v20;
	v18 =	vpop (erf);
	[tilespmem:s21+$0x10000] =	vst v30  }
0x284: {  	v13 =	vmov v4;
	v4 =	vmov v6;
	(xrf1) =	vsort.ascd.msk.f32 $0xffff, v31, v31;
	v20, _, _ =	vpop (xrf1);
	[tilespmem:s21+$0x10010] =	vst v32  }
0x285: {  	v6 =	vmov v9;
	v9 =	vmov v24;
	v30 =	vbroadcast v20, $0x4;
	v19, _, _ =	vpop (xrf2);
	[tilespmem:s21+$0x10020] =	vst v23;
	s21 =	smov.u32 s20;
	s20 =	smov.u32 s22;
	s22 =	smov.u32 s23  }
0x286: {  	s23 =	smov.u32 s24;
	s24 =	smov.u32 s25;
	s25 =	smov.u32 s26;
	(xrf1) =	vsort.ascd.msk.f32 $0xffff, v21, v21;
	v20, _, _ =	vpop (xrf1);
	v23 =	vbroadcast v19, $0xF  }
0x287: {  	v20 =	vperm.xlane v20, v0;
	vm0 =	vge.f32 v22, v30;
	vm1 =	vge.f32 v36, v30;
	v22 =	vpop (erf)  }
0x288: {  	v24, _, _ =	vpop (xrf1);
	v19 =	vnsel vm0, $0x0, v18;
	v18 =	vnsel vm1, $0x0, v22;
	(erf) = vrcp.f32 v23  }
0x289: {  	vm0 =	vge.f32 v17, v30;
	v20 =	vmin.f32 v24, v20;
	v17 =	vadd.f32 v18, v19;
	v22 =	vpop (erf)  }
0x28a: {  	v23 =	vmax.f32 v29, v27;
	v27 =	vmov v26;
	v24, _, _ =	vpop (xrf1);
	(xrf1) =	vsort.ascd.msk.f32 $0xffff, v20, v20;
	v20 =	vnsel vm0, $0x0, v22  }
0x28b: {  	vm0 =	vge.f32 v25, v30;
	v22 =	vperm.xlane v24, v0;
	v32 =	vadd.f32 v17, v20;
	v24 =	vpop (erf)  }
.Ltmp2:
0x28c: {  	v26 =	vmul.f32 $1.442695020e+00, v10;
	v29 =	vmov v37;
	(xrf1) =	vsort.ascd.msk.f32 $0xffff, v23, v23;
	v25, _, _ =	vpop (xrf1);
	v23 =	vnsel vm0, $0x0, v24;
	(pc) =	sbr.rel @p0 .LBB2_6-.Ltmp2, $4  }
0x28d: {  	s26 =	sshra.s32 s28, $0x2;
	v30, _, _ =	vpop (xrf1);
	v22 =	vmin.f32 v25, v22;
	v24 =	vadd.f32 v32, v23;
	v17 =	vmov v7  }
0x28e: {  	v7 =	vmov v11;
	v11 =	vmov v16;
	v25 =	vld [tilespmem:s26+$0x10];
	v33, _, _ =	vpop (xrf1);
	(xrf1) =	vsort.ascd.msk.f32 $0xffff, v22, v22;
	(erf) = vpow2.f32 v26  }
0x28f: {  	v16 =	vmov v31;
	v26 =	vmax.f32 v39, v38;
	v32, _, _ =	vpop (xrf1);
	v33 =	vperm.xlane v33, v0;
	(xrf2) =	vadd.scan.msk.f32 $0xffff, v24  }
0x290: {  	s28 =	sadd.s32 $0x200, s28;
	v31 =	vmul.f32 $1.442695020e+00, v12;
	v24 =	vld [tilespmem:s26+$0x30];
	v34, _, _ =	vpop (xrf1);
	(xrf1) =	vsort.ascd.msk.f32 $0xffff, v26, v26;
	v22 =	vmov v10;
	v10 =	vmov v35  }
0x291: {  	v26 =	vpop (erf);
	v33 =	vmax.f32 v34, v33  }
0x292: {  	v32 =	vperm.xlane v32, v0;
	v58 =	vmul.f32 v26, v28;
	v35, _, _ =	vpop (xrf1);
	(xrf1) =	vsort.ascd.msk.f32 $0xffff, v33, v33  }
0x293: {  	v28 =	vld [tilespmem:s26+$0x20]  }
0x294: {  	v59 =	vperm.xlane v30, v0;
	(xrf1) =	vsort.ascd.msk.f32 $0xffff, v25, v25;
	v30 =	vmin.f32 v35, v32;
	[tilespmem:s21+$0x10030] =	vst v58  }
0x295: {  	v60, _, _ =	vpop (xrf1);
	(xrf1) =	vsort.ascd.msk.f32 $0xffff, v30, v30;
	v30 =	vld [tilespmem:s26+$0x0]  }
0x296: {  	(xrf1) =	vsort.ascd.msk.f32 $0xffff, v24, v24;
	v36 =	vmin.f32 v60, v59  }
0x297: {  	(xrf1) =	vsort.ascd.msk.f32 $0xffff, v36, v36  }
0x298: {  	(xrf1) =	vsort.ascd.msk.f32 $0xffff, v28, v28;
	_ =	sdelay $0x1  }
0x299: {  	(xrf1) =	vsort.ascd.msk.f32 $0xffff, v30, v30  }
0x29a: {  	v61, _, _ =	vpop (xrf1)  }
0x29b: {  	v37, _, _ =	vpop (xrf1)  }
0x29c: {  	v38, _, _ =	vpop (xrf1)  }
0x29d: {  	v37 =	vperm.xlane v37, v0;
	v62, _, _ =	vpop (xrf1)  }
0x29e: {  	v27 =	vmax.f32 v29, v27;
	v29 =	vperm.xlane v62, v0  }
0x29f: {  	v41 =	vmul.f32 $1.442695020e+00, v17;
	v37 =	vmin.f32 v38, v37;
	v40, _, _ =	vpop (xrf1)  }
0x2a0: {  	(erf) = vpow2.f32 v31;
	v31 =	vmul.f32 $1.442695020e+00, v13;
	(xrf1) =	vsort.ascd.msk.f32 $0xffff, v37, v37;
	v29 =	vmin.f32 v40, v29  }
0x2a1: {  	(xrf1) =	vsort.ascd.msk.f32 $0xffff, v27, v27;
	v27, _, _ =	vpop (xrf1)  }
0x2a2: {  	(erf) = vpow2.f32 v41;
	v33 =	vmax.f32 v60, v59;
	v42, _, _ =	vpop (xrf1)  }
0x2a3: {  	(xrf1) =	vsort.ascd.msk.f32 $0xffff, v29, v29;
	v43 =	vperm.xlane v42, v0;
	v29, _, _ =	vpop (xrf1)  }
0x2a4: {  	(erf) = vpow2.f32 v31;
	(xrf1) =	vsort.ascd.msk.f32 $0xffff, v33, v33;
	v31, _, _ =	vpop (xrf1);
	v29 =	vperm.xlane v29, v0  }
0x2a5: {  	v31 =	vmax.f32 v31, v43;
	v33, _, _ =	vpop (xrf1)  }
0x2a6: {  	v27 =	vperm.xlane v27, v0;
	(xrf1) =	vsort.ascd.msk.f32 $0xffff, v31, v31;
	v31 =	vmin.f32 v33, v29  }
0x2a7: {  	v44, _, _ =	vpop (xrf1);
	(xrf1) =	vsort.ascd.msk.f32 $0xffff, v31, v31;
	v31 =	vbroadcast v61, $0x4  }
0x2a8: {  	v46 =	vpop (erf);
	v45 =	vmin.f32 v44, v27  }
0x2a9: {  	(xrf1) =	vsort.ascd.msk.f32 $0xffff, v45, v45;
	vm0 =	vge.f32 v22, v31;
	vm1 =	vge.f32 v12, v31;
	v12 =	vpop (erf)  }
0x2aa: {  	v22 =	vnsel vm0, $0x0, v46;
	v12 =	vnsel vm1, $0x0, v12  }
0x2ab: {  	vm15 =	vge.f32 v17, v31;
	v17 =	vpop (erf);
	v47 =	vadd.f32 v12, v22  }
0x2ac: {  	v17 =	vnsel vm15, $0x0, v17  }
0x2ad: {  	vm4 =	vge.f32 v13, v31;
	v48 =	vpop (erf);
	v31 =	vadd.f32 v47, v17  }
0x2ae: {  	v49, _, _ =	vpop (xrf1);
	v13 =	vnsel vm4, $0x0, v48  }
0x2af: {  	v50, _, _ =	vpop (xrf1);
	v31 =	vadd.f32 v31, v13  }
0x2b0: {  	v37 =	vperm.xlane v50, v0  }
0x2b1: {  	v39, _, _ =	vpop (xrf1);
	(xrf2) =	vadd.scan.msk.f32 $0xffff, v31  }
0x2b2: {  	v52, _, _ =	vpop (xrf1);
	v31 =	vmin.f32 v39, v37  }
0x2b3: {  	v51, _, _ =	vpop (xrf2);
	(xrf1) =	vsort.ascd.msk.f32 $0xffff, v31, v31;
	v31 =	vperm.xlane v52, v0  }
0x2b4: {  	v32 =	vmax.f32 v35, v32;
	v53 =	vbroadcast v51, $0xF;
	v55, _, _ =	vpop (xrf1)  }
0x2b5: {  	v54 =	vmul.f32 $1.442695020e+00, v10;
	v56 =	vmul.f32 $1.442695020e+00, v5;
	(xrf1) =	vsort.ascd.msk.f32 $0xffff, v32, v32;
	v31 =	vmin.f32 v55, v31;
	v57, _, _ =	vpop (xrf1)  }
0x2b6: {  	(erf) = vrcp.f32 v53;
	(xrf1) =	vsort.ascd.msk.f32 $0xffff, v31, v31;
	v31 =	vperm.xlane v57, v0  }
0x2b7: {  	v27 =	vmax.f32 v44, v27;
	(erf) = vpow2.f32 v54;
	v58, _, _ =	vpop (xrf1)  }
0x2b8: {  	(erf) = vpow2.f32 v56;
	(xrf1) =	vsort.ascd.msk.f32 $0xffff, v27, v27;
	v31 =	vmax.f32 v58, v31  }
0x2b9: {  	v27 =	vmul.f32 $1.442695020e+00, v7  }
0x2ba: {  	(xrf1) =	vsort.ascd.msk.f32 $0xffff, v31, v31  }
0x2bb: {  	(erf) = vpow2.f32 v27;
	v27 =	vmul.f32 $1.442695020e+00, v4;
	v31, _, _ =	vpop (xrf2)  }
0x2bc: {  	v31 =	vbroadcast v31, $0xF  }
0x2bd: {  	(erf) = vpow2.f32 v27  }
0x2be: {  	(erf) = vrcp.f32 v31;
	v31 =	vmul.f32 $1.442695020e+00, v8  }
0x2bf: {  	v60 =	vmul.f32 $1.442695020e+00, v14;
	v27 =	vpop (erf)  }
0x2c0: {  	v61 =	vpop (erf)  }
0x2c1: {  	v59 =	vbroadcast v49, $0x4;
	v62 =	vpop (erf);
	(erf) = vpow2.f32 v60  }
0x2c2: {  	v40 =	vmul.f32 $1.442695020e+00, v11;
	(erf) = vpow2.f32 v31;
	v31, _, _ =	vpop (xrf1)  }
0x2c3: {  	v42 =	vmul.f32 $1.442695020e+00, v6;
	vm5 =	vge.f32 v10, v59;
	v10, _, _ =	vpop (xrf1)  }
0x2c4: {  	vm6 =	vge.f32 v5, v59;
	(erf) = vpow2.f32 v40;
	v41 =	vpop (erf);
	v43 =	vperm.xlane v10, v0  }
0x2c5: {  	v29 =	vmax.f32 v33, v29;
	vm7 =	vge.f32 v7, v59;
	v5 =	vnsel vm6, $0x0, v62;
	v7, _, _ =	vpop (xrf1)  }
0x2c6: {  	(erf) = vpow2.f32 v42;
	v10 =	vnsel vm5, $0x0, v61;
	v44, _, _ =	vpop (xrf1);
	v7 =	vmin.f32 v7, v43  }
0x2c7: {  	v45 =	vpop (erf);
	v35 =	vadd.f32 v5, v10;
	(xrf1) =	vsort.ascd.msk.f32 $0xffff, v7, v7;
	v7 =	vperm.xlane v44, v0  }
0x2c8: {  	vm8 =	vge.f32 v4, v59;
	v34 =	vnsel vm7, $0x0, v41;
	v4, _, _ =	vpop (xrf1);
	(xrf1) =	vsort.ascd.msk.f32 $0xffff, v29, v29  }
0x2c9: {  	v31 =	vbroadcast v31, $0x4;
	v46 =	vpop (erf);
	v29 =	vadd.f32 v35, v34;
	v4 =	vmin.f32 v4, v7  }
0x2ca: {  	v47 =	vpop (erf);
	v7 =	vnsel vm8, $0x0, v45;
	(xrf1) =	vsort.ascd.msk.f32 $0xffff, v4, v4  }
0x2cb: {  	vm9 =	vge.f32 v14, v31;
	vm10 =	vge.f32 v8, v31;
	v8 =	vpop (erf);
	v4 =	vadd.f32 v29, v7  }
0x2cc: {  	v14 =	vnsel vm9, $0x0, v47;
	v8 =	vnsel vm10, $0x0, v8  }
0x2cd: {  	vm11 =	vge.f32 v11, v31;
	v11 =	vpop (erf);
	(xrf2) =	vadd.scan.msk.f32 $0xffff, v4;
	v4 =	vadd.f32 v8, v14  }
0x2ce: {  	v11 =	vnsel vm11, $0x0, v11  }
0x2cf: {  	vm12 =	vge.f32 v6, v31;
	v6 =	vpop (erf);
	v4 =	vadd.f32 v4, v11  }
0x2d0: {  	v6 =	vnsel vm12, $0x0, v6  }
0x2d1: {  	v4 =	vadd.f32 v4, v6;
	_ =	sdelay $0x2  }
0x2d2: {  	(xrf2) =	vadd.scan.msk.f32 $0xffff, v4  }
0x2d3: {  	v4, _, _ =	vpop (xrf1)  }
0x2d4: {  	v29, _, _ =	vpop (xrf1)  }
0x2d5: {  	v31, _, _ =	vpop (xrf2);
	v29 =	vperm.xlane v29, v0  }
0x2d6: {  	v48, _, _ =	vpop (xrf1)  }
0x2d7: {  	v31 =	vbroadcast v31, $0xF;
	v29 =	vmin.f32 v48, v29  }
0x2d8: {  	v49 =	vmul.f32 $1.442695020e+00, v21;
	(xrf1) =	vsort.ascd.msk.f32 $0xffff, v29, v29;
	v29 =	vmul.f32 $1.442695020e+00, v16  }
0x2d9: {  	(erf) = vrcp.f32 v31;
	v31 =	vmul.f32 $1.442695020e+00, v15  }
0x2da: {  	(erf) = vpow2.f32 v49  }
0x2db: {  	(erf) = vpow2.f32 v31  }
0x2dc: {  	v31 =	vmul.f32 $1.442695020e+00, v9;
	(erf) = vpow2.f32 v29;
	v29, _, _ =	vpop (xrf2)  }
0x2dd: {  	v29 =	vbroadcast v29, $0xF  }
0x2de: {  	(erf) = vpow2.f32 v31;
	v31 =	vmul.f32 $1.442695020e+00, v30  }
0x2df: {  	(erf) = vrcp.f32 v29;
	v29 =	vmul.f32 $1.442695020e+00, v25;
	_ =	sdelay $0x1  }
0x2e0: {  	(erf) = vpow2.f32 v31;
	v31 =	vmul.f32 $1.442695020e+00, v28  }
0x2e1: {  	(erf) = vpow2.f32 v29  }
0x2e2: {  	v4 =	vbroadcast v4, $0x4;
	v29 =	vpop (erf)  }
0x2e3: {  	v51 =	vmul.f32 $1.442695020e+00, v24;
	v50 =	vpop (erf);
	(erf) = vpow2.f32 v31  }
0x2e4: {  	vm13 =	vge.f32 v21, v4;
	vm14 =	vge.f32 v15, v4;
	v31 =	vpop (erf)  }
0x2e5: {  	v15 =	vnsel vm13, $0x0, v50;
	v52 =	vpop (erf);
	(erf) = vpow2.f32 v51;
	v21 =	vnsel vm14, $0x0, v31  }
0x2e6: {  	vm15 =	vge.f32 v16, v4;
	v31, _, _ =	vpop (xrf1);
	v16 =	vadd.f32 v21, v15  }
0x2e7: {  	v53 =	vpop (erf)  }
0x2e8: {  	v31 =	vbroadcast v31, $0x4;
	v36 =	vnsel vm15, $0x0, v52;
	v54 =	vpop (erf)  }
0x2e9: {  	vm4 =	vge.f32 v9, v4;
	v4 =	vpop (erf);
	v9 =	vadd.f32 v16, v36  }
0x2ea: {  	vm5 =	vge.f32 v30, v31;
	vm2 =	vge.f32 v25, v31;
	v25 =	vnsel vm4, $0x0, v53;
	v16 =	vpop (erf)  }
0x2eb: {  	v4 =	vnsel vm5, $0x0, v4;
	v9 =	vadd.f32 v9, v25;
	v16 =	vnsel vm2, $0x0, v16  }
0x2ec: {  	vm6 =	vge.f32 v28, v31;
	v28 =	vadd.f32 v16, v4;
	v30 =	vpop (erf)  }
0x2ed: {  	(xrf2) =	vadd.scan.msk.f32 $0xffff, v9;
	v30 =	vnsel vm6, $0x0, v30  }
0x2ee: {  	vm7 =	vge.f32 v24, v31;
	v9 =	vadd.f32 v28, v30;
	v24 =	vpop (erf)  }
0x2ef: {  	v24 =	vnsel vm7, $0x0, v24  }
0x2f0: {  	v9 =	vadd.f32 v9, v24;
	_ =	sdelay $0x1  }
0x2f1: {  	v2 =	vmul.f32 v26, v2;
	(xrf2) =	vadd.scan.msk.f32 $0xffff, v9  }
0x2f2: {  	v1 =	vmul.f32 v26, v1  }
0x2f3: {  	[tilespmem:s21+$0x10000] =	vst v2;
	v2 =	vmul.f32 v26, v3  }
0x2f4: {  	[tilespmem:s21+$0x10010] =	vst v1;
	v1 =	vmul.f32 v27, v23  }
0x2f5: {  	[tilespmem:s21+$0x10020] =	vst v2;
	v2 =	vmul.f32 v27, v19  }
0x2f6: {  	[tilespmem:s20+$0x10030] =	vst v1;
	v1 =	vmul.f32 v27, v18;
	v3, _, _ =	vpop (xrf2)  }
0x2f7: {  	[tilespmem:s20+$0x10000] =	vst v2;
	v2 =	vmul.f32 v27, v20;
	v3 =	vbroadcast v3, $0xF  }
0x2f8: {  	[tilespmem:s20+$0x10010] =	vst v1;
	v1 =	vmul.f32 v46, v13  }
0x2f9: {  	[tilespmem:s20+$0x10020] =	vst v2;
	v2 =	vmul.f32 v46, v22  }
0x2fa: {  	[tilespmem:s22+$0x10030] =	vst v1;
	v1 =	vmul.f32 v46, v12;
	(erf) = vrcp.f32 v3  }
0x2fb: {  	[tilespmem:s22+$0x10000] =	vst v2;
	v2 =	vmul.f32 v46, v17;
	v3, _, _ =	vpop (xrf2)  }
0x2fc: {  	[tilespmem:s22+$0x10010] =	vst v1;
	v1 =	vmul.f32 v29, v7;
	v3 =	vbroadcast v3, $0xF  }
0x2fd: {  	[tilespmem:s22+$0x10020] =	vst v2;
	v2 =	vmul.f32 v29, v10  }
0x2fe: {  	[tilespmem:s23+$0x10030] =	vst v1;
	v1 =	vmul.f32 v29, v5;
	(erf) = vrcp.f32 v3  }
0x2ff: {  	[tilespmem:s23+$0x10000] =	vst v2;
	v2 =	vmul.f32 v29, v34  }
0x300: {  	[tilespmem:s23+$0x10010] =	vst v1;
	v1 =	vmul.f32 v54, v6  }
0x301: {  	[tilespmem:s23+$0x10020] =	vst v2;
	v2 =	vmul.f32 v54, v14  }
0x302: {  	[tilespmem:s24+$0x10030] =	vst v1;
	v1 =	vmul.f32 v54, v8  }
0x303: {  	[tilespmem:s24+$0x10000] =	vst v2;
	v2 =	vmul.f32 v54, v11;
	v3 =	vpop (erf)  }
0x304: {  	[tilespmem:s24+$0x10010] =	vst v1;
	v1 =	vmul.f32 v3, v25  }
0x305: {  	[tilespmem:s24+$0x10020] =	vst v2;
	v2 =	vmul.f32 v3, v15  }
0x306: {  	[tilespmem:s25+$0x10030] =	vst v1;
	v1 =	vmul.f32 v3, v21  }
0x307: {  	[tilespmem:s25+$0x10000] =	vst v2;
	v2 =	vmul.f32 v3, v36;
	v3 =	vpop (erf)  }
0x308: {  	[tilespmem:s25+$0x10010] =	vst v1;
	v1 =	vmul.f32 v3, v24  }
0x309: {  	[tilespmem:s25+$0x10020] =	vst v2;
	v2 =	vmul.f32 v3, v4  }
0x30a: {  	[tilespmem:s26+$0x10030] =	vst v1;
	v1 =	vmul.f32 v3, v16  }
0x30b: {  	[tilespmem:s26+$0x10000] =	vst v2;
	v2 =	vmul.f32 v3, v30  }
0x30c: {  	[tilespmem:s26+$0x10010] =	vst v1  }
0x30d: {  	s31 =	simm.s32 $0x0;
	[tilespmem:s26+$0x10020] =	vst v2  }
0x30e: {  	[hbm4b:s9+s31] =	stream.linear.scatter [tilespmem:s14], [sflag:$0x3], $0x8000, $0x38;
	v63 =	vld [tilespmem:$0x0]  }
0x30f: {  	_ =	swait.ge [sflag:s15], $0x8000  }
0x310: {  	[sflag:s15] =	ssyncset.done $0x0  }
0x311: {  	[sflag:s15] =	ssyncadd.s32 $0xFFFF8000  }
0x312: {  	_ =	swait.ge [sflag:s18], $0x8000  }
0x313: {  	[sflag:s18] =	ssyncset.done $0x0  }
0x314: {  	s21 =	simm.s32 $0x0;
	[sflag:s18] =	ssyncadd.s32 $0xFFFF8000  }
0x315: {  	v1 =	vld [tilespmem:s21+$0x8010]  }
0x316: {  	v9 =	vld [tilespmem:s21+$0x8030];
	_ =	sdelay $0x1  }
0x317: {  	v3 =	vld [tilespmem:s21+$0x8020];
	_ =	sdelay $0x1  }
0x318: {  	v2 =	vld [tilespmem:s21+$0x8000];
	(xrf1) =	vsort.ascd.msk.f32 $0xffff, v1, v1  }
0x319: {  	(xrf1) =	vsort.ascd.msk.f32 $0xffff, v9, v9;
	_ =	sdelay $0x1  }
0x31a: {  	(xrf1) =	vsort.ascd.msk.f32 $0xffff, v3, v3;
	_ =	sdelay $0x1  }
0x31b: {  	(xrf1) =	vsort.ascd.msk.f32 $0xffff, v2, v2;
	_ =	sdelay $0x6  }
0x31c: {  	s20 =	simm.s32 $0x80  }
0x31d: {  	v18 =	vld [tilespmem:s20+$0x8010]  }
0x31e: {  	v4, _, _ =	vpop (xrf1)  }
0x31f: {  	v23 =	vld [tilespmem:s20+$0x8030];
	v5, _, _ =	vpop (xrf1)  }
0x320: {  	v5 =	vperm.xlane v5, v0  }
0x321: {  	v6, _, _ =	vpop (xrf1)  }
0x322: {  	(xrf1) =	vsort.ascd.msk.f32 $0xffff, v18, v18;
	v4 =	vperm.xlane v4, v0;
	v7 =	vmin.f32 v6, v5  }
0x323: {  	v20 =	vld [tilespmem:s20+$0x8020];
	v8, _, _ =	vpop (xrf1);
	(xrf1) =	vsort.ascd.msk.f32 $0xffff, v7, v7  }
0x324: {  	v7 =	vmin.f32 v8, v4;
	(xrf1) =	vsort.ascd.msk.f32 $0xffff, v23, v23  }
0x325: {  	v19 =	vld [tilespmem:s20+$0x8000];
	(xrf1) =	vsort.ascd.msk.f32 $0xffff, v7, v7;
	_ =	sdelay $0x2  }
0x326: {  	(xrf1) =	vsort.ascd.msk.f32 $0xffff, v20, v20;
	_ =	sdelay $0x1  }
0x327: {  	(xrf1) =	vsort.ascd.msk.f32 $0xffff, v19, v19;
	_ =	sdelay $0x5  }
0x328: {  	v7, _, _ =	vpop (xrf1)  }
0x329: {  	s22 =	simm.s32 $0x100;
	v10, _, _ =	vpop (xrf1)  }
0x32a: {  	v12 =	vld [tilespmem:s22+$0x8010];
	v4 =	vmax.f32 v8, v4;
	v11, _, _ =	vpop (xrf1);
	v8 =	vperm.xlane v10, v0  }
0x32b: {  	(xrf1) =	vsort.ascd.msk.f32 $0xffff, v4, v4;
	v10, _, _ =	vpop (xrf1)  }
0x32c: {  	v13 =	vld [tilespmem:s22+$0x8030];
	v4 =	vmax.f32 v10, v8  }
0x32d: {  	v11 =	vperm.xlane v11, v0;
	(xrf1) =	vsort.ascd.msk.f32 $0xffff, v4, v4  }
0x32e: {  	v8, _, _ =	vpop (xrf1)  }
0x32f: {  	v17 =	vld [tilespmem:s22+$0x8020];
	v4 =	vperm.xlane v7, v0;
	(xrf1) =	vsort.ascd.msk.f32 $0xffff, v12, v12;
	v7 =	vmin.f32 v8, v11  }
0x330: {  	v10, _, _ =	vpop (xrf1);
	(xrf1) =	vsort.ascd.msk.f32 $0xffff, v7, v7  }
0x331: {  	v7 =	vmin.f32 v10, v4;
	(xrf1) =	vsort.ascd.msk.f32 $0xffff, v13, v13  }
0x332: {  	v22 =	vld [tilespmem:s22+$0x8000];
	(xrf1) =	vsort.ascd.msk.f32 $0xffff, v7, v7;
	_ =	sdelay $0x1  }
0x333: {  	(xrf1) =	vsort.ascd.msk.f32 $0xffff, v17, v17;
	_ =	sdelay $0x2  }
0x334: {  	(xrf1) =	vsort.ascd.msk.f32 $0xffff, v22, v22  }
0x335: {  	v5 =	vmax.f32 v6, v5  }
0x336: {  	v7, _, _ =	vpop (xrf1)  }
0x337: {  	v6 =	vperm.xlane v7, v0  }
0x338: {  	(xrf1) =	vsort.ascd.msk.f32 $0xffff, v5, v5;
	v5, _, _ =	vpop (xrf1)  }
0x339: {  	v6 =	vmin.f32 v5, v6  }
0x33a: {  	s23 =	simm.s32 $0x180;
	v14, _, _ =	vpop (xrf1)  }
0x33b: {  	v5 =	vld [tilespmem:s23+$0x8010];
	v7, _, _ =	vpop (xrf1)  }
0x33c: {  	v10 =	vmax.f32 v10, v4;
	(xrf1) =	vsort.ascd.msk.f32 $0xffff, v6, v6;
	v6, _, _ =	vpop (xrf1);
	v7 =	vperm.xlane v7, v0  }
0x33d: {  	(xrf1) =	vsort.ascd.msk.f32 $0xffff, v10, v10;
	v15, _, _ =	vpop (xrf1)  }
0x33e: {  	v4 =	vld [tilespmem:s23+$0x8030];
	v16 =	vperm.xlane v6, v0;
	v6 =	vmax.f32 v15, v7  }
0x33f: {  	v15, _, _ =	vpop (xrf1);
	(xrf1) =	vsort.ascd.msk.f32 $0xffff, v6, v6  }
0x340: {  	v10 =	vmin.f32 v15, v16;
	(xrf1) =	vsort.ascd.msk.f32 $0xffff, v5, v5  }
0x341: {  	v7 =	vld [tilespmem:s23+$0x8020];
	v6 =	vperm.xlane v14, v0;
	(xrf1) =	vsort.ascd.msk.f32 $0xffff, v10, v10  }
0x342: {  	v14, _, _ =	vpop (xrf1)  }
0x343: {  	v10 =	vld [tilespmem:s23+$0x8000];
	v21 =	vmin.f32 v14, v6;
	(xrf1) =	vsort.ascd.msk.f32 $0xffff, v4, v4  }
0x344: {  	(xrf1) =	vsort.ascd.msk.f32 $0xffff, v21, v21;
	_ =	sdelay $0x1  }
0x345: {  	(xrf1) =	vsort.ascd.msk.f32 $0xffff, v7, v7;
	_ =	sdelay $0x1  }
0x346: {  	v21, _, _ =	vpop (xrf1);
	(xrf1) =	vsort.ascd.msk.f32 $0xffff, v10, v10  }
0x347: {  	v21 =	vperm.xlane v21, v0  }
0x348: {  	v8 =	vmax.f32 v8, v11;
	v24, _, _ =	vpop (xrf1)  }
0x349: {  	v21 =	vmin.f32 v24, v21;
	v24, _, _ =	vpop (xrf1)  }
0x34a: {  	(xrf1) =	vsort.ascd.msk.f32 $0xffff, v21, v21;
	v11 =	vperm.xlane v24, v0  }
0x34b: {  	(xrf1) =	vsort.ascd.msk.f32 $0xffff, v8, v8;
	v8, _, _ =	vpop (xrf1)  }
0x34c: {  	v24 =	vmul.f32 $1.442695020e+00, v2;
	v21, _, _ =	vpop (xrf1);
	v11 =	vmin.f32 v8, v11  }
0x34d: {  	s24 =	simm.s32 $0x200;
	v25, _, _ =	vpop (xrf1)  }
0x34e: {  	v8 =	vld [tilespmem:s24+$0x8010];
	(xrf1) =	vsort.ascd.msk.f32 $0xffff, v11, v11;
	v25 =	vperm.xlane v25, v0  }
0x34f: {  	v14 =	vmax.f32 v14, v6;
	v11, _, _ =	vpop (xrf1)  }
0x350: {  	(erf) = vpow2.f32 v24;
	(xrf1) =	vsort.ascd.msk.f32 $0xffff, v14, v14;
	v14 =	vmul.f32 $1.442695020e+00, v1;
	v24, _, _ =	vpop (xrf1)  }
0x351: {  	v6 =	vld [tilespmem:s24+$0x8030];
	v26 =	vperm.xlane v11, v0;
	v11 =	vmax.f32 v24, v25  }
0x352: {  	(erf) = vpow2.f32 v14;
	v24 =	vmul.f32 $1.442695020e+00, v3;
	v25, _, _ =	vpop (xrf1);
	(xrf1) =	vsort.ascd.msk.f32 $0xffff, v11, v11  }
0x353: {  	v21 =	vperm.xlane v21, v0;
	(xrf1) =	vsort.ascd.msk.f32 $0xffff, v8, v8;
	v14 =	vmin.f32 v25, v26  }
0x354: {  	v28 =	vmul.f32 $1.442695020e+00, v9;
	v11 =	vld [tilespmem:s24+$0x8020];
	v27, _, _ =	vpop (xrf1);
	(erf) = vpow2.f32 v24;
	(xrf1) =	vsort.ascd.msk.f32 $0xffff, v14, v14  }
0x355: {  	v24 =	vmin.f32 v27, v21  }
0x356: {  	(erf) = vpow2.f32 v28;
	(xrf1) =	vsort.ascd.msk.f32 $0xffff, v6, v6  }
0x357: {  	(xrf1) =	vsort.ascd.msk.f32 $0xffff, v24, v24  }
0x358: {  	v14 =	vld [tilespmem:s24+$0x8000];
	v24, _, _ =	vpop (xrf1)  }
0x359: {  	v28 =	vpop (erf);
	(xrf1) =	vsort.ascd.msk.f32 $0xffff, v11, v11;
	v24 =	vbroadcast v24, $0x4  }
0x35a: {  	v29, _, _ =	vpop (xrf1)  }
0x35b: {  	vm9 =	vge.f32 v1, v24;
	v1 =	vpop (erf)  }
0x35c: {  	v15 =	vmax.f32 v15, v16;
	v29 =	vperm.xlane v29, v0;
	vm8 =	vge.f32 v2, v24;
	v30, _, _ =	vpop (xrf1)  }
0x35d: {  	(xrf1) =	vsort.ascd.msk.f32 $0xffff, v14, v14;
	vm10 =	vge.f32 v3, v24;
	v2 =	vnsel vm8, $0x0, v28;
	v1 =	vnsel vm9, $0x0, v1;
	v3 =	vpop (erf)  }
0x35e: {  	v28 =	vmin.f32 v30, v29;
	v29 =	vadd.f32 v1, v2;
	v16, _, _ =	vpop (xrf1)  }
0x35f: {  	vm11 =	vge.f32 v9, v24;
	(xrf1) =	vsort.ascd.msk.f32 $0xffff, v28, v28;
	v3 =	vnsel vm10, $0x0, v3;
	v16 =	vperm.xlane v16, v0;
	v24 =	vpop (erf)  }
0x360: {  	v9 =	vadd.f32 v29, v3;
	(xrf1) =	vsort.ascd.msk.f32 $0xffff, v15, v15;
	v15, _, _ =	vpop (xrf1)  }
0x361: {  	v29 =	vmul.f32 $1.442695020e+00, v19;
	v28 =	vnsel vm11, $0x0, v24;
	v24, _, _ =	vpop (xrf1);
	v16 =	vmin.f32 v15, v16  }
0x362: {  	s25 =	simm.s32 $0x280;
	v30, _, _ =	vpop (xrf1)  }
0x363: {  	v9 =	vadd.f32 v9, v28;
	(erf) = vpow2.f32 v29;
	v15 =	vld [tilespmem:s25+$0x8010];
	v29 =	vperm.xlane v30, v0  }
0x364: {  	(xrf1) =	vsort.ascd.msk.f32 $0xffff, v16, v16;
	v16, _, _ =	vpop (xrf1)  }
0x365: {  	v21 =	vmax.f32 v27, v21;
	(xrf2) =	vadd.scan.msk.f32 $0xffff, v9;
	v30, _, _ =	vpop (xrf1)  }
0x366: {  	(xrf1) =	vsort.ascd.msk.f32 $0xffff, v21, v21;
	v27 =	vperm.xlane v16, v0;
	v16 =	vmax.f32 v30, v29  }
0x367: {  	v9 =	vld [tilespmem:s25+$0x8030];
	v21 =	vmul.f32 $1.442695020e+00, v18;
	v29, _, _ =	vpop (xrf1);
	(xrf1) =	vsort.ascd.msk.f32 $0xffff, v16, v16  }
0x368: {  	v30 =	vmul.f32 $1.442695020e+00, v20;
	(xrf1) =	vsort.ascd.msk.f32 $0xffff, v15, v15;
	v16 =	vmin.f32 v29, v27  }
0x369: {  	(erf) = vpow2.f32 v21;
	(xrf1) =	vsort.ascd.msk.f32 $0xffff, v16, v16;
	v16 =	vmul.f32 $1.442695020e+00, v23  }
0x36a: {  	v24 =	vperm.xlane v24, v0;
	(erf) = vpow2.f32 v30  }
0x36b: {  	v31, _, _ =	vpop (xrf1);
	(erf) = vpow2.f32 v16;
	v16 =	vld [tilespmem:s25+$0x8020]  }
0x36c: {  	v21 =	vmin.f32 v31, v24;
	(xrf1) =	vsort.ascd.msk.f32 $0xffff, v9, v9  }
0x36d: {  	(xrf1) =	vsort.ascd.msk.f32 $0xffff, v21, v21;
	v21 =	vld [tilespmem:s25+$0x8000]  }
0x36e: {  	v55, _, _ =	vpop (xrf1)  }
0x36f: {  	v56, _, _ =	vpop (xrf2)  }
0x370: {  	v32 =	vbroadcast v55, $0x4;
	v57, _, _ =	vpop (xrf1);
	(xrf1) =	vsort.ascd.msk.f32 $0xffff, v16, v16  }
0x371: {  	v30 =	vpop (erf);
	v34 =	vperm.xlane v57, v0;
	v33 =	vbroadcast v56, $0xF  }
0x372: {  	vm12 =	vge.f32 v19, v32;
	vm13 =	vge.f32 v18, v32;
	v18 =	vpop (erf);
	(xrf1) =	vsort.ascd.msk.f32 $0xffff, v21, v21  }
0x373: {  	v19 =	vnsel vm12, $0x0, v30;
	v18 =	vnsel vm13, $0x0, v18;
	(erf) = vrcp.f32 v33;
	v58, _, _ =	vpop (xrf1)  }
0x374: {  	vm14 =	vge.f32 v20, v32;
	v30 =	vadd.f32 v18, v19;
	v20 =	vpop (erf)  }
0x375: {  	vm15 =	vge.f32 v23, v32;
	v34 =	vmin.f32 v58, v34;
	v59, _, _ =	vpop (xrf1);
	v20 =	vnsel vm14, $0x0, v20  }
0x376: {  	v35 =	vperm.xlane v59, v0;
	(xrf1) =	vsort.ascd.msk.f32 $0xffff, v34, v34;
	v60 =	vadd.f32 v30, v20;
	v23 =	vpop (erf)  }
0x377: {  	v25 =	vmax.f32 v25, v26;
	v26, _, _ =	vpop (xrf1);
	v23 =	vnsel vm15, $0x0, v23  }
0x378: {  	v61 =	vmul.f32 $1.442695020e+00, v22;
	(xrf1) =	vsort.ascd.msk.f32 $0xffff, v25, v25;
	v30, _, _ =	vpop (xrf1);
	v25 =	vmin.f32 v26, v35;
	v26 =	vadd.f32 v60, v23  }
0x379: {  	s26 =	simm.s32 $0x300;
	v62, _, _ =	vpop (xrf1);
	(xrf1) =	vsort.ascd.msk.f32 $0xffff, v25, v25  }
0x37a: {  	v31 =	vmax.f32 v31, v24;
	(erf) = vpow2.f32 v61;
	v25 =	vld [tilespmem:s26+$0x8010];
	v32, _, _ =	vpop (xrf1);
	(xrf2) =	vadd.scan.msk.f32 $0xffff, v26;
	v33 =	vperm.xlane v62, v0  }
0x37b: {  	s28 =	simm.s32 $0xE00;
	v24 =	vld [tilespmem:s26+$0x8030];
	(xrf1) =	vsort.ascd.msk.f32 $0xffff, v31, v31;
	v31 =	vmul.f32 $1.442695020e+00, v12;
	v34, _, _ =	vpop (xrf1)  }
.LBB2_8:
0x37c: {  	v26 =	vperm.xlane v32, v0;
	v32 =	vmax.f32 v34, v33;
	v33 =	vmul.f32 $1.442695020e+00, v17;
	v34 =	vpop (erf)  }
0x37d: {  	p0 =	sne.s32 s28, $0x1FE00;
	v35 =	vmovc v14;
	v14 =	vmovc v21;
	v36 =	vmov v12;
	v12 =	vmov v5;
	v5 =	vmov v8  }
0x37e: {  	v37, _, _ =	vpop (xrf1);
	(xrf1) =	vsort.ascd.msk.f32 $0xffff, v32, v32;
	(erf) = vpow2.f32 v31;
	v21 =	vmul.f32 v34, v28;
	v28 =	vmov v23  }
0x37f: {  	v38 =	vperm.xlane v30, v0;
	v8 =	vmovc v15;
	v31 =	vld [tilespmem:s26+$0x8020];
	(xrf1) =	vsort.ascd.msk.f32 $0xffff, v25, v25;
	v23 =	vmin.f32 v37, v26  }
0x380: {  	v32 =	vmul.f32 $1.442695020e+00, v13;
	v39, _, _ =	vpop (xrf1);
	(xrf1) =	vsort.ascd.msk.f32 $0xffff, v23, v23;
	(erf) = vpow2.f32 v33;
	[tilespmem:s21+$0x18030] =	vst v21  }
0x381: {  	v30 =	vmul.f32 v34, v2;
	v2 =	vmovc v19;
	v21 =	vld [tilespmem:s26+$0x8000];
	(xrf1) =	vsort.ascd.msk.f32 $0xffff, v24, v24;
	v23 =	vmin.f32 v39, v38  }
0x382: {  	v15 =	vmovc v25;
	(xrf1) =	vsort.ascd.msk.f32 $0xffff, v23, v23;
	(erf) = vpow2.f32 v32;
	v32 =	vmul.f32 v34, v1;
	v1 =	vmov v18  }
0x383: {  	v25 =	vmov v13;
	v23 =	vmul.f32 v34, v3;
	v3 =	vmov v20;
	v18 =	vpop (erf);
	[tilespmem:s21+$0x18000] =	vst v30  }
0x384: {  	v13 =	vmov v4;
	v4 =	vmov v6;
	(xrf1) =	vsort.ascd.msk.f32 $0xffff, v31, v31;
	v20, _, _ =	vpop (xrf1);
	[tilespmem:s21+$0x18010] =	vst v32  }
0x385: {  	v6 =	vmov v9;
	v9 =	vmov v24;
	v30 =	vbroadcast v20, $0x4;
	v19, _, _ =	vpop (xrf2);
	[tilespmem:s21+$0x18020] =	vst v23;
	s21 =	smov.u32 s20;
	s20 =	smov.u32 s22;
	s22 =	smov.u32 s23  }
0x386: {  	s23 =	smov.u32 s24;
	s24 =	smov.u32 s25;
	s25 =	smov.u32 s26;
	(xrf1) =	vsort.ascd.msk.f32 $0xffff, v21, v21;
	v20, _, _ =	vpop (xrf1);
	v23 =	vbroadcast v19, $0xF  }
0x387: {  	v20 =	vperm.xlane v20, v0;
	vm0 =	vge.f32 v22, v30;
	vm1 =	vge.f32 v36, v30;
	v22 =	vpop (erf)  }
0x388: {  	v24, _, _ =	vpop (xrf1);
	v19 =	vnsel vm0, $0x0, v18;
	v18 =	vnsel vm1, $0x0, v22;
	(erf) = vrcp.f32 v23  }
0x389: {  	vm0 =	vge.f32 v17, v30;
	v20 =	vmin.f32 v24, v20;
	v17 =	vadd.f32 v18, v19;
	v22 =	vpop (erf)  }
0x38a: {  	v23 =	vmax.f32 v29, v27;
	v27 =	vmov v26;
	v24, _, _ =	vpop (xrf1);
	(xrf1) =	vsort.ascd.msk.f32 $0xffff, v20, v20;
	v20 =	vnsel vm0, $0x0, v22  }
0x38b: {  	vm0 =	vge.f32 v25, v30;
	v22 =	vperm.xlane v24, v0;
	v32 =	vadd.f32 v17, v20;
	v24 =	vpop (erf)  }
.Ltmp3:
0x38c: {  	v26 =	vmul.f32 $1.442695020e+00, v10;
	v29 =	vmov v37;
	(xrf1) =	vsort.ascd.msk.f32 $0xffff, v23, v23;
	v25, _, _ =	vpop (xrf1);
	v23 =	vnsel vm0, $0x0, v24;
	(pc) =	sbr.rel @p0 .LBB2_8-.Ltmp3, $4  }
0x38d: {  	s26 =	sshra.s32 s28, $0x2;
	v30, _, _ =	vpop (xrf1);
	v22 =	vmin.f32 v25, v22;
	v24 =	vadd.f32 v32, v23;
	v17 =	vmov v7  }
0x38e: {  	v7 =	vmov v11;
	v11 =	vmov v16;
	v25 =	vld [tilespmem:s26+$0x8010];
	v33, _, _ =	vpop (xrf1);
	(xrf1) =	vsort.ascd.msk.f32 $0xffff, v22, v22;
	(erf) = vpow2.f32 v26  }
0x38f: {  	v16 =	vmov v31;
	v26 =	vmax.f32 v39, v38;
	v32, _, _ =	vpop (xrf1);
	v33 =	vperm.xlane v33, v0;
	(xrf2) =	vadd.scan.msk.f32 $0xffff, v24  }
0x390: {  	s28 =	sadd.s32 $0x200, s28;
	v31 =	vmul.f32 $1.442695020e+00, v12;
	v24 =	vld [tilespmem:s26+$0x8030];
	v34, _, _ =	vpop (xrf1);
	(xrf1) =	vsort.ascd.msk.f32 $0xffff, v26, v26;
	v22 =	vmov v10;
	v10 =	vmov v35  }
0x391: {  	v26 =	vpop (erf)  }
0x392: {  	v32 =	vperm.xlane v32, v0;
	v33 =	vmax.f32 v34, v33;
	v41 =	vmul.f32 v26, v28  }
0x393: {  	v35, _, _ =	vpop (xrf1);
	(xrf1) =	vsort.ascd.msk.f32 $0xffff, v33, v33;
	v28 =	vld [tilespmem:s26+$0x8020]  }
0x394: {  	v42 =	vperm.xlane v30, v0;
	(xrf1) =	vsort.ascd.msk.f32 $0xffff, v25, v25;
	v43 =	vmin.f32 v35, v32;
	[tilespmem:s21+$0x18030] =	vst v41  }
0x395: {  	v44, _, _ =	vpop (xrf1);
	(xrf1) =	vsort.ascd.msk.f32 $0xffff, v43, v43;
	v30 =	vld [tilespmem:s26+$0x8000]  }
0x396: {  	(xrf1) =	vsort.ascd.msk.f32 $0xffff, v24, v24;
	v36 =	vmin.f32 v44, v42  }
0x397: {  	(xrf1) =	vsort.ascd.msk.f32 $0xffff, v36, v36  }
0x398: {  	(xrf1) =	vsort.ascd.msk.f32 $0xffff, v28, v28;
	_ =	sdelay $0x1  }
0x399: {  	(xrf1) =	vsort.ascd.msk.f32 $0xffff, v30, v30;
	_ =	sdelay $0x1  }
0x39a: {  	v45, _, _ =	vpop (xrf1)  }
0x39b: {  	v37, _, _ =	vpop (xrf1)  }
0x39c: {  	v37 =	vperm.xlane v37, v0  }
0x39d: {  	v38, _, _ =	vpop (xrf1)  }
0x39e: {  	v37 =	vmin.f32 v38, v37;
	v46, _, _ =	vpop (xrf1)  }
0x39f: {  	v27 =	vmax.f32 v29, v27;
	(xrf1) =	vsort.ascd.msk.f32 $0xffff, v37, v37;
	v47 =	vperm.xlane v46, v0;
	v48, _, _ =	vpop (xrf1)  }
0x3a0: {  	v49 =	vmul.f32 $1.442695020e+00, v17;
	(erf) = vpow2.f32 v31;
	(xrf1) =	vsort.ascd.msk.f32 $0xffff, v27, v27;
	v50, _, _ =	vpop (xrf1)  }
0x3a1: {  	v51 =	vmul.f32 $1.442695020e+00, v13;
	v33 =	vmax.f32 v44, v42;
	v29 =	vmin.f32 v48, v47;
	v52, _, _ =	vpop (xrf1)  }
0x3a2: {  	(erf) = vpow2.f32 v49;
	(xrf1) =	vsort.ascd.msk.f32 $0xffff, v29, v29;
	v53, _, _ =	vpop (xrf1);
	v54 =	vperm.xlane v52, v0  }
0x3a3: {  	(erf) = vpow2.f32 v51;
	(xrf1) =	vsort.ascd.msk.f32 $0xffff, v33, v33;
	v55, _, _ =	vpop (xrf1);
	v29 =	vperm.xlane v53, v0  }
0x3a4: {  	v31 =	vmax.f32 v55, v54;
	v33, _, _ =	vpop (xrf1)  }
0x3a5: {  	v27 =	vperm.xlane v50, v0;
	(xrf1) =	vsort.ascd.msk.f32 $0xffff, v31, v31;
	v56 =	vmin.f32 v33, v29  }
0x3a6: {  	(xrf1) =	vsort.ascd.msk.f32 $0xffff, v56, v56;
	v57, _, _ =	vpop (xrf1)  }
0x3a7: {  	v58 =	vbroadcast v45, $0x4;
	v59 =	vmin.f32 v57, v27  }
0x3a8: {  	v60 =	vpop (erf);
	(xrf1) =	vsort.ascd.msk.f32 $0xffff, v59, v59  }
0x3a9: {  	vm0 =	vge.f32 v22, v58;
	vm1 =	vge.f32 v12, v58;
	v61 =	vpop (erf)  }
0x3aa: {  	v22 =	vnsel vm0, $0x0, v60;
	v12 =	vnsel vm1, $0x0, v61  }
0x3ab: {  	vm11 =	vge.f32 v17, v58;
	v40 =	vpop (erf);
	v62 =	vadd.f32 v12, v22  }
0x3ac: {  	v17 =	vnsel vm11, $0x0, v40;
	v41 =	vpop (erf)  }
0x3ad: {  	vm12 =	vge.f32 v13, v58;
	v42 =	vadd.f32 v62, v17;
	v43, _, _ =	vpop (xrf1)  }
0x3ae: {  	v13 =	vnsel vm12, $0x0, v41;
	v44, _, _ =	vpop (xrf1)  }
0x3af: {  	v45, _, _ =	vpop (xrf2);
	v31 =	vadd.f32 v42, v13;
	v37 =	vperm.xlane v44, v0  }
0x3b0: {  	v39, _, _ =	vpop (xrf1)  }
0x3b1: {  	(xrf2) =	vadd.scan.msk.f32 $0xffff, v31;
	v46 =	vmin.f32 v39, v37;
	v47, _, _ =	vpop (xrf1)  }
0x3b2: {  	v32 =	vmax.f32 v35, v32;
	v48 =	vbroadcast v45, $0xF;
	(xrf1) =	vsort.ascd.msk.f32 $0xffff, v46, v46;
	v49 =	vperm.xlane v47, v0  }
0x3b3: {  	v50 =	vmul.f32 $1.442695020e+00, v10;
	(xrf1) =	vsort.ascd.msk.f32 $0xffff, v32, v32;
	v51, _, _ =	vpop (xrf1)  }
0x3b4: {  	(erf) = vrcp.f32 v48;
	v52 =	vmul.f32 $1.442695020e+00, v5;
	v31 =	vmin.f32 v51, v49;
	v53, _, _ =	vpop (xrf1)  }
0x3b5: {  	(erf) = vpow2.f32 v50;
	v27 =	vmax.f32 v57, v27;
	(xrf1) =	vsort.ascd.msk.f32 $0xffff, v31, v31;
	v54 =	vperm.xlane v53, v0  }
0x3b6: {  	(erf) = vpow2.f32 v52;
	(xrf1) =	vsort.ascd.msk.f32 $0xffff, v27, v27;
	v55, _, _ =	vpop (xrf1)  }
0x3b7: {  	v56 =	vmul.f32 $1.442695020e+00, v7;
	v31 =	vmax.f32 v55, v54  }
0x3b8: {  	(xrf1) =	vsort.ascd.msk.f32 $0xffff, v31, v31  }
0x3b9: {  	(erf) = vpow2.f32 v56  }
0x3ba: {  	v57 =	vmul.f32 $1.442695020e+00, v4  }
0x3bb: {  	v58, _, _ =	vpop (xrf2)  }
0x3bc: {  	(erf) = vpow2.f32 v57;
	v31 =	vbroadcast v58, $0xF  }
0x3bd: {  	v60 =	vmul.f32 $1.442695020e+00, v14;
	v27 =	vpop (erf)  }
0x3be: {  	v62 =	vmul.f32 $1.442695020e+00, v8;
	v61 =	vpop (erf);
	(erf) = vrcp.f32 v31  }
0x3bf: {  	v41 =	vmul.f32 $1.442695020e+00, v11;
	v40 =	vpop (erf);
	(erf) = vpow2.f32 v60  }
0x3c0: {  	v59 =	vbroadcast v43, $0x4;
	(erf) = vpow2.f32 v62;
	v42, _, _ =	vpop (xrf1)  }
0x3c1: {  	v45 =	vmul.f32 $1.442695020e+00, v6;
	v29 =	vmax.f32 v33, v29;
	v43, _, _ =	vpop (xrf1)  }
0x3c2: {  	vm13 =	vge.f32 v10, v59;
	v44 =	vpop (erf);
	(erf) = vpow2.f32 v41;
	v46 =	vperm.xlane v43, v0  }
0x3c3: {  	vm14 =	vge.f32 v5, v59;
	vm15 =	vge.f32 v7, v59;
	v10 =	vnsel vm13, $0x0, v61;
	v47, _, _ =	vpop (xrf1)  }
0x3c4: {  	v5 =	vnsel vm14, $0x0, v40;
	(erf) = vpow2.f32 v45;
	v7 =	vmin.f32 v47, v46;
	v48, _, _ =	vpop (xrf1)  }
0x3c5: {  	v35 =	vadd.f32 v5, v10;
	v49 =	vpop (erf);
	(xrf1) =	vsort.ascd.msk.f32 $0xffff, v7, v7;
	v50 =	vperm.xlane v48, v0  }
0x3c6: {  	vm4 =	vge.f32 v4, v59;
	v34 =	vnsel vm15, $0x0, v44;
	(xrf1) =	vsort.ascd.msk.f32 $0xffff, v29, v29;
	v51, _, _ =	vpop (xrf1)  }
0x3c7: {  	v52 =	vadd.f32 v35, v34;
	v31 =	vbroadcast v42, $0x4;
	v32 =	vpop (erf);
	v4 =	vmin.f32 v51, v50  }
0x3c8: {  	v7 =	vnsel vm4, $0x0, v49;
	v53 =	vpop (erf);
	(xrf1) =	vsort.ascd.msk.f32 $0xffff, v4, v4  }
0x3c9: {  	vm5 =	vge.f32 v14, v31;
	vm6 =	vge.f32 v8, v31;
	v54 =	vadd.f32 v52, v7;
	v55 =	vpop (erf)  }
0x3ca: {  	v14 =	vnsel vm5, $0x0, v53;
	v8 =	vnsel vm6, $0x0, v55  }
0x3cb: {  	vm7 =	vge.f32 v11, v31;
	v57 =	vpop (erf);
	(xrf2) =	vadd.scan.msk.f32 $0xffff, v54;
	v56 =	vadd.f32 v8, v14  }
0x3cc: {  	v11 =	vnsel vm7, $0x0, v57  }
0x3cd: {  	vm8 =	vge.f32 v6, v31;
	v58 =	vpop (erf);
	v4 =	vadd.f32 v56, v11  }
0x3ce: {  	v6 =	vnsel vm8, $0x0, v58  }
0x3cf: {  	v4 =	vadd.f32 v4, v6;
	_ =	sdelay $0x1  }
0x3d0: {  	(xrf2) =	vadd.scan.msk.f32 $0xffff, v4;
	_ =	sdelay $0x1  }
0x3d1: {  	v59, _, _ =	vpop (xrf1)  }
0x3d2: {  	v60, _, _ =	vpop (xrf1)  }
0x3d3: {  	v61, _, _ =	vpop (xrf2);
	v29 =	vperm.xlane v60, v0  }
0x3d4: {  	v31 =	vbroadcast v61, $0xF;
	v62, _, _ =	vpop (xrf1)  }
0x3d5: {  	v36 =	vmul.f32 $1.442695020e+00, v21;
	v29 =	vmin.f32 v62, v29  }
0x3d6: {  	v37 =	vmul.f32 $1.442695020e+00, v15;
	(erf) = vrcp.f32 v31;
	(xrf1) =	vsort.ascd.msk.f32 $0xffff, v29, v29  }
0x3d7: {  	v38 =	vmul.f32 $1.442695020e+00, v16;
	(erf) = vpow2.f32 v36  }
0x3d8: {  	v39 =	vmul.f32 $1.442695020e+00, v9;
	(erf) = vpow2.f32 v37  }
0x3d9: {  	(erf) = vpow2.f32 v38;
	v40, _, _ =	vpop (xrf2)  }
0x3da: {  	(erf) = vpow2.f32 v39;
	v29 =	vbroadcast v40, $0xF  }
0x3db: {  	v41 =	vmul.f32 $1.442695020e+00, v30  }
0x3dc: {  	v42 =	vmul.f32 $1.442695020e+00, v25;
	(erf) = vrcp.f32 v29  }
0x3dd: {  	(erf) = vpow2.f32 v41  }
0x3de: {  	v43 =	vmul.f32 $1.442695020e+00, v28;
	(erf) = vpow2.f32 v42  }
0x3df: {  	v46 =	vmul.f32 $1.442695020e+00, v24;
	v44 =	vpop (erf)  }
0x3e0: {  	v4 =	vbroadcast v59, $0x4;
	(erf) = vpow2.f32 v43;
	v45 =	vpop (erf)  }
0x3e1: {  	v47 =	vpop (erf)  }
0x3e2: {  	vm9 =	vge.f32 v21, v4;
	vm10 =	vge.f32 v15, v4;
	(erf) = vpow2.f32 v46;
	v48 =	vpop (erf)  }
0x3e3: {  	v50 =	vnsel vm9, $0x0, v45;
	v51 =	vnsel vm10, $0x0, v47;
	v49 =	vpop (erf)  }
0x3e4: {  	vm11 =	vge.f32 v16, v4;
	v54 =	vadd.f32 v51, v50;
	v52, _, _ =	vpop (xrf1)  }
0x3e5: {  	v36 =	vnsel vm11, $0x0, v48;
	v53 =	vpop (erf);
	v31 =	vbroadcast v52, $0x4  }
0x3e6: {  	vm12 =	vge.f32 v9, v4;
	v56 =	vadd.f32 v54, v36;
	v55 =	vpop (erf)  }
0x3e7: {  	v58 =	vnsel vm12, $0x0, v49;
	v57 =	vpop (erf);
	vm13 =	vge.f32 v30, v31;
	vm2 =	vge.f32 v25, v31  }
0x3e8: {  	v9 =	vadd.f32 v56, v58;
	v4 =	vnsel vm13, $0x0, v55;
	v16 =	vnsel vm2, $0x0, v57  }
0x3e9: {  	v60 =	vpop (erf);
	vm14 =	vge.f32 v28, v31;
	v59 =	vadd.f32 v16, v4  }
0x3ea: {  	(xrf2) =	vadd.scan.msk.f32 $0xffff, v9;
	v30 =	vnsel vm14, $0x0, v60  }
0x3eb: {  	v62 =	vpop (erf);
	vm15 =	vge.f32 v24, v31;
	v61 =	vadd.f32 v59, v30  }
0x3ec: {  	v24 =	vnsel vm15, $0x0, v62  }
0x3ed: {  	v9 =	vadd.f32 v61, v24;
	_ =	sdelay $0x1  }
0x3ee: {  	v2 =	vmul.f32 v26, v2;
	(xrf2) =	vadd.scan.msk.f32 $0xffff, v9  }
0x3ef: {  	v1 =	vmul.f32 v26, v1  }
0x3f0: {  	[tilespmem:s21+$0x18000] =	vst v2;
	v2 =	vmul.f32 v26, v3  }
0x3f1: {  	[tilespmem:s21+$0x18010] =	vst v1;
	v1 =	vmul.f32 v27, v23  }
0x3f2: {  	[tilespmem:s21+$0x18020] =	vst v2;
	v2 =	vmul.f32 v27, v19  }
0x3f3: {  	[tilespmem:s20+$0x18030] =	vst v1;
	v1 =	vmul.f32 v27, v18;
	v3, _, _ =	vpop (xrf2)  }
0x3f4: {  	[tilespmem:s20+$0x18000] =	vst v2;
	v2 =	vmul.f32 v27, v20;
	v3 =	vbroadcast v3, $0xF  }
0x3f5: {  	[tilespmem:s20+$0x18010] =	vst v1;
	v1 =	vmul.f32 v32, v13  }
0x3f6: {  	[tilespmem:s20+$0x18020] =	vst v2;
	v2 =	vmul.f32 v32, v22  }
0x3f7: {  	[tilespmem:s22+$0x18030] =	vst v1;
	v1 =	vmul.f32 v32, v12;
	(erf) = vrcp.f32 v3  }
0x3f8: {  	[tilespmem:s22+$0x18000] =	vst v2;
	v2 =	vmul.f32 v32, v17;
	v3, _, _ =	vpop (xrf2)  }
0x3f9: {  	[tilespmem:s22+$0x18010] =	vst v1;
	v1 =	vmul.f32 v44, v7;
	v3 =	vbroadcast v3, $0xF  }
0x3fa: {  	[tilespmem:s22+$0x18020] =	vst v2;
	v2 =	vmul.f32 v44, v10  }
0x3fb: {  	[tilespmem:s23+$0x18030] =	vst v1;
	v1 =	vmul.f32 v44, v5;
	(erf) = vrcp.f32 v3  }
0x3fc: {  	[tilespmem:s23+$0x18000] =	vst v2;
	v2 =	vmul.f32 v44, v34  }
0x3fd: {  	[tilespmem:s23+$0x18010] =	vst v1;
	v1 =	vmul.f32 v53, v6  }
0x3fe: {  	[tilespmem:s23+$0x18020] =	vst v2;
	v2 =	vmul.f32 v53, v14  }
0x3ff: {  	[tilespmem:s24+$0x18030] =	vst v1;
	v1 =	vmul.f32 v53, v8  }
0x400: {  	[tilespmem:s24+$0x18000] =	vst v2;
	v2 =	vmul.f32 v53, v11;
	v3 =	vpop (erf)  }
0x401: {  	[tilespmem:s24+$0x18010] =	vst v1;
	v1 =	vmul.f32 v3, v58  }
0x402: {  	[tilespmem:s24+$0x18020] =	vst v2;
	v2 =	vmul.f32 v3, v50  }
0x403: {  	[tilespmem:s25+$0x18030] =	vst v1;
	v1 =	vmul.f32 v3, v51  }
0x404: {  	[tilespmem:s25+$0x18000] =	vst v2;
	v2 =	vmul.f32 v3, v36;
	v3 =	vpop (erf)  }
0x405: {  	[tilespmem:s25+$0x18010] =	vst v1;
	v1 =	vmul.f32 v3, v24  }
0x406: {  	[tilespmem:s25+$0x18020] =	vst v2;
	v2 =	vmul.f32 v3, v4  }
0x407: {  	[tilespmem:s26+$0x18030] =	vst v1;
	v1 =	vmul.f32 v3, v16  }
0x408: {  	[tilespmem:s26+$0x18000] =	vst v2;
	v2 =	vmul.f32 v3, v30  }
0x409: {  	[tilespmem:s26+$0x18010] =	vst v1  }
0x40a: {  	s19 =	sadd.s32 $0x1, s19;
	[tilespmem:s26+$0x18020] =	vst v2  }
0x40b: {  	[hbm4b:s10+s1] =	stream.linear.scatter [tilespmem:s16], [sflag:$0x4], $0x8000, $0x38;
	v63 =	vld [tilespmem:$0x0]  }
0x40c: {  	p0 =	sne.s32 s19, s11;
	_ =	swait.ge [sflag:s17], $0x8000  }
.Ltmp4:
0x40d: {  	[sflag:s17] =	ssyncset.done $0x0;
	(pc) =	sbr.rel @p0 .LBB2_1-.Ltmp4, $4  }
0x40e: {  	[sflag:s17] =	ssyncadd.s32 $0xFFFF8000  }
0x40f: {  	_ =	swait.ge [sflag:s18], $0x8000  }
0x410: {  	[sflag:s18] =	ssyncset.done $0x0  }
0x411: {  	[sflag:s18] =	ssyncadd.s32 $0xFFFF8000  }
0x412: {  	_ =	sfence.sel $0x180000  }
0x413: {  	[bflag:$0x0] =	sbarrier.arrive $0xFFFF  }
0x414: {  	p0 =	sne.s32 s2, $0x0;
	_ =	strace $0x90000047  }
0x415: {  	s0 =	sadd.s32 @!p0 $0x100000, s0;
	[bflag:$0x2] =	sbarrier.arrive $0xFFFF  }
0x416: {  	[sflag:s0] =	ssyncadd.tile.s32 @!p0 $0x1;
	_ =	shalt  }
.Lfunc_end2:
_tile_overlayer_lowered:
.L_overlay_start_2:
0x417: {  	(tag) =	ssettag $0x2  }
0x418: {  	s0 =	rddreg [dreg:$0x0];
	s2 =	stileid.u32  }
0x419: {  	s1 =	rddreg [dreg:$0x1];
	p0 =	sne.s32 s2, $0x0  }
0x41a: {  	s3 =	rddreg [dreg:$0x2];
	[bflag:$0x3] =	sbarrier.arrive $0xFFFF;
	s2 =	simm.s32 @!p0 $0x1C05  }
0x41b: {  	[timem:s3], [sflag:s2] =	dma.local @!p0 [hbm:s0], s1  }
0x41c: {  	s0 =	simm.s32 @!p0 $0x5  }
0x41d: {  	_ =	swait.ge @!p0 [sflag:s0], s1  }
0x41e: {  	s1 =	ssub.s32 @!p0 $0x0, s1;
	[sflag:s0] =	ssyncset.done @!p0 $0x0  }
0x41f: {  	[sflag:s0] =	ssyncadd.s32 @!p0 s1  }
0x420: {  	[bflag:$0x3] =	sbarrier.arrive $0xFFFF  }
0x421: {  	_ =	shalt  }

</sc_bundles>
